<compile_context>
chip_gen: v7x
topology: tpu7x:2x2x1
jax: 0.10.2.dev20260603
libtpu: 0.0.44.dev20260713+nightly
codegen_flags: <defaults>
</compile_context>

<pallas_src>
import functools

import jax
import jax.numpy as jnp
from jax import lax
from jax.experimental import pallas as pl
from jax.experimental.pallas import tpu as pltpu
from jax.experimental.pallas import tpu_sc as plsc

H_DIM = 64
GRID = 8
NS = 2.0
PED = 64
TG = GRID * GRID
POOL_IN = TG * H_DIM
SB = 4
SBP = SB * PED
SPILL_K = 1024
SC_LANES = 16


def _sc_scene_body(ox_ref, oy_ref, axs_ref, ays_ref, gp_ref):
    jiota = lax.broadcasted_iota(jnp.int32, (SC_LANES,), 0)

    @plsc.parallel_loop(0, PED, unroll=4)
    def _(i):
        ax = axs_ref[i, :]
        ay = ays_ref[i, :]
        tlx = ax - NS / 2.0
        tly = ay + NS / 2.0
        brx = ax + NS / 2.0
        bry = ay - NS / 2.0
        for jc in range(PED // SC_LANES):
            ox = ox_ref[0, pl.ds(jc * SC_LANES, SC_LANES)]
            oy = oy_ref[0, pl.ds(jc * SC_LANES, SC_LANES)]
            fx = (ox - tlx) / NS * GRID
            fy = (tly - oy) / NS * GRID
            cx = fx.astype(jnp.int32)
            cy = fy.astype(jnp.int32)
            x_bound = (ox >= brx) | (ox <= tlx)
            y_bound = (oy >= tly) | (oy <= bry)
            eye = (jiota + (jc * SC_LANES)) == i
            within = x_bound | y_bound | eye
            gp_ref[i, pl.ds(jc * SC_LANES, SC_LANES)] = jnp.where(
                within, -1, cx + cy * GRID)


def _sc_binning(oxa, oya, axs, ays):
    num_seqs = oxa.shape[0]
    mesh = plsc.VectorSubcoreMesh(core_axis_name="c", subcore_axis_name="s")

    @pl.kernel(
        out_type=jax.ShapeDtypeStruct((num_seqs * PED, PED), jnp.int32),
        mesh=mesh)
    def sc_kernel(ox_hbm, oy_hbm, axs_hbm, ays_hbm, gp_hbm):
        pltpu.emit_pipeline(
            _sc_scene_body,
            grid=(num_seqs,),
            in_specs=[
                pl.BlockSpec((1, PED), lambda s: (s, 0)),
                pl.BlockSpec((1, PED), lambda s: (s, 0)),
                pl.BlockSpec((PED, SC_LANES), lambda s: (s, 0)),
                pl.BlockSpec((PED, SC_LANES), lambda s: (s, 0)),
            ],
            out_specs=[pl.BlockSpec((PED, PED), lambda s: (s, 0))],
            core_axis_name=("c", "s"),
            dimension_semantics=(pltpu.PARALLEL,),
        )(ox_hbm, oy_hbm, axs_hbm, ays_hbm, gp_hbm)

    return sc_kernel(oxa, oya, axs, ays)


def _scene_kernel(h_ref, gp_ref, w1_ref, kc_ref, y_ref, stats_ref):
    step = pl.program_id(0)

    zb = jax.lax.dot(h_ref[...], w1_ref[...],
                     preferred_element_type=jnp.float32
                     ).astype(jnp.bfloat16)

    gp = gp_ref[...]

    first_row = (lax.broadcasted_iota(jnp.int32, (SBP, PED), 0) % PED) == 0
    shifted = jnp.concatenate(
        [jnp.full((1, PED), -128, jnp.int32), gp[:SBP - 1, :] - 64], axis=0)
    spill = jnp.where(first_row, -128, shifted)

    kc = jnp.broadcast_to(kc_ref[0:1, :], (SBP, TG * PED))
    gpt = jnp.tile(gp, (1, TG))
    spt = jnp.tile(spill, (1, SPILL_K // PED))
    m_main = (gpt == kc).astype(jnp.bfloat16)
    m_low = (m_main[:, :SPILL_K]
             + (spt == kc[:, :SPILL_K]).astype(jnp.bfloat16))

    for s in range(SB):
        zs = zb[s * PED:(s + 1) * PED, :]
        zf = jnp.concatenate(
            [zs[:, c * H_DIM:(c + 1) * H_DIM] for c in range(TG)],
            axis=0)

        y = (jax.lax.dot(m_low[s * PED:(s + 1) * PED, :], zf[:SPILL_K, :],
                         preferred_element_type=jnp.float32)
             + jax.lax.dot(m_main[s * PED:(s + 1) * PED, SPILL_K:],
                           zf[SPILL_K:, :],
                           preferred_element_type=jnp.float32))
        y_ref[s * PED:(s + 1) * PED, :] = y

        @pl.when((step == 0) & (s == 0))
        def _():
            stats_ref[...] = jnp.zeros_like(stats_ref)

        stats_ref[0:1, :] += jnp.sum(y, axis=0, keepdims=True)
        stats_ref[1:2, :] += jnp.sum(y * y, axis=0, keepdims=True)


def _norm_kernel(y_ref, stats_ref, gamma_ref, beta_ref, out_ref, *, n_rows,
                 nch):
    ssum = stats_ref[0:1, :]
    ssq = stats_ref[1:2, :]
    for k in range(1, nch):
        ssum = ssum + stats_ref[8 * k:8 * k + 1, :]
        ssq = ssq + stats_ref[8 * k + 1:8 * k + 2, :]
    mu = ssum * (1.0 / n_rows)
    ex2 = ssq * (1.0 / n_rows)
    var = ex2 - mu * mu
    inv = 1.0 / jnp.sqrt(var + 1e-5)
    y = y_ref[...]
    out = (y - mu) * (inv * gamma_ref[0:1, :]) + beta_ref[0:1, :]
    out_ref[...] = jnp.maximum(out, 0.0)


def kernel(h_states, seq_start_end, end_pos, W1, b1, gamma, beta):
    n = h_states.shape[0]
    num_seqs = seq_start_end.shape[0]
    assert n == num_seqs * PED

    oxa = end_pos[:, 0].reshape(num_seqs, PED)
    oya = end_pos[:, 1].reshape(num_seqs, PED)
    w1p = W1.reshape(TG, H_DIM, H_DIM).transpose(1, 0, 2).reshape(
        H_DIM, POOL_IN).astype(jnp.bfloat16)
    hb = h_states.astype(jnp.bfloat16)
    kc8 = jnp.broadcast_to(
        (jnp.arange(TG * PED, dtype=jnp.int32) // PED).reshape(1, TG * PED),
        (8, TG * PED))
    gammar = jnp.broadcast_to(gamma.reshape(1, H_DIM), (8, H_DIM))
    betar = jnp.broadcast_to(beta.reshape(1, H_DIM), (8, H_DIM))
    axs = jnp.broadcast_to(end_pos[:, 0].reshape(n, 1), (n, SC_LANES))
    ays = jnp.broadcast_to(end_pos[:, 1].reshape(n, 1), (n, SC_LANES))

    NCH = 1
    cs = num_seqs // NCH
    cn = cs * PED
    ys, stats_list = [], []
    for k in range(NCH):
        gp_k = _sc_binning(oxa[k * cs:(k + 1) * cs],
                           oya[k * cs:(k + 1) * cs],
                           axs[k * cn:(k + 1) * cn],
                           ays[k * cn:(k + 1) * cn])
        y_k, st_k = pl.pallas_call(
            _scene_kernel,
            grid=(cs // SB,),
            in_specs=[
                pl.BlockSpec((SBP, H_DIM), lambda t: (t, 0)),
                pl.BlockSpec((SBP, PED), lambda t: (t, 0)),
                pl.BlockSpec((H_DIM, POOL_IN), lambda t: (0, 0)),
                pl.BlockSpec((8, TG * PED), lambda t: (0, 0)),
            ],
            out_specs=[
                pl.BlockSpec((SBP, H_DIM), lambda t: (t, 0)),
                pl.BlockSpec((8, H_DIM), lambda t: (0, 0)),
            ],
            out_shape=[
                jax.ShapeDtypeStruct((cn, H_DIM), jnp.float32),
                jax.ShapeDtypeStruct((8, H_DIM), jnp.float32),
            ],
        )(hb[k * cn:(k + 1) * cn], gp_k, w1p, kc8)
        ys.append(y_k)
        stats_list.append(st_k)

    stats = jnp.concatenate(stats_list, axis=0)

    rows_blk = 2048
    outs = []
    for k in range(NCH):
        outs.append(pl.pallas_call(
            functools.partial(_norm_kernel, n_rows=n, nch=NCH),
            grid=(cn // rows_blk,),
            in_specs=[
                pl.BlockSpec((rows_blk, H_DIM), lambda r: (r, 0)),
                pl.BlockSpec((NCH * 8, H_DIM), lambda r: (0, 0)),
                pl.BlockSpec((8, H_DIM), lambda r: (0, 0)),
                pl.BlockSpec((8, H_DIM), lambda r: (0, 0)),
            ],
            out_specs=pl.BlockSpec((rows_blk, H_DIM), lambda r: (r, 0)),
            out_shape=jax.ShapeDtypeStruct((cn, H_DIM), jnp.float32),
        )(ys[k], stats, gammar, betar))
    return jnp.concatenate(outs, axis=0)

# --- scband reference (transcript-rebuilt; emitter-appended) ---
"""Pipeline reference for scband-trajectory-generator-3289944949297 (READ-ONLY COPY).

The authoritative reference and input builder live on the scoring server;
editing this copy changes nothing except your own understanding.
"""

import jax, jax.numpy as jnp
import numpy as np

H_DIM = 64
GRID = 8
NS = 2.0
NUM_SEQS = 256
PED = 64
N = NUM_SEQS * PED
TG = GRID * GRID
POOL_IN = TG * H_DIM


def setup_inputs(seed: int = 0) -> dict:
    key = jax.random.key(seed)
    k1, k2, k3 = jax.random.split(key, 3)
    h_states = jax.random.normal(k1, (N, H_DIM), dtype=jnp.float32)
    end_pos = jax.random.normal(k2, (N, 2), dtype=jnp.float32)
    starts = jnp.arange(NUM_SEQS, dtype=jnp.int32)
    seq_start_end = jnp.stack([starts * PED, (starts + 1) * PED], axis=1)
    W1 = jax.random.normal(k3, (POOL_IN, H_DIM), dtype=jnp.float32) * 0.02
    b1 = jnp.zeros((H_DIM,), dtype=jnp.float32)
    gamma = jnp.ones((H_DIM,), dtype=jnp.float32)
    beta = jnp.zeros((H_DIM,), dtype=jnp.float32)
    return {"h_states": h_states, "seq_start_end": seq_start_end, "end_pos": end_pos,
            "W1": W1, "b1": b1, "gamma": gamma, "beta": beta}


def reference(h_states, seq_start_end, end_pos, W1, b1, gamma, beta):
    S = seq_start_end.shape[0]
    P = h_states.shape[0] // S
    hid = h_states.reshape(S, P, H_DIM)
    pos = end_pos.reshape(S, P, 2)
    i_idx = jnp.repeat(jnp.arange(P), P)  # anchor ped (k // P)
    j_idx = jnp.tile(jnp.arange(P), P)    # other ped  (k %  P)

    def seg(ch, cp):
        tlx = cp[:, 0] - NS / 2.0
        tly = cp[:, 1] + NS / 2.0
        brx = cp[:, 0] + NS / 2.0
        bry = cp[:, 1] - NS / 2.0
        ox = cp[j_idx, 0]
        oy = cp[j_idx, 1]
        cell_x = jnp.floor((ox - tlx[i_idx]) / NS * GRID)
        cell_y = jnp.floor((tly[i_idx] - oy) / NS * GRID)
        grid_pos = (cell_x + cell_y * GRID).astype(jnp.int32)
        x_bound = (ox >= brx[i_idx]) | (ox <= tlx[i_idx])
        y_bound = (oy >= tly[i_idx]) | (oy <= bry[i_idx])
        within = x_bound | y_bound | (i_idx == j_idx)
        grid_pos = grid_pos + 1 + TG * i_idx
        grid_pos = jnp.where(within, 0, grid_pos)
        pool = jnp.zeros((P * TG + 1, H_DIM), dtype=ch.dtype).at[grid_pos].add(ch[j_idx])
        return pool[1:].reshape(P, POOL_IN)

    pooled = jax.vmap(seg)(hid, pos).reshape(S * P, POOL_IN)
    y = pooled @ W1 + b1
    mu = jnp.mean(y, axis=0)
    var = jnp.var(y, axis=0)
    y = (y - mu) / jnp.sqrt(var + 1e-5) * gamma + beta
    return jax.nn.relu(y)

if __name__ == "__main__":
    import jax
    _d = setup_inputs()
    print(jax.jit(kernel)(*tuple(_d.values())))

</pallas_src>

<mosaic_0001>
#map = affine_map<(d0, d1) -> (0, 0)>
module attributes {stable_mosaic.version = 14 : i64} {
  func.func @sc_kernel(%arg0: i32, %arg1: i32, %arg2: memref<256x64xf32, #tpu.memory_space<hbm>>, %arg3: memref<256x64xf32, #tpu.memory_space<hbm>>, %arg4: memref<16384x16xf32, #tpu.memory_space<hbm>>, %arg5: memref<16384x16xf32, #tpu.memory_space<hbm>>, %arg6: memref<16384x64xi32, #tpu.memory_space<hbm>>) attributes {dimension_semantics = [#tpu.dimension_semantics<core_parallel>, #tpu.dimension_semantics<subcore_parallel>], iteration_bounds = array<i64: 2, 16>, scalar_prefetch = 0 : i64, scratch_operands = 0 : i64, tpu.core_type = #tpu.core_type<sc_vector_subcore>, window_params = [{transform_indices = #map}, {transform_indices = #map}, {transform_indices = #map}, {transform_indices = #map}, {transform_indices = #map}]} {
    %mul3A = arith.constant 1 : i32
    %mul3A_0 = arith.muli %arg1, %mul3A : i32
    %add3A = arith.constant 0 : i32
    %add3A_1 = arith.addi %add3A, %mul3A_0 : i32
    %mul3A_2 = arith.constant 16 : i32
    %mul3A_3 = arith.muli %arg0, %mul3A_2 : i32
    %add3A_4 = arith.addi %add3A_1, %mul3A_3 : i32
    %mul3A_5 = arith.constant 8 : i32
    %mul3A_6 = arith.muli %add3A_4, %mul3A_5 : i32
    "tpu.region"() ({
      %run_scoped3A = memref.alloca() : memref<2x1x64xf32, #tpu.memory_space<vmem>>
      %run_scoped3A_7 = tpu.sem_alloc : memref<2x!tpu.dma_semaphore, #tpu.memory_space<semaphore_mem>>
      %run_scoped3A_8 = memref.alloca() : memref<2x1x64xf32, #tpu.memory_space<vmem>>
      %run_scoped3A_9 = tpu.sem_alloc : memref<2x!tpu.dma_semaphore, #tpu.memory_space<semaphore_mem>>
      %run_scoped3A_10 = memref.alloca() : memref<2x64x16xf32, #tpu.memory_space<vmem>>
      %run_scoped3A_11 = tpu.sem_alloc : memref<2x!tpu.dma_semaphore, #tpu.memory_space<semaphore_mem>>
      %run_scoped3A_12 = memref.alloca() : memref<2x64x16xf32, #tpu.memory_space<vmem>>
      %run_scoped3A_13 = tpu.sem_alloc : memref<2x!tpu.dma_semaphore, #tpu.memory_space<semaphore_mem>>
      %run_scoped3A_14 = memref.alloca() : memref<2x64x64xi32, #tpu.memory_space<vmem>>
      %run_scoped3A_15 = tpu.sem_alloc : memref<2x!tpu.dma_semaphore, #tpu.memory_space<semaphore_mem>>
      %add3A_16 = arith.constant 0 : i32
      %add3A_17 = arith.addi %add3A_16, %mul3A_6 : i32
      %select_n3A = arith.constant true
      %select_n3A_18 = arith.constant 0 : i32
      %select_n3A_19 = arith.constant -1 : i32
      %select_n3A_20 = arith.select %select_n3A, %select_n3A_19, %select_n3A_18 : i32
      %eq3A = arith.constant -1 : i32
      %eq3A_21 = arith.cmpi eq, %select_n3A_20, %eq3A : i32
      %select_n3A_22 = arith.constant 7 : i32
      %select_n3A_23 = arith.select %eq3A_21, %select_n3A_22, %select_n3A_20 : i32
      %add3A_24 = arith.addi %select_n3A_23, %mul3A_6 : i32
      %select_n3A_25 = arith.constant true
      %select_n3A_26 = arith.constant 0 : i32
      %select_n3A_27 = arith.constant 1 : i32
      %select_n3A_28 = arith.select %select_n3A_25, %select_n3A_27, %select_n3A_26 : i32
      %eq3A_29 = arith.constant 8 : i32
      %eq3A_30 = arith.cmpi eq, %select_n3A_28, %eq3A_29 : i32
      %select_n3A_31 = arith.constant 0 : i32
      %select_n3A_32 = arith.select %eq3A_30, %select_n3A_31, %select_n3A_28 : i32
      %add3A_33 = arith.addi %select_n3A_32, %mul3A_6 : i32
      %add3A_34 = arith.constant 1 : i32
      %add3A_35 = arith.addi %select_n3A_32, %add3A_34 : i32
      %select_n3A_36 = arith.constant true
      %select_n3A_37 = arith.select %select_n3A_36, %add3A_35, %select_n3A_32 : i32
      %eq3A_38 = arith.constant 8 : i32
      %eq3A_39 = arith.cmpi eq, %select_n3A_37, %eq3A_38 : i32
      %select_n3A_40 = arith.constant 0 : i32
      %select_n3A_41 = arith.select %eq3A_39, %select_n3A_40, %select_n3A_37 : i32
      %add3A_42 = arith.addi %select_n3A_41, %mul3A_6 : i32
      "tpu.trace_start"() <{level = 10 : i32, message = "ep_initialize_0"}> : () -> ()
      %rem3A = arith.constant 0 : i32
      %rem3A_43 = arith.constant 2 : i32
      %rem3A_44 = arith.remui %rem3A, %rem3A_43 : i32
      %mul3A_45 = arith.constant 1 : i32
      %mul3A_46 = arith.muli %mul3A_45, %add3A_17 : i32
      %dma_start3A = arith.constant 0 : i32
      %dma_start3A_47 = arith.constant 0 : i32
      %dma_start3A_48 = tpu.memref_slice %run_scoped3A[%rem3A_44, %dma_start3A, %dma_start3A_47] : memref<2x1x64xf32, #tpu.memory_space<vmem>> -> memref<1x1x64xf32, #tpu.memory_space<vmem>>
      %dma_start3A_49 = tpu.memref_squeeze %dma_start3A_48 : memref<1x1x64xf32, #tpu.memory_space<vmem>> -> memref<1x64xf32, #tpu.memory_space<vmem>>
      %dma_start3A_50 = arith.constant 0 : i32
      %dma_start3A_51 = tpu.memref_slice %arg2[%mul3A_46, %dma_start3A_50] : memref<256x64xf32, #tpu.memory_space<hbm>> -> memref<1x64xf32, #tpu.memory_space<hbm>>
      %dma_start3A_52 = tpu.memref_slice %run_scoped3A_7[%rem3A_44] : memref<2x!tpu.dma_semaphore, #tpu.memory_space<semaphore_mem>> -> memref<1x!tpu.dma_semaphore, #tpu.memory_space<semaphore_mem>>
      %dma_start3A_53 = tpu.memref_squeeze %dma_start3A_52 : memref<1x!tpu.dma_semaphore, #tpu.memory_space<semaphore_mem>> -> memref<!tpu.dma_semaphore, #tpu.memory_space<semaphore_mem>>
      %dma_start3A_54 = arith.constant 0 : i32
      %dma_start3A_55 = arith.constant 0 : i32
      %dma_start3A_56 = tpu.memref_slice %run_scoped3A[%rem3A_44, %dma_start3A_54, %dma_start3A_55] : memref<2x1x64xf32, #tpu.memory_space<vmem>> -> memref<1x1x64xf32, #tpu.memory_space<vmem>>
      %dma_start3A_57 = tpu.memref_squeeze %dma_start3A_56 : memref<1x1x64xf32, #tpu.memory_space<vmem>> -> memref<1x64xf32, #tpu.memory_space<vmem>>
      %dma_start3A_58 = arith.constant 0 : i32
      %dma_start3A_59 = tpu.memref_slice %arg2[%mul3A_46, %dma_start3A_58] : memref<256x64xf32, #tpu.memory_space<hbm>> -> memref<1x64xf32, #tpu.memory_space<hbm>>
      tpu.enqueue_dma source(%dma_start3A_59 : memref<1x64xf32, #tpu.memory_space<hbm>>) target(%dma_start3A_57 : memref<1x64xf32, #tpu.memory_space<vmem>>) target_semaphore(%dma_start3A_53 : memref<!tpu.dma_semaphore, #tpu.memory_space<semaphore_mem>>)
      %add3A_60 = arith.constant 0 : i32
      %add3A_61 = arith.constant 1 : i32
      %add3A_62 = arith.addi %add3A_60, %add3A_61 : i32
      %select_n3A_63 = arith.constant true
      %select_n3A_64 = arith.constant 0 : i32
      %select_n3A_65 = arith.select %select_n3A_63, %add3A_62, %select_n3A_64 : i32
      %rem3A_66 = arith.constant 0 : i32
      %rem3A_67 = arith.constant 2 : i32
      %rem3A_68 = arith.remui %rem3A_66, %rem3A_67 : i32
      %mul3A_69 = arith.constant 1 : i32
      %mul3A_70 = arith.muli %mul3A_69, %add3A_17 : i32
      %dma_start3A_71 = arith.constant 0 : i32
      %dma_start3A_72 = arith.constant 0 : i32
      %dma_start3A_73 = tpu.memref_slice %run_scoped3A_8[%rem3A_68, %dma_start3A_71, %dma_start3A_72] : memref<2x1x64xf32, #tpu.memory_space<vmem>> -> memref<1x1x64xf32, #tpu.memory_space<vmem>>
      %dma_start3A_74 = tpu.memref_squeeze %dma_start3A_73 : memref<1x1x64xf32, #tpu.memory_space<vmem>> -> memref<1x64xf32, #tpu.memory_space<vmem>>
      %dma_start3A_75 = arith.constant 0 : i32
      %dma_start3A_76 = tpu.memref_slice %arg3[%mul3A_70, %dma_start3A_75] : memref<256x64xf32, #tpu.memory_space<hbm>> -> memref<1x64xf32, #tpu.memory_space<hbm>>
      %dma_start3A_77 = tpu.memref_slice %run_scoped3A_9[%rem3A_68] : memref<2x!tpu.dma_semaphore, #tpu.memory_space<semaphore_mem>> -> memref<1x!tpu.dma_semaphore, #tpu.memory_space<semaphore_mem>>
      %dma_start3A_78 = tpu.memref_squeeze %dma_start3A_77 : memref<1x!tpu.dma_semaphore, #tpu.memory_space<semaphore_mem>> -> memref<!tpu.dma_semaphore, #tpu.memory_space<semaphore_mem>>
      %dma_start3A_79 = arith.constant 0 : i32
      %dma_start3A_80 = arith.constant 0 : i32
      %dma_start3A_81 = tpu.memref_slice %run_scoped3A_8[%rem3A_68, %dma_start3A_79, %dma_start3A_80] : memref<2x1x64xf32, #tpu.memory_space<vmem>> -> memref<1x1x64xf32, #tpu.memory_space<vmem>>
      %dma_start3A_82 = tpu.memref_squeeze %dma_start3A_81 : memref<1x1x64xf32, #tpu.memory_space<vmem>> -> memref<1x64xf32, #tpu.memory_space<vmem>>
      %dma_start3A_83 = arith.constant 0 : i32
      %dma_start3A_84 = tpu.memref_slice %arg3[%mul3A_70, %dma_start3A_83] : memref<256x64xf32, #tpu.memory_space<hbm>> -> memref<1x64xf32, #tpu.memory_space<hbm>>
      tpu.enqueue_dma source(%dma_start3A_84 : memref<1x64xf32, #tpu.memory_space<hbm>>) target(%dma_start3A_82 : memref<1x64xf32, #tpu.memory_space<vmem>>) target_semaphore(%dma_start3A_78 : memref<!tpu.dma_semaphore, #tpu.memory_space<semaphore_mem>>)
      %add3A_85 = arith.constant 0 : i32
      %add3A_86 = arith.constant 1 : i32
      %add3A_87 = arith.addi %add3A_85, %add3A_86 : i32
      %select_n3A_88 = arith.constant true
      %select_n3A_89 = arith.constant 0 : i32
      %select_n3A_90 = arith.select %select_n3A_88, %add3A_87, %select_n3A_89 : i32
      %rem3A_91 = arith.constant 0 : i32
      %rem3A_92 = arith.constant 2 : i32
      %rem3A_93 = arith.remui %rem3A_91, %rem3A_92 : i32
      %mul3A_94 = arith.constant 64 : i32
      %mul3A_95 = arith.muli %mul3A_94, %add3A_17 : i32
      %dma_start3A_96 = arith.constant 0 : i32
      %dma_start3A_97 = arith.constant 0 : i32
      %dma_start3A_98 = tpu.memref_slice %run_scoped3A_10[%rem3A_93, %dma_start3A_96, %dma_start3A_97] : memref<2x64x16xf32, #tpu.memory_space<vmem>> -> memref<1x64x16xf32, #tpu.memory_space<vmem>>
      %dma_start3A_99 = tpu.memref_squeeze %dma_start3A_98 : memref<1x64x16xf32, #tpu.memory_space<vmem>> -> memref<64x16xf32, #tpu.memory_space<vmem>>
      %dma_start3A_100 = arith.constant 0 : i32
      %dma_start3A_101 = tpu.memref_slice %arg4[%mul3A_95, %dma_start3A_100] : memref<16384x16xf32, #tpu.memory_space<hbm>> -> memref<64x16xf32, #tpu.memory_space<hbm>>
      %dma_start3A_102 = tpu.memref_slice %run_scoped3A_11[%rem3A_93] : memref<2x!tpu.dma_semaphore, #tpu.memory_space<semaphore_mem>> -> memref<1x!tpu.dma_semaphore, #tpu.memory_space<semaphore_mem>>
      %dma_start3A_103 = tpu.memref_squeeze %dma_start3A_102 : memref<1x!tpu.dma_semaphore, #tpu.memory_space<semaphore_mem>> -> memref<!tpu.dma_semaphore, #tpu.memory_space<semaphore_mem>>
      %dma_start3A_104 = arith.constant 0 : i32
      %dma_start3A_105 = arith.constant 0 : i32
      %dma_start3A_106 = tpu.memref_slice %run_scoped3A_10[%rem3A_93, %dma_start3A_104, %dma_start3A_105] : memref<2x64x16xf32, #tpu.memory_space<vmem>> -> memref<1x64x16xf32, #tpu.memory_space<vmem>>
      %dma_start3A_107 = tpu.memref_squeeze %dma_start3A_106 : memref<1x64x16xf32, #tpu.memory_space<vmem>> -> memref<64x16xf32, #tpu.memory_space<vmem>>
      %dma_start3A_108 = arith.constant 0 : i32
      %dma_start3A_109 = tpu.memref_slice %arg4[%mul3A_95, %dma_start3A_108] : memref<16384x16xf32, #tpu.memory_space<hbm>> -> memref<64x16xf32, #tpu.memory_space<hbm>>
      tpu.enqueue_dma source(%dma_start3A_109 : memref<64x16xf32, #tpu.memory_space<hbm>>) target(%dma_start3A_107 : memref<64x16xf32, #tpu.memory_space<vmem>>) target_semaphore(%dma_start3A_103 : memref<!tpu.dma_semaphore, #tpu.memory_space<semaphore_mem>>)
      %add3A_110 = arith.constant 0 : i32
      %add3A_111 = arith.constant 1 : i32
      %add3A_112 = arith.addi %add3A_110, %add3A_111 : i32
      %select_n3A_113 = arith.constant true
      %select_n3A_114 = arith.constant 0 : i32
      %select_n3A_115 = arith.select %select_n3A_113, %add3A_112, %select_n3A_114 : i32
      %rem3A_116 = arith.constant 0 : i32
      %rem3A_117 = arith.constant 2 : i32
      %rem3A_118 = arith.remui %rem3A_116, %rem3A_117 : i32
      %mul3A_119 = arith.constant 64 : i32
      %mul3A_120 = arith.muli %mul3A_119, %add3A_17 : i32
      %dma_start3A_121 = arith.constant 0 : i32
      %dma_start3A_122 = arith.constant 0 : i32
      %dma_start3A_123 = tpu.memref_slice %run_scoped3A_12[%rem3A_118, %dma_start3A_121, %dma_start3A_122] : memref<2x64x16xf32, #tpu.memory_space<vmem>> -> memref<1x64x16xf32, #tpu.memory_space<vmem>>
      %dma_start3A_124 = tpu.memref_squeeze %dma_start3A_123 : memref<1x64x16xf32, #tpu.memory_space<vmem>> -> memref<64x16xf32, #tpu.memory_space<vmem>>
      %dma_start3A_125 = arith.constant 0 : i32
      %dma_start3A_126 = tpu.memref_slice %arg5[%mul3A_120, %dma_start3A_125] : memref<16384x16xf32, #tpu.memory_space<hbm>> -> memref<64x16xf32, #tpu.memory_space<hbm>>
      %dma_start3A_127 = tpu.memref_slice %run_scoped3A_13[%rem3A_118] : memref<2x!tpu.dma_semaphore, #tpu.memory_space<semaphore_mem>> -> memref<1x!tpu.dma_semaphore, #tpu.memory_space<semaphore_mem>>
      %dma_start3A_128 = tpu.memref_squeeze %dma_start3A_127 : memref<1x!tpu.dma_semaphore, #tpu.memory_space<semaphore_mem>> -> memref<!tpu.dma_semaphore, #tpu.memory_space<semaphore_mem>>
      %dma_start3A_129 = arith.constant 0 : i32
      %dma_start3A_130 = arith.constant 0 : i32
      %dma_start3A_131 = tpu.memref_slice %run_scoped3A_12[%rem3A_118, %dma_start3A_129, %dma_start3A_130] : memref<2x64x16xf32, #tpu.memory_space<vmem>> -> memref<1x64x16xf32, #tpu.memory_space<vmem>>
      %dma_start3A_132 = tpu.memref_squeeze %dma_start3A_131 : memref<1x64x16xf32, #tpu.memory_space<vmem>> -> memref<64x16xf32, #tpu.memory_space<vmem>>
      %dma_start3A_133 = arith.constant 0 : i32
      %dma_start3A_134 = tpu.memref_slice %arg5[%mul3A_120, %dma_start3A_133] : memref<16384x16xf32, #tpu.memory_space<hbm>> -> memref<64x16xf32, #tpu.memory_space<hbm>>
      tpu.enqueue_dma source(%dma_start3A_134 : memref<64x16xf32, #tpu.memory_space<hbm>>) target(%dma_start3A_132 : memref<64x16xf32, #tpu.memory_space<vmem>>) target_semaphore(%dma_start3A_128 : memref<!tpu.dma_semaphore, #tpu.memory_space<semaphore_mem>>)
      %add3A_135 = arith.constant 0 : i32
      %add3A_136 = arith.constant 1 : i32
      %add3A_137 = arith.addi %add3A_135, %add3A_136 : i32
      %select_n3A_138 = arith.constant true
      %select_n3A_139 = arith.constant 0 : i32
      %select_n3A_140 = arith.select %select_n3A_138, %add3A_137, %select_n3A_139 : i32
      "tpu.trace_stop"() : () -> ()
      %scan3A = arith.constant 0 : i32
      %scan3A_141 = arith.constant 0 : i32
      %scan3A_142 = arith.constant 0 : i32
      %scan3A_143 = arith.constant 0 : i32
      %scan3A_144 = arith.constant 0 : i32
      %scan3A_145 = arith.constant 0 : i32
      %scan3A_146 = arith.constant 0 : i32
      %scan3A_147 = arith.constant 0 : i32
      %scan3A_148 = arith.constant 8 : i32
      %scan3A_149 = arith.addi %scan3A_147, %scan3A_148 : i32
      %scan3A_150 = arith.constant 1 : i32
      %scan3A_151:11 = scf.for %scan3A_205 = %scan3A_147 to %scan3A_149 step %scan3A_150 iter_args(%scan3A_206 = %select_n3A_65, %scan3A_207 = %scan3A, %scan3A_208 = %select_n3A_90, %scan3A_209 = %scan3A_141, %scan3A_210 = %select_n3A_115, %scan3A_211 = %scan3A_142, %scan3A_212 = %select_n3A_140, %scan3A_213 = %scan3A_143, %scan3A_214 = %scan3A_144, %scan3A_215 = %scan3A_145, %scan3A_216 = %scan3A_146) -> (i32, i32, i32, i32, i32, i32, i32, i32, i32, i32, i32)  : i32 {
        %eq3A_217 = arith.constant 0 : i32
        %eq3A_218 = arith.cmpi eq, %scan3A_205, %eq3A_217 : i32
        %eq3A_219 = arith.constant 7 : i32
        %eq3A_220 = arith.cmpi eq, %scan3A_205, %eq3A_219 : i32
        %add3A_221 = arith.addi %scan3A_216, %mul3A_6 : i32
        %sub3A_222 = arith.constant 1 : i32
        %sub3A_223 = arith.subi %scan3A_216, %sub3A_222 : i32
        %select_n3A_224 = arith.constant true
        %select_n3A_225 = arith.select %select_n3A_224, %sub3A_223, %scan3A_216 : i32
        %eq3A_226 = arith.constant -1 : i32
        %eq3A_227 = arith.cmpi eq, %select_n3A_225, %eq3A_226 : i32
        %select_n3A_228 = arith.constant 7 : i32
        %select_n3A_229 = arith.select %eq3A_227, %select_n3A_228, %select_n3A_225 : i32
        %add3A_230 = arith.addi %select_n3A_229, %mul3A_6 : i32
        %add3A_231 = arith.constant 1 : i32
        %add3A_232 = arith.addi %scan3A_216, %add3A_231 : i32
        %select_n3A_233 = arith.constant true
        %select_n3A_234 = arith.select %select_n3A_233, %add3A_232, %scan3A_216 : i32
        %eq3A_235 = arith.constant 8 : i32
        %eq3A_236 = arith.cmpi eq, %select_n3A_234, %eq3A_235 : i32
        %select_n3A_237 = arith.constant 0 : i32
        %select_n3A_238 = arith.select %eq3A_236, %select_n3A_237, %select_n3A_234 : i32
        %add3A_239 = arith.addi %select_n3A_238, %mul3A_6 : i32
        %add3A_240 = arith.constant 1 : i32
        %add3A_241 = arith.addi %select_n3A_238, %add3A_240 : i32
        %select_n3A_242 = arith.constant true
        %select_n3A_243 = arith.select %select_n3A_242, %add3A_241, %select_n3A_238 : i32
        %eq3A_244 = arith.constant 8 : i32
        %eq3A_245 = arith.cmpi eq, %select_n3A_243, %eq3A_244 : i32
        %select_n3A_246 = arith.constant 0 : i32
        %select_n3A_247 = arith.select %eq3A_245, %select_n3A_246, %select_n3A_243 : i32
        %add3A_248 = arith.addi %select_n3A_247, %mul3A_6 : i32
        %ne3A = arith.cmpi ne, %add3A_221, %add3A_239 : i32
        %or3A = arith.constant false
        %or3A_249 = arith.ori %or3A, %ne3A : i1
        %or3A_250 = arith.constant false
        %or3A_251 = arith.ori %or3A_249, %or3A_250 : i1
        %ge3A = arith.constant 7 : i32
        %ge3A_252 = arith.cmpi sge, %scan3A_205, %ge3A : i32
        %not3A = arith.constant true
        %not3A_253 = arith.xori %ge3A_252, %not3A : i1
        %and3A = arith.andi %or3A_251, %not3A_253 : i1
        %convert_element_type3A = arith.extui %and3A : i1 to i32
        %cond3A = arith.constant 0 : i32
        %cond3A_254 = arith.cmpi ne, %convert_element_type3A, %cond3A : i32
        scf.if %cond3A_254 {
          "tpu.trace_start"() <{level = 10 : i32, message = "ep_copy_in"}> : () -> ()
          %rem3A_551 = arith.constant 2 : i32
          %rem3A_552 = arith.remui %scan3A_206, %rem3A_551 : i32
          %mul3A_553 = arith.constant 1 : i32
          %mul3A_554 = arith.muli %mul3A_553, %add3A_239 : i32
          %dma_start3A_555 = arith.constant 0 : i32
          %dma_start3A_556 = arith.constant 0 : i32
          %dma_start3A_557 = tpu.memref_slice %run_scoped3A[%rem3A_552, %dma_start3A_555, %dma_start3A_556] : memref<2x1x64xf32, #tpu.memory_space<vmem>> -> memref<1x1x64xf32, #tpu.memory_space<vmem>>
          %dma_start3A_558 = tpu.memref_squeeze %dma_start3A_557 : memref<1x1x64xf32, #tpu.memory_space<vmem>> -> memref<1x64xf32, #tpu.memory_space<vmem>>
          %dma_start3A_559 = arith.constant 0 : i32
          %dma_start3A_560 = tpu.memref_slice %arg2[%mul3A_554, %dma_start3A_559] : memref<256x64xf32, #tpu.memory_space<hbm>> -> memref<1x64xf32, #tpu.memory_space<hbm>>
          %dma_start3A_561 = tpu.memref_slice %run_scoped3A_7[%rem3A_552] : memref<2x!tpu.dma_semaphore, #tpu.memory_space<semaphore_mem>> -> memref<1x!tpu.dma_semaphore, #tpu.memory_space<semaphore_mem>>
          %dma_start3A_562 = tpu.memref_squeeze %dma_start3A_561 : memref<1x!tpu.dma_semaphore, #tpu.memory_space<semaphore_mem>> -> memref<!tpu.dma_semaphore, #tpu.memory_space<semaphore_mem>>
          %dma_start3A_563 = arith.constant 0 : i32
          %dma_start3A_564 = arith.constant 0 : i32
          %dma_start3A_565 = tpu.memref_slice %run_scoped3A[%rem3A_552, %dma_start3A_563, %dma_start3A_564] : memref<2x1x64xf32, #tpu.memory_space<vmem>> -> memref<1x1x64xf32, #tpu.memory_space<vmem>>
          %dma_start3A_566 = tpu.memref_squeeze %dma_start3A_565 : memref<1x1x64xf32, #tpu.memory_space<vmem>> -> memref<1x64xf32, #tpu.memory_space<vmem>>
          %dma_start3A_567 = arith.constant 0 : i32
          %dma_start3A_568 = tpu.memref_slice %arg2[%mul3A_554, %dma_start3A_567] : memref<256x64xf32, #tpu.memory_space<hbm>> -> memref<1x64xf32, #tpu.memory_space<hbm>>
          tpu.enqueue_dma source(%dma_start3A_568 : memref<1x64xf32, #tpu.memory_space<hbm>>) target(%dma_start3A_566 : memref<1x64xf32, #tpu.memory_space<vmem>>) target_semaphore(%dma_start3A_562 : memref<!tpu.dma_semaphore, #tpu.memory_space<semaphore_mem>>)
          "tpu.trace_stop"() : () -> ()
        } else {
        }
        %and3A_255 = arith.constant true
        %and3A_256 = arith.andi %and3A, %and3A_255 : i1
        %add3A_257 = arith.constant 1 : i32
        %add3A_258 = arith.addi %scan3A_206, %add3A_257 : i32
        %select_n3A_259 = arith.select %and3A_256, %add3A_258, %scan3A_206 : i32
        %ne3A_260 = arith.cmpi ne, %add3A_221, %add3A_239 : i32
        %or3A_261 = arith.constant false
        %or3A_262 = arith.ori %or3A_261, %ne3A_260 : i1
        %or3A_263 = arith.constant false
        %or3A_264 = arith.ori %or3A_262, %or3A_263 : i1
        %ge3A_265 = arith.constant 7 : i32
        %ge3A_266 = arith.cmpi sge, %scan3A_205, %ge3A_265 : i32
        %not3A_267 = arith.constant true
        %not3A_268 = arith.xori %ge3A_266, %not3A_267 : i1
        %and3A_269 = arith.andi %or3A_264, %not3A_268 : i1
        %convert_element_type3A_270 = arith.extui %and3A_269 : i1 to i32
        %cond3A_271 = arith.constant 0 : i32
        %cond3A_272 = arith.cmpi ne, %convert_element_type3A_270, %cond3A_271 : i32
        scf.if %cond3A_272 {
          "tpu.trace_start"() <{level = 10 : i32, message = "ep_copy_in"}> : () -> ()
          %rem3A_551 = arith.constant 2 : i32
          %rem3A_552 = arith.remui %scan3A_208, %rem3A_551 : i32
          %mul3A_553 = arith.constant 1 : i32
          %mul3A_554 = arith.muli %mul3A_553, %add3A_239 : i32
          %dma_start3A_555 = arith.constant 0 : i32
          %dma_start3A_556 = arith.constant 0 : i32
          %dma_start3A_557 = tpu.memref_slice %run_scoped3A_8[%rem3A_552, %dma_start3A_555, %dma_start3A_556] : memref<2x1x64xf32, #tpu.memory_space<vmem>> -> memref<1x1x64xf32, #tpu.memory_space<vmem>>
          %dma_start3A_558 = tpu.memref_squeeze %dma_start3A_557 : memref<1x1x64xf32, #tpu.memory_space<vmem>> -> memref<1x64xf32, #tpu.memory_space<vmem>>
          %dma_start3A_559 = arith.constant 0 : i32
          %dma_start3A_560 = tpu.memref_slice %arg3[%mul3A_554, %dma_start3A_559] : memref<256x64xf32, #tpu.memory_space<hbm>> -> memref<1x64xf32, #tpu.memory_space<hbm>>
          %dma_start3A_561 = tpu.memref_slice %run_scoped3A_9[%rem3A_552] : memref<2x!tpu.dma_semaphore, #tpu.memory_space<semaphore_mem>> -> memref<1x!tpu.dma_semaphore, #tpu.memory_space<semaphore_mem>>
          %dma_start3A_562 = tpu.memref_squeeze %dma_start3A_561 : memref<1x!tpu.dma_semaphore, #tpu.memory_space<semaphore_mem>> -> memref<!tpu.dma_semaphore, #tpu.memory_space<semaphore_mem>>
          %dma_start3A_563 = arith.constant 0 : i32
          %dma_start3A_564 = arith.constant 0 : i32
          %dma_start3A_565 = tpu.memref_slice %run_scoped3A_8[%rem3A_552, %dma_start3A_563, %dma_start3A_564] : memref<2x1x64xf32, #tpu.memory_space<vmem>> -> memref<1x1x64xf32, #tpu.memory_space<vmem>>
          %dma_start3A_566 = tpu.memref_squeeze %dma_start3A_565 : memref<1x1x64xf32, #tpu.memory_space<vmem>> -> memref<1x64xf32, #tpu.memory_space<vmem>>
          %dma_start3A_567 = arith.constant 0 : i32
          %dma_start3A_568 = tpu.memref_slice %arg3[%mul3A_554, %dma_start3A_567] : memref<256x64xf32, #tpu.memory_space<hbm>> -> memref<1x64xf32, #tpu.memory_space<hbm>>
          tpu.enqueue_dma source(%dma_start3A_568 : memref<1x64xf32, #tpu.memory_space<hbm>>) target(%dma_start3A_566 : memref<1x64xf32, #tpu.memory_space<vmem>>) target_semaphore(%dma_start3A_562 : memref<!tpu.dma_semaphore, #tpu.memory_space<semaphore_mem>>)
          "tpu.trace_stop"() : () -> ()
        } else {
        }
        %and3A_273 = arith.constant true
        %and3A_274 = arith.andi %and3A_269, %and3A_273 : i1
        %add3A_275 = arith.constant 1 : i32
        %add3A_276 = arith.addi %scan3A_208, %add3A_275 : i32
        %select_n3A_277 = arith.select %and3A_274, %add3A_276, %scan3A_208 : i32
        %ne3A_278 = arith.cmpi ne, %add3A_221, %add3A_239 : i32
        %or3A_279 = arith.constant false
        %or3A_280 = arith.ori %or3A_279, %ne3A_278 : i1
        %or3A_281 = arith.constant false
        %or3A_282 = arith.ori %or3A_280, %or3A_281 : i1
        %ge3A_283 = arith.constant 7 : i32
        %ge3A_284 = arith.cmpi sge, %scan3A_205, %ge3A_283 : i32
        %not3A_285 = arith.constant true
        %not3A_286 = arith.xori %ge3A_284, %not3A_285 : i1
        %and3A_287 = arith.andi %or3A_282, %not3A_286 : i1
        %convert_element_type3A_288 = arith.extui %and3A_287 : i1 to i32
        %cond3A_289 = arith.constant 0 : i32
        %cond3A_290 = arith.cmpi ne, %convert_element_type3A_288, %cond3A_289 : i32
        scf.if %cond3A_290 {
          "tpu.trace_start"() <{level = 10 : i32, message = "ep_copy_in"}> : () -> ()
          %rem3A_551 = arith.constant 2 : i32
          %rem3A_552 = arith.remui %scan3A_210, %rem3A_551 : i32
          %mul3A_553 = arith.constant 64 : i32
          %mul3A_554 = arith.muli %mul3A_553, %add3A_239 : i32
          %dma_start3A_555 = arith.constant 0 : i32
          %dma_start3A_556 = arith.constant 0 : i32
          %dma_start3A_557 = tpu.memref_slice %run_scoped3A_10[%rem3A_552, %dma_start3A_555, %dma_start3A_556] : memref<2x64x16xf32, #tpu.memory_space<vmem>> -> memref<1x64x16xf32, #tpu.memory_space<vmem>>
          %dma_start3A_558 = tpu.memref_squeeze %dma_start3A_557 : memref<1x64x16xf32, #tpu.memory_space<vmem>> -> memref<64x16xf32, #tpu.memory_space<vmem>>
          %dma_start3A_559 = arith.constant 0 : i32
          %dma_start3A_560 = tpu.memref_slice %arg4[%mul3A_554, %dma_start3A_559] : memref<16384x16xf32, #tpu.memory_space<hbm>> -> memref<64x16xf32, #tpu.memory_space<hbm>>
          %dma_start3A_561 = tpu.memref_slice %run_scoped3A_11[%rem3A_552] : memref<2x!tpu.dma_semaphore, #tpu.memory_space<semaphore_mem>> -> memref<1x!tpu.dma_semaphore, #tpu.memory_space<semaphore_mem>>
          %dma_start3A_562 = tpu.memref_squeeze %dma_start3A_561 : memref<1x!tpu.dma_semaphore, #tpu.memory_space<semaphore_mem>> -> memref<!tpu.dma_semaphore, #tpu.memory_space<semaphore_mem>>
          %dma_start3A_563 = arith.constant 0 : i32
          %dma_start3A_564 = arith.constant 0 : i32
          %dma_start3A_565 = tpu.memref_slice %run_scoped3A_10[%rem3A_552, %dma_start3A_563, %dma_start3A_564] : memref<2x64x16xf32, #tpu.memory_space<vmem>> -> memref<1x64x16xf32, #tpu.memory_space<vmem>>
          %dma_start3A_566 = tpu.memref_squeeze %dma_start3A_565 : memref<1x64x16xf32, #tpu.memory_space<vmem>> -> memref<64x16xf32, #tpu.memory_space<vmem>>
          %dma_start3A_567 = arith.constant 0 : i32
          %dma_start3A_568 = tpu.memref_slice %arg4[%mul3A_554, %dma_start3A_567] : memref<16384x16xf32, #tpu.memory_space<hbm>> -> memref<64x16xf32, #tpu.memory_space<hbm>>
          tpu.enqueue_dma source(%dma_start3A_568 : memref<64x16xf32, #tpu.memory_space<hbm>>) target(%dma_start3A_566 : memref<64x16xf32, #tpu.memory_space<vmem>>) target_semaphore(%dma_start3A_562 : memref<!tpu.dma_semaphore, #tpu.memory_space<semaphore_mem>>)
          "tpu.trace_stop"() : () -> ()
        } else {
        }
        %and3A_291 = arith.constant true
        %and3A_292 = arith.andi %and3A_287, %and3A_291 : i1
        %add3A_293 = arith.constant 1 : i32
        %add3A_294 = arith.addi %scan3A_210, %add3A_293 : i32
        %select_n3A_295 = arith.select %and3A_292, %add3A_294, %scan3A_210 : i32
        %ne3A_296 = arith.cmpi ne, %add3A_221, %add3A_239 : i32
        %or3A_297 = arith.constant false
        %or3A_298 = arith.ori %or3A_297, %ne3A_296 : i1
        %or3A_299 = arith.constant false
        %or3A_300 = arith.ori %or3A_298, %or3A_299 : i1
        %ge3A_301 = arith.constant 7 : i32
        %ge3A_302 = arith.cmpi sge, %scan3A_205, %ge3A_301 : i32
        %not3A_303 = arith.constant true
        %not3A_304 = arith.xori %ge3A_302, %not3A_303 : i1
        %and3A_305 = arith.andi %or3A_300, %not3A_304 : i1
        %convert_element_type3A_306 = arith.extui %and3A_305 : i1 to i32
        %cond3A_307 = arith.constant 0 : i32
        %cond3A_308 = arith.cmpi ne, %convert_element_type3A_306, %cond3A_307 : i32
        scf.if %cond3A_308 {
          "tpu.trace_start"() <{level = 10 : i32, message = "ep_copy_in"}> : () -> ()
          %rem3A_551 = arith.constant 2 : i32
          %rem3A_552 = arith.remui %scan3A_212, %rem3A_551 : i32
          %mul3A_553 = arith.constant 64 : i32
          %mul3A_554 = arith.muli %mul3A_553, %add3A_239 : i32
          %dma_start3A_555 = arith.constant 0 : i32
          %dma_start3A_556 = arith.constant 0 : i32
          %dma_start3A_557 = tpu.memref_slice %run_scoped3A_12[%rem3A_552, %dma_start3A_555, %dma_start3A_556] : memref<2x64x16xf32, #tpu.memory_space<vmem>> -> memref<1x64x16xf32, #tpu.memory_space<vmem>>
          %dma_start3A_558 = tpu.memref_squeeze %dma_start3A_557 : memref<1x64x16xf32, #tpu.memory_space<vmem>> -> memref<64x16xf32, #tpu.memory_space<vmem>>
          %dma_start3A_559 = arith.constant 0 : i32
          %dma_start3A_560 = tpu.memref_slice %arg5[%mul3A_554, %dma_start3A_559] : memref<16384x16xf32, #tpu.memory_space<hbm>> -> memref<64x16xf32, #tpu.memory_space<hbm>>
          %dma_start3A_561 = tpu.memref_slice %run_scoped3A_13[%rem3A_552] : memref<2x!tpu.dma_semaphore, #tpu.memory_space<semaphore_mem>> -> memref<1x!tpu.dma_semaphore, #tpu.memory_space<semaphore_mem>>
          %dma_start3A_562 = tpu.memref_squeeze %dma_start3A_561 : memref<1x!tpu.dma_semaphore, #tpu.memory_space<semaphore_mem>> -> memref<!tpu.dma_semaphore, #tpu.memory_space<semaphore_mem>>
          %dma_start3A_563 = arith.constant 0 : i32
          %dma_start3A_564 = arith.constant 0 : i32
          %dma_start3A_565 = tpu.memref_slice %run_scoped3A_12[%rem3A_552, %dma_start3A_563, %dma_start3A_564] : memref<2x64x16xf32, #tpu.memory_space<vmem>> -> memref<1x64x16xf32, #tpu.memory_space<vmem>>
          %dma_start3A_566 = tpu.memref_squeeze %dma_start3A_565 : memref<1x64x16xf32, #tpu.memory_space<vmem>> -> memref<64x16xf32, #tpu.memory_space<vmem>>
          %dma_start3A_567 = arith.constant 0 : i32
          %dma_start3A_568 = tpu.memref_slice %arg5[%mul3A_554, %dma_start3A_567] : memref<16384x16xf32, #tpu.memory_space<hbm>> -> memref<64x16xf32, #tpu.memory_space<hbm>>
          tpu.enqueue_dma source(%dma_start3A_568 : memref<64x16xf32, #tpu.memory_space<hbm>>) target(%dma_start3A_566 : memref<64x16xf32, #tpu.memory_space<vmem>>) target_semaphore(%dma_start3A_562 : memref<!tpu.dma_semaphore, #tpu.memory_space<semaphore_mem>>)
          "tpu.trace_stop"() : () -> ()
        } else {
        }
        %and3A_309 = arith.constant true
        %and3A_310 = arith.andi %and3A_305, %and3A_309 : i1
        %add3A_311 = arith.constant 1 : i32
        %add3A_312 = arith.addi %scan3A_212, %add3A_311 : i32
        %select_n3A_313 = arith.select %and3A_310, %add3A_312, %scan3A_212 : i32
        %ne3A_314 = arith.cmpi ne, %add3A_221, %add3A_239 : i32
        %or3A_315 = arith.constant false
        %or3A_316 = arith.ori %or3A_315, %ne3A_314 : i1
        %or3A_317 = arith.constant false
        %or3A_318 = arith.ori %or3A_316, %or3A_317 : i1
        %ge3A_319 = arith.constant 7 : i32
        %ge3A_320 = arith.cmpi sge, %scan3A_205, %ge3A_319 : i32
        %not3A_321 = arith.constant true
        %not3A_322 = arith.xori %ge3A_320, %not3A_321 : i1
        %and3A_323 = arith.andi %or3A_318, %not3A_322 : i1
        %ne3A_324 = arith.cmpi ne, %add3A_221, %add3A_230 : i32
        %or3A_325 = arith.constant false
        %or3A_326 = arith.ori %or3A_325, %ne3A_324 : i1
        %or3A_327 = arith.constant false
        %or3A_328 = arith.ori %or3A_326, %or3A_327 : i1
        %or3A_329 = arith.ori %or3A_328, %eq3A_218 : i1
        %convert_element_type3A_330 = arith.extui %or3A_329 : i1 to i32
        %cond3A_331 = arith.constant 0 : i32
        %cond3A_332 = arith.cmpi ne, %convert_element_type3A_330, %cond3A_331 : i32
        scf.if %cond3A_332 {
          "tpu.trace_start"() <{level = 10 : i32, message = "ep_wait_in"}> : () -> ()
          %mul3A_551 = arith.constant 1 : i32
          %mul3A_552 = arith.muli %mul3A_551, %add3A_221 : i32
          %rem3A_553 = arith.constant 2 : i32
          %rem3A_554 = arith.remui %scan3A_207, %rem3A_553 : i32
          %dma_wait3A_555 = arith.constant 0 : i32
          %dma_wait3A_556 = arith.constant 0 : i32
          %dma_wait3A_557 = tpu.memref_slice %run_scoped3A[%rem3A_554, %dma_wait3A_555, %dma_wait3A_556] : memref<2x1x64xf32, #tpu.memory_space<vmem>> -> memref<1x1x64xf32, #tpu.memory_space<vmem>>
          %dma_wait3A_558 = tpu.memref_squeeze %dma_wait3A_557 : memref<1x1x64xf32, #tpu.memory_space<vmem>> -> memref<1x64xf32, #tpu.memory_space<vmem>>
          %dma_wait3A_559 = arith.constant 0 : i32
          %dma_wait3A_560 = tpu.memref_slice %arg2[%mul3A_552, %dma_wait3A_559] : memref<256x64xf32, #tpu.memory_space<hbm>> -> memref<1x64xf32, #tpu.memory_space<hbm>>
          %dma_wait3A_561 = tpu.memref_slice %run_scoped3A_7[%rem3A_554] : memref<2x!tpu.dma_semaphore, #tpu.memory_space<semaphore_mem>> -> memref<1x!tpu.dma_semaphore, #tpu.memory_space<semaphore_mem>>
          %dma_wait3A_562 = tpu.memref_squeeze %dma_wait3A_561 : memref<1x!tpu.dma_semaphore, #tpu.memory_space<semaphore_mem>> -> memref<!tpu.dma_semaphore, #tpu.memory_space<semaphore_mem>>
          %dma_wait3A_563 = arith.constant 0 : i32
          %dma_wait3A_564 = arith.constant 0 : i32
          %dma_wait3A_565 = tpu.memref_slice %run_scoped3A[%rem3A_554, %dma_wait3A_563, %dma_wait3A_564] : memref<2x1x64xf32, #tpu.memory_space<vmem>> -> memref<1x1x64xf32, #tpu.memory_space<vmem>>
          %dma_wait3A_566 = tpu.memref_squeeze %dma_wait3A_565 : memref<1x1x64xf32, #tpu.memory_space<vmem>> -> memref<1x64xf32, #tpu.memory_space<vmem>>
          %dma_wait3A_567 = arith.constant 0 : i32
          %dma_wait3A_568 = tpu.memref_slice %arg2[%mul3A_552, %dma_wait3A_567] : memref<256x64xf32, #tpu.memory_space<hbm>> -> memref<1x64xf32, #tpu.memory_space<hbm>>
          tpu.wait_dma2 semaphore(%dma_wait3A_562 : memref<!tpu.dma_semaphore, #tpu.memory_space<semaphore_mem>>) src(%dma_wait3A_568 : memref<1x64xf32, #tpu.memory_space<hbm>>) dst(%dma_wait3A_566 : memref<1x64xf32, #tpu.memory_space<vmem>>)
          "tpu.trace_stop"() : () -> ()
        } else {
        }
        %ne3A_333 = arith.cmpi ne, %add3A_221, %add3A_230 : i32
        %or3A_334 = arith.constant false
        %or3A_335 = arith.ori %or3A_334, %ne3A_333 : i1
        %or3A_336 = arith.constant false
        %or3A_337 = arith.ori %or3A_335, %or3A_336 : i1
        %or3A_338 = arith.ori %or3A_337, %eq3A_218 : i1
        %convert_element_type3A_339 = arith.extui %or3A_338 : i1 to i32
        %cond3A_340 = arith.constant 0 : i32
        %cond3A_341 = arith.cmpi ne, %convert_element_type3A_339, %cond3A_340 : i32
        scf.if %cond3A_341 {
          "tpu.trace_start"() <{level = 10 : i32, message = "ep_wait_in"}> : () -> ()
          %mul3A_551 = arith.constant 1 : i32
          %mul3A_552 = arith.muli %mul3A_551, %add3A_221 : i32
          %rem3A_553 = arith.constant 2 : i32
          %rem3A_554 = arith.remui %scan3A_209, %rem3A_553 : i32
          %dma_wait3A_555 = arith.constant 0 : i32
          %dma_wait3A_556 = arith.constant 0 : i32
          %dma_wait3A_557 = tpu.memref_slice %run_scoped3A_8[%rem3A_554, %dma_wait3A_555, %dma_wait3A_556] : memref<2x1x64xf32, #tpu.memory_space<vmem>> -> memref<1x1x64xf32, #tpu.memory_space<vmem>>
          %dma_wait3A_558 = tpu.memref_squeeze %dma_wait3A_557 : memref<1x1x64xf32, #tpu.memory_space<vmem>> -> memref<1x64xf32, #tpu.memory_space<vmem>>
          %dma_wait3A_559 = arith.constant 0 : i32
          %dma_wait3A_560 = tpu.memref_slice %arg3[%mul3A_552, %dma_wait3A_559] : memref<256x64xf32, #tpu.memory_space<hbm>> -> memref<1x64xf32, #tpu.memory_space<hbm>>
          %dma_wait3A_561 = tpu.memref_slice %run_scoped3A_9[%rem3A_554] : memref<2x!tpu.dma_semaphore, #tpu.memory_space<semaphore_mem>> -> memref<1x!tpu.dma_semaphore, #tpu.memory_space<semaphore_mem>>
          %dma_wait3A_562 = tpu.memref_squeeze %dma_wait3A_561 : memref<1x!tpu.dma_semaphore, #tpu.memory_space<semaphore_mem>> -> memref<!tpu.dma_semaphore, #tpu.memory_space<semaphore_mem>>
          %dma_wait3A_563 = arith.constant 0 : i32
          %dma_wait3A_564 = arith.constant 0 : i32
          %dma_wait3A_565 = tpu.memref_slice %run_scoped3A_8[%rem3A_554, %dma_wait3A_563, %dma_wait3A_564] : memref<2x1x64xf32, #tpu.memory_space<vmem>> -> memref<1x1x64xf32, #tpu.memory_space<vmem>>
          %dma_wait3A_566 = tpu.memref_squeeze %dma_wait3A_565 : memref<1x1x64xf32, #tpu.memory_space<vmem>> -> memref<1x64xf32, #tpu.memory_space<vmem>>
          %dma_wait3A_567 = arith.constant 0 : i32
          %dma_wait3A_568 = tpu.memref_slice %arg3[%mul3A_552, %dma_wait3A_567] : memref<256x64xf32, #tpu.memory_space<hbm>> -> memref<1x64xf32, #tpu.memory_space<hbm>>
          tpu.wait_dma2 semaphore(%dma_wait3A_562 : memref<!tpu.dma_semaphore, #tpu.memory_space<semaphore_mem>>) src(%dma_wait3A_568 : memref<1x64xf32, #tpu.memory_space<hbm>>) dst(%dma_wait3A_566 : memref<1x64xf32, #tpu.memory_space<vmem>>)
          "tpu.trace_stop"() : () -> ()
        } else {
        }
        %ne3A_342 = arith.cmpi ne, %add3A_221, %add3A_230 : i32
        %or3A_343 = arith.constant false
        %or3A_344 = arith.ori %or3A_343, %ne3A_342 : i1
        %or3A_345 = arith.constant false
        %or3A_346 = arith.ori %or3A_344, %or3A_345 : i1
        %or3A_347 = arith.ori %or3A_346, %eq3A_218 : i1
        %convert_element_type3A_348 = arith.extui %or3A_347 : i1 to i32
        %cond3A_349 = arith.constant 0 : i32
        %cond3A_350 = arith.cmpi ne, %convert_element_type3A_348, %cond3A_349 : i32
        scf.if %cond3A_350 {
          "tpu.trace_start"() <{level = 10 : i32, message = "ep_wait_in"}> : () -> ()
          %mul3A_551 = arith.constant 64 : i32
          %mul3A_552 = arith.muli %mul3A_551, %add3A_221 : i32
          %rem3A_553 = arith.constant 2 : i32
          %rem3A_554 = arith.remui %scan3A_211, %rem3A_553 : i32
          %dma_wait3A_555 = arith.constant 0 : i32
          %dma_wait3A_556 = arith.constant 0 : i32
          %dma_wait3A_557 = tpu.memref_slice %run_scoped3A_10[%rem3A_554, %dma_wait3A_555, %dma_wait3A_556] : memref<2x64x16xf32, #tpu.memory_space<vmem>> -> memref<1x64x16xf32, #tpu.memory_space<vmem>>
          %dma_wait3A_558 = tpu.memref_squeeze %dma_wait3A_557 : memref<1x64x16xf32, #tpu.memory_space<vmem>> -> memref<64x16xf32, #tpu.memory_space<vmem>>
          %dma_wait3A_559 = arith.constant 0 : i32
          %dma_wait3A_560 = tpu.memref_slice %arg4[%mul3A_552, %dma_wait3A_559] : memref<16384x16xf32, #tpu.memory_space<hbm>> -> memref<64x16xf32, #tpu.memory_space<hbm>>
          %dma_wait3A_561 = tpu.memref_slice %run_scoped3A_11[%rem3A_554] : memref<2x!tpu.dma_semaphore, #tpu.memory_space<semaphore_mem>> -> memref<1x!tpu.dma_semaphore, #tpu.memory_space<semaphore_mem>>
          %dma_wait3A_562 = tpu.memref_squeeze %dma_wait3A_561 : memref<1x!tpu.dma_semaphore, #tpu.memory_space<semaphore_mem>> -> memref<!tpu.dma_semaphore, #tpu.memory_space<semaphore_mem>>
          %dma_wait3A_563 = arith.constant 0 : i32
          %dma_wait3A_564 = arith.constant 0 : i32
          %dma_wait3A_565 = tpu.memref_slice %run_scoped3A_10[%rem3A_554, %dma_wait3A_563, %dma_wait3A_564] : memref<2x64x16xf32, #tpu.memory_space<vmem>> -> memref<1x64x16xf32, #tpu.memory_space<vmem>>
          %dma_wait3A_566 = tpu.memref_squeeze %dma_wait3A_565 : memref<1x64x16xf32, #tpu.memory_space<vmem>> -> memref<64x16xf32, #tpu.memory_space<vmem>>
          %dma_wait3A_567 = arith.constant 0 : i32
          %dma_wait3A_568 = tpu.memref_slice %arg4[%mul3A_552, %dma_wait3A_567] : memref<16384x16xf32, #tpu.memory_space<hbm>> -> memref<64x16xf32, #tpu.memory_space<hbm>>
          tpu.wait_dma2 semaphore(%dma_wait3A_562 : memref<!tpu.dma_semaphore, #tpu.memory_space<semaphore_mem>>) src(%dma_wait3A_568 : memref<64x16xf32, #tpu.memory_space<hbm>>) dst(%dma_wait3A_566 : memref<64x16xf32, #tpu.memory_space<vmem>>)
          "tpu.trace_stop"() : () -> ()
        } else {
        }
        %ne3A_351 = arith.cmpi ne, %add3A_221, %add3A_230 : i32
        %or3A_352 = arith.constant false
        %or3A_353 = arith.ori %or3A_352, %ne3A_351 : i1
        %or3A_354 = arith.constant false
        %or3A_355 = arith.ori %or3A_353, %or3A_354 : i1
        %or3A_356 = arith.ori %or3A_355, %eq3A_218 : i1
        %convert_element_type3A_357 = arith.extui %or3A_356 : i1 to i32
        %cond3A_358 = arith.constant 0 : i32
        %cond3A_359 = arith.cmpi ne, %convert_element_type3A_357, %cond3A_358 : i32
        scf.if %cond3A_359 {
          "tpu.trace_start"() <{level = 10 : i32, message = "ep_wait_in"}> : () -> ()
          %mul3A_551 = arith.constant 64 : i32
          %mul3A_552 = arith.muli %mul3A_551, %add3A_221 : i32
          %rem3A_553 = arith.constant 2 : i32
          %rem3A_554 = arith.remui %scan3A_213, %rem3A_553 : i32
          %dma_wait3A_555 = arith.constant 0 : i32
          %dma_wait3A_556 = arith.constant 0 : i32
          %dma_wait3A_557 = tpu.memref_slice %run_scoped3A_12[%rem3A_554, %dma_wait3A_555, %dma_wait3A_556] : memref<2x64x16xf32, #tpu.memory_space<vmem>> -> memref<1x64x16xf32, #tpu.memory_space<vmem>>
          %dma_wait3A_558 = tpu.memref_squeeze %dma_wait3A_557 : memref<1x64x16xf32, #tpu.memory_space<vmem>> -> memref<64x16xf32, #tpu.memory_space<vmem>>
          %dma_wait3A_559 = arith.constant 0 : i32
          %dma_wait3A_560 = tpu.memref_slice %arg5[%mul3A_552, %dma_wait3A_559] : memref<16384x16xf32, #tpu.memory_space<hbm>> -> memref<64x16xf32, #tpu.memory_space<hbm>>
          %dma_wait3A_561 = tpu.memref_slice %run_scoped3A_13[%rem3A_554] : memref<2x!tpu.dma_semaphore, #tpu.memory_space<semaphore_mem>> -> memref<1x!tpu.dma_semaphore, #tpu.memory_space<semaphore_mem>>
          %dma_wait3A_562 = tpu.memref_squeeze %dma_wait3A_561 : memref<1x!tpu.dma_semaphore, #tpu.memory_space<semaphore_mem>> -> memref<!tpu.dma_semaphore, #tpu.memory_space<semaphore_mem>>
          %dma_wait3A_563 = arith.constant 0 : i32
          %dma_wait3A_564 = arith.constant 0 : i32
          %dma_wait3A_565 = tpu.memref_slice %run_scoped3A_12[%rem3A_554, %dma_wait3A_563, %dma_wait3A_564] : memref<2x64x16xf32, #tpu.memory_space<vmem>> -> memref<1x64x16xf32, #tpu.memory_space<vmem>>
          %dma_wait3A_566 = tpu.memref_squeeze %dma_wait3A_565 : memref<1x64x16xf32, #tpu.memory_space<vmem>> -> memref<64x16xf32, #tpu.memory_space<vmem>>
          %dma_wait3A_567 = arith.constant 0 : i32
          %dma_wait3A_568 = tpu.memref_slice %arg5[%mul3A_552, %dma_wait3A_567] : memref<16384x16xf32, #tpu.memory_space<hbm>> -> memref<64x16xf32, #tpu.memory_space<hbm>>
          tpu.wait_dma2 semaphore(%dma_wait3A_562 : memref<!tpu.dma_semaphore, #tpu.memory_space<semaphore_mem>>) src(%dma_wait3A_568 : memref<64x16xf32, #tpu.memory_space<hbm>>) dst(%dma_wait3A_566 : memref<64x16xf32, #tpu.memory_space<vmem>>)
          "tpu.trace_stop"() : () -> ()
        } else {
        }
        %ne3A_360 = arith.cmpi ne, %add3A_221, %add3A_230 : i32
        %or3A_361 = arith.constant false
        %or3A_362 = arith.ori %or3A_361, %ne3A_360 : i1
        %or3A_363 = arith.constant false
        %or3A_364 = arith.ori %or3A_362, %or3A_363 : i1
        %or3A_365 = arith.ori %or3A_364, %eq3A_218 : i1
        %convert_element_type3A_366 = arith.extui %or3A_365 : i1 to i32
        %cond3A_367 = arith.constant 0 : i32
        %cond3A_368 = arith.cmpi ne, %convert_element_type3A_366, %cond3A_367 : i32
        scf.if %cond3A_368 {
        } else {
        }
        %rem3A_369 = arith.constant 2 : i32
        %rem3A_370 = arith.remui %scan3A_207, %rem3A_369 : i32
        %rem3A_371 = arith.constant 2 : i32
        %rem3A_372 = arith.remui %scan3A_209, %rem3A_371 : i32
        %rem3A_373 = arith.constant 2 : i32
        %rem3A_374 = arith.remui %scan3A_211, %rem3A_373 : i32
        %rem3A_375 = arith.constant 2 : i32
        %rem3A_376 = arith.remui %scan3A_213, %rem3A_375 : i32
        %rem3A_377 = arith.constant 2 : i32
        %rem3A_378 = arith.remui %scan3A_214, %rem3A_377 : i32
        "tpu.trace_start"() <{level = 10 : i32, message = "ep_run_kernel"}> : () -> ()
        %iota3A = tpu.iota {dimensions = array<i32: 0>} : vector<16xi32>
        %parallel_loop3A = arith.constant 0 : i32
        %parallel_loop3A_379 = arith.constant 64 : i32
        %parallel_loop3A_380 = arith.constant 1 : i32
        scf.for %parallel_loop3A_551 = %parallel_loop3A to %parallel_loop3A_379 step %parallel_loop3A_380  : i32 {
          %parallel_loop3A_552 = arith.constant 0 : i32
          %parallel_loop3A_553 = arith.constant 0 : i32
          %parallel_loop3A_554 = tpu.memref_slice %run_scoped3A_10[%rem3A_374, %parallel_loop3A_552, %parallel_loop3A_553] : memref<2x64x16xf32, #tpu.memory_space<vmem>> -> memref<1x64x16xf32, #tpu.memory_space<vmem>>
          %parallel_loop3A_555 = tpu.memref_squeeze %parallel_loop3A_554 : memref<1x64x16xf32, #tpu.memory_space<vmem>> -> memref<64x16xf32, #tpu.memory_space<vmem>>
          %parallel_loop3A_556 = arith.index_cast %parallel_loop3A_551 : i32 to index
          %parallel_loop3A_557 = arith.constant 0 : index
          %parallel_loop3A_558 = tpu.vector_load %parallel_loop3A_555[%parallel_loop3A_556, %parallel_loop3A_557] {strides = array<i32>} : memref<64x16xf32, #tpu.memory_space<vmem>>, vector<1x16xf32>,
          %parallel_loop3A_559 = vector.shape_cast %parallel_loop3A_558 : vector<1x16xf32> to vector<16xf32>
          %parallel_loop3A_560 = arith.constant 0 : i32
          %parallel_loop3A_561 = arith.constant 0 : i32
          %parallel_loop3A_562 = tpu.memref_slice %run_scoped3A_12[%rem3A_376, %parallel_loop3A_560, %parallel_loop3A_561] : memref<2x64x16xf32, #tpu.memory_space<vmem>> -> memref<1x64x16xf32, #tpu.memory_space<vmem>>
          %parallel_loop3A_563 = tpu.memref_squeeze %parallel_loop3A_562 : memref<1x64x16xf32, #tpu.memory_space<vmem>> -> memref<64x16xf32, #tpu.memory_space<vmem>>
          %parallel_loop3A_564 = arith.index_cast %parallel_loop3A_551 : i32 to index
          %parallel_loop3A_565 = arith.constant 0 : index
          %parallel_loop3A_566 = tpu.vector_load %parallel_loop3A_563[%parallel_loop3A_564, %parallel_loop3A_565] {strides = array<i32>} : memref<64x16xf32, #tpu.memory_space<vmem>>, vector<1x16xf32>,
          %parallel_loop3A_567 = vector.shape_cast %parallel_loop3A_566 : vector<1x16xf32> to vector<16xf32>
          %parallel_loop3A_568 = arith.constant 1.000000e+00 : f32
          %parallel_loop3A_569 = vector.broadcast %parallel_loop3A_568 : f32 to vector<16xf32>
          %parallel_loop3A_570 = arith.subf %parallel_loop3A_559, %parallel_loop3A_569 : vector<16xf32>
          %parallel_loop3A_571 = arith.constant 1.000000e+00 : f32
          %parallel_loop3A_572 = vector.broadcast %parallel_loop3A_571 : f32 to vector<16xf32>
          %parallel_loop3A_573 = arith.addf %parallel_loop3A_567, %parallel_loop3A_572 : vector<16xf32>
          %parallel_loop3A_574 = arith.constant 1.000000e+00 : f32
          %parallel_loop3A_575 = vector.broadcast %parallel_loop3A_574 : f32 to vector<16xf32>
          %parallel_loop3A_576 = arith.addf %parallel_loop3A_559, %parallel_loop3A_575 : vector<16xf32>
          %parallel_loop3A_577 = arith.constant 1.000000e+00 : f32
          %parallel_loop3A_578 = vector.broadcast %parallel_loop3A_577 : f32 to vector<16xf32>
          %parallel_loop3A_579 = arith.subf %parallel_loop3A_567, %parallel_loop3A_578 : vector<16xf32>
          %parallel_loop3A_580 = arith.constant 0 : i32
          %parallel_loop3A_581 = arith.constant 0 : i32
          %parallel_loop3A_582 = arith.constant 0 : i32
          %parallel_loop3A_583 = tpu.memref_slice %run_scoped3A[%rem3A_370, %parallel_loop3A_581, %parallel_loop3A_582] : memref<2x1x64xf32, #tpu.memory_space<vmem>> -> memref<1x1x64xf32, #tpu.memory_space<vmem>>
          %parallel_loop3A_584 = tpu.memref_squeeze %parallel_loop3A_583 : memref<1x1x64xf32, #tpu.memory_space<vmem>> -> memref<1x64xf32, #tpu.memory_space<vmem>>
          %parallel_loop3A_585 = arith.index_cast %parallel_loop3A_580 : i32 to index
          %parallel_loop3A_586 = arith.constant 0 : index
          %parallel_loop3A_587 = tpu.vector_load %parallel_loop3A_584[%parallel_loop3A_585, %parallel_loop3A_586] {strides = array<i32>} : memref<1x64xf32, #tpu.memory_space<vmem>>, vector<1x16xf32>,
          %parallel_loop3A_588 = vector.shape_cast %parallel_loop3A_587 : vector<1x16xf32> to vector<16xf32>
          %parallel_loop3A_589 = arith.constant 0 : i32
          %parallel_loop3A_590 = arith.constant 0 : i32
          %parallel_loop3A_591 = arith.constant 0 : i32
          %parallel_loop3A_592 = tpu.memref_slice %run_scoped3A_8[%rem3A_372, %parallel_loop3A_590, %parallel_loop3A_591] : memref<2x1x64xf32, #tpu.memory_space<vmem>> -> memref<1x1x64xf32, #tpu.memory_space<vmem>>
          %parallel_loop3A_593 = tpu.memref_squeeze %parallel_loop3A_592 : memref<1x1x64xf32, #tpu.memory_space<vmem>> -> memref<1x64xf32, #tpu.memory_space<vmem>>
          %parallel_loop3A_594 = arith.index_cast %parallel_loop3A_589 : i32 to index
          %parallel_loop3A_595 = arith.constant 0 : index
          %parallel_loop3A_596 = tpu.vector_load %parallel_loop3A_593[%parallel_loop3A_594, %parallel_loop3A_595] {strides = array<i32>} : memref<1x64xf32, #tpu.memory_space<vmem>>, vector<1x16xf32>,
          %parallel_loop3A_597 = vector.shape_cast %parallel_loop3A_596 : vector<1x16xf32> to vector<16xf32>
          %parallel_loop3A_598 = arith.subf %parallel_loop3A_588, %parallel_loop3A_570 : vector<16xf32>
          %parallel_loop3A_599 = arith.constant 2.000000e+00 : f32
          %parallel_loop3A_600 = vector.broadcast %parallel_loop3A_599 : f32 to vector<16xf32>
          %parallel_loop3A_601 = arith.divf %parallel_loop3A_598, %parallel_loop3A_600 : vector<16xf32>
          %parallel_loop3A_602 = arith.constant 8.000000e+00 : f32
          %parallel_loop3A_603 = vector.broadcast %parallel_loop3A_602 : f32 to vector<16xf32>
          %parallel_loop3A_604 = arith.mulf %parallel_loop3A_601, %parallel_loop3A_603 : vector<16xf32>
          %parallel_loop3A_605 = arith.subf %parallel_loop3A_573, %parallel_loop3A_597 : vector<16xf32>
          %parallel_loop3A_606 = arith.constant 2.000000e+00 : f32
          %parallel_loop3A_607 = vector.broadcast %parallel_loop3A_606 : f32 to vector<16xf32>
          %parallel_loop3A_608 = arith.divf %parallel_loop3A_605, %parallel_loop3A_607 : vector<16xf32>
          %parallel_loop3A_609 = arith.constant 8.000000e+00 : f32
          %parallel_loop3A_610 = vector.broadcast %parallel_loop3A_609 : f32 to vector<16xf32>
          %parallel_loop3A_611 = arith.mulf %parallel_loop3A_608, %parallel_loop3A_610 : vector<16xf32>
          %parallel_loop3A_612 = arith.fptosi %parallel_loop3A_604 : vector<16xf32> to vector<16xi32>
          %parallel_loop3A_613 = arith.fptosi %parallel_loop3A_611 : vector<16xf32> to vector<16xi32>
          %parallel_loop3A_614 = arith.cmpf oge, %parallel_loop3A_588, %parallel_loop3A_576 : vector<16xf32>
          %parallel_loop3A_615 = arith.cmpf ole, %parallel_loop3A_588, %parallel_loop3A_570 : vector<16xf32>
          %parallel_loop3A_616 = arith.ori %parallel_loop3A_614, %parallel_loop3A_615 : vector<16xi1>
          %parallel_loop3A_617 = arith.cmpf oge, %parallel_loop3A_597, %parallel_loop3A_573 : vector<16xf32>
          %parallel_loop3A_618 = arith.cmpf ole, %parallel_loop3A_597, %parallel_loop3A_579 : vector<16xf32>
          %parallel_loop3A_619 = arith.ori %parallel_loop3A_617, %parallel_loop3A_618 : vector<16xi1>
          %parallel_loop3A_620 = arith.constant 0 : i32
          %parallel_loop3A_621 = vector.broadcast %parallel_loop3A_620 : i32 to vector<16xi32>
          %parallel_loop3A_622 = arith.addi %iota3A, %parallel_loop3A_621 : vector<16xi32>
          %parallel_loop3A_623 = vector.broadcast %parallel_loop3A_551 : i32 to vector<16xi32>
          %parallel_loop3A_624 = arith.cmpi eq, %parallel_loop3A_622, %parallel_loop3A_623 : vector<16xi32>
          %parallel_loop3A_625 = arith.ori %parallel_loop3A_616, %parallel_loop3A_619 : vector<16xi1>
          %parallel_loop3A_626 = arith.ori %parallel_loop3A_625, %parallel_loop3A_624 : vector<16xi1>
          %parallel_loop3A_627 = arith.constant 8 : i32
          %parallel_loop3A_628 = vector.broadcast %parallel_loop3A_627 : i32 to vector<16xi32>
          %parallel_loop3A_629 = arith.muli %parallel_loop3A_613, %parallel_loop3A_628 : vector<16xi32>
          %parallel_loop3A_630 = arith.addi %parallel_loop3A_612, %parallel_loop3A_629 : vector<16xi32>
          %parallel_loop3A_631 = arith.constant -1 : i32
          %parallel_loop3A_632 = vector.broadcast %parallel_loop3A_631 : i32 to vector<16xi32>
          %parallel_loop3A_633 = arith.select %parallel_loop3A_626, %parallel_loop3A_632, %parallel_loop3A_630 : vector<16xi1>, vector<16xi32>
          %parallel_loop3A_634 = arith.constant 0 : i32
          %parallel_loop3A_635 = arith.constant 0 : i32
          %parallel_loop3A_636 = tpu.memref_slice %run_scoped3A_14[%rem3A_378, %parallel_loop3A_634, %parallel_loop3A_635] : memref<2x64x64xi32, #tpu.memory_space<vmem>> -> memref<1x64x64xi32, #tpu.memory_space<vmem>>
          %parallel_loop3A_637 = tpu.memref_squeeze %parallel_loop3A_636 : memref<1x64x64xi32, #tpu.memory_space<vmem>> -> memref<64x64xi32, #tpu.memory_space<vmem>>
          %parallel_loop3A_638 = arith.index_cast %parallel_loop3A_551 : i32 to index
          %parallel_loop3A_639 = arith.constant 0 : index
          %parallel_loop3A_640 = tpu.vector_load %parallel_loop3A_637[%parallel_loop3A_638, %parallel_loop3A_639] {strides = array<i32>} : memref<64x64xi32, #tpu.memory_space<vmem>>, vector<1x16xi32>,
          %parallel_loop3A_641 = vector.shape_cast %parallel_loop3A_640 : vector<1x16xi32> to vector<16xi32>
          %parallel_loop3A_642 = vector.shape_cast %parallel_loop3A_633 : vector<16xi32> to vector<1x16xi32>
          tpu.vector_store %parallel_loop3A_637[%parallel_loop3A_638, %parallel_loop3A_639], %parallel_loop3A_642 {strides = array<i32>} : memref<64x64xi32, #tpu.memory_space<vmem>>, vector<1x16xi32>,
          %parallel_loop3A_643 = arith.constant 0 : i32
          %parallel_loop3A_644 = arith.constant 0 : i32
          %parallel_loop3A_645 = arith.constant 0 : i32
          %parallel_loop3A_646 = tpu.memref_slice %run_scoped3A[%rem3A_370, %parallel_loop3A_644, %parallel_loop3A_645] : memref<2x1x64xf32, #tpu.memory_space<vmem>> -> memref<1x1x64xf32, #tpu.memory_space<vmem>>
          %parallel_loop3A_647 = tpu.memref_squeeze %parallel_loop3A_646 : memref<1x1x64xf32, #tpu.memory_space<vmem>> -> memref<1x64xf32, #tpu.memory_space<vmem>>
          %parallel_loop3A_648 = arith.index_cast %parallel_loop3A_643 : i32 to index
          %parallel_loop3A_649 = arith.constant 16 : index
          %parallel_loop3A_650 = tpu.vector_load %parallel_loop3A_647[%parallel_loop3A_648, %parallel_loop3A_649] {strides = array<i32>} : memref<1x64xf32, #tpu.memory_space<vmem>>, vector<1x16xf32>,
          %parallel_loop3A_651 = vector.shape_cast %parallel_loop3A_650 : vector<1x16xf32> to vector<16xf32>
          %parallel_loop3A_652 = arith.constant 0 : i32
          %parallel_loop3A_653 = arith.constant 0 : i32
          %parallel_loop3A_654 = arith.constant 0 : i32
          %parallel_loop3A_655 = tpu.memref_slice %run_scoped3A_8[%rem3A_372, %parallel_loop3A_653, %parallel_loop3A_654] : memref<2x1x64xf32, #tpu.memory_space<vmem>> -> memref<1x1x64xf32, #tpu.memory_space<vmem>>
          %parallel_loop3A_656 = tpu.memref_squeeze %parallel_loop3A_655 : memref<1x1x64xf32, #tpu.memory_space<vmem>> -> memref<1x64xf32, #tpu.memory_space<vmem>>
          %parallel_loop3A_657 = arith.index_cast %parallel_loop3A_652 : i32 to index
          %parallel_loop3A_658 = arith.constant 16 : index
          %parallel_loop3A_659 = tpu.vector_load %parallel_loop3A_656[%parallel_loop3A_657, %parallel_loop3A_658] {strides = array<i32>} : memref<1x64xf32, #tpu.memory_space<vmem>>, vector<1x16xf32>,
          %parallel_loop3A_660 = vector.shape_cast %parallel_loop3A_659 : vector<1x16xf32> to vector<16xf32>
          %parallel_loop3A_661 = arith.subf %parallel_loop3A_651, %parallel_loop3A_570 : vector<16xf32>
          %parallel_loop3A_662 = arith.constant 2.000000e+00 : f32
          %parallel_loop3A_663 = vector.broadcast %parallel_loop3A_662 : f32 to vector<16xf32>
          %parallel_loop3A_664 = arith.divf %parallel_loop3A_661, %parallel_loop3A_663 : vector<16xf32>
          %parallel_loop3A_665 = arith.constant 8.000000e+00 : f32
          %parallel_loop3A_666 = vector.broadcast %parallel_loop3A_665 : f32 to vector<16xf32>
          %parallel_loop3A_667 = arith.mulf %parallel_loop3A_664, %parallel_loop3A_666 : vector<16xf32>
          %parallel_loop3A_668 = arith.subf %parallel_loop3A_573, %parallel_loop3A_660 : vector<16xf32>
          %parallel_loop3A_669 = arith.constant 2.000000e+00 : f32
          %parallel_loop3A_670 = vector.broadcast %parallel_loop3A_669 : f32 to vector<16xf32>
          %parallel_loop3A_671 = arith.divf %parallel_loop3A_668, %parallel_loop3A_670 : vector<16xf32>
          %parallel_loop3A_672 = arith.constant 8.000000e+00 : f32
          %parallel_loop3A_673 = vector.broadcast %parallel_loop3A_672 : f32 to vector<16xf32>
          %parallel_loop3A_674 = arith.mulf %parallel_loop3A_671, %parallel_loop3A_673 : vector<16xf32>
          %parallel_loop3A_675 = arith.fptosi %parallel_loop3A_667 : vector<16xf32> to vector<16xi32>
          %parallel_loop3A_676 = arith.fptosi %parallel_loop3A_674 : vector<16xf32> to vector<16xi32>
          %parallel_loop3A_677 = arith.cmpf oge, %parallel_loop3A_651, %parallel_loop3A_576 : vector<16xf32>
          %parallel_loop3A_678 = arith.cmpf ole, %parallel_loop3A_651, %parallel_loop3A_570 : vector<16xf32>
          %parallel_loop3A_679 = arith.ori %parallel_loop3A_677, %parallel_loop3A_678 : vector<16xi1>
          %parallel_loop3A_680 = arith.cmpf oge, %parallel_loop3A_660, %parallel_loop3A_573 : vector<16xf32>
          %parallel_loop3A_681 = arith.cmpf ole, %parallel_loop3A_660, %parallel_loop3A_579 : vector<16xf32>
          %parallel_loop3A_682 = arith.ori %parallel_loop3A_680, %parallel_loop3A_681 : vector<16xi1>
          %parallel_loop3A_683 = arith.constant 16 : i32
          %parallel_loop3A_684 = vector.broadcast %parallel_loop3A_683 : i32 to vector<16xi32>
          %parallel_loop3A_685 = arith.addi %iota3A, %parallel_loop3A_684 : vector<16xi32>
          %parallel_loop3A_686 = vector.broadcast %parallel_loop3A_551 : i32 to vector<16xi32>
          %parallel_loop3A_687 = arith.cmpi eq, %parallel_loop3A_685, %parallel_loop3A_686 : vector<16xi32>
          %parallel_loop3A_688 = arith.ori %parallel_loop3A_679, %parallel_loop3A_682 : vector<16xi1>
          %parallel_loop3A_689 = arith.ori %parallel_loop3A_688, %parallel_loop3A_687 : vector<16xi1>
          %parallel_loop3A_690 = arith.constant 8 : i32
          %parallel_loop3A_691 = vector.broadcast %parallel_loop3A_690 : i32 to vector<16xi32>
          %parallel_loop3A_692 = arith.muli %parallel_loop3A_676, %parallel_loop3A_691 : vector<16xi32>
          %parallel_loop3A_693 = arith.addi %parallel_loop3A_675, %parallel_loop3A_692 : vector<16xi32>
          %parallel_loop3A_694 = arith.constant -1 : i32
          %parallel_loop3A_695 = vector.broadcast %parallel_loop3A_694 : i32 to vector<16xi32>
          %parallel_loop3A_696 = arith.select %parallel_loop3A_689, %parallel_loop3A_695, %parallel_loop3A_693 : vector<16xi1>, vector<16xi32>
          %parallel_loop3A_697 = arith.constant 0 : i32
          %parallel_loop3A_698 = arith.constant 0 : i32
          %parallel_loop3A_699 = tpu.memref_slice %run_scoped3A_14[%rem3A_378, %parallel_loop3A_697, %parallel_loop3A_698] : memref<2x64x64xi32, #tpu.memory_space<vmem>> -> memref<1x64x64xi32, #tpu.memory_space<vmem>>
          %parallel_loop3A_700 = tpu.memref_squeeze %parallel_loop3A_699 : memref<1x64x64xi32, #tpu.memory_space<vmem>> -> memref<64x64xi32, #tpu.memory_space<vmem>>
          %parallel_loop3A_701 = arith.index_cast %parallel_loop3A_551 : i32 to index
          %parallel_loop3A_702 = arith.constant 16 : index
          %parallel_loop3A_703 = tpu.vector_load %parallel_loop3A_700[%parallel_loop3A_701, %parallel_loop3A_702] {strides = array<i32>} : memref<64x64xi32, #tpu.memory_space<vmem>>, vector<1x16xi32>,
          %parallel_loop3A_704 = vector.shape_cast %parallel_loop3A_703 : vector<1x16xi32> to vector<16xi32>
          %parallel_loop3A_705 = vector.shape_cast %parallel_loop3A_696 : vector<16xi32> to vector<1x16xi32>
          tpu.vector_store %parallel_loop3A_700[%parallel_loop3A_701, %parallel_loop3A_702], %parallel_loop3A_705 {strides = array<i32>} : memref<64x64xi32, #tpu.memory_space<vmem>>, vector<1x16xi32>,
          %parallel_loop3A_706 = arith.constant 0 : i32
          %parallel_loop3A_707 = arith.constant 0 : i32
          %parallel_loop3A_708 = arith.constant 0 : i32
          %parallel_loop3A_709 = tpu.memref_slice %run_scoped3A[%rem3A_370, %parallel_loop3A_707, %parallel_loop3A_708] : memref<2x1x64xf32, #tpu.memory_space<vmem>> -> memref<1x1x64xf32, #tpu.memory_space<vmem>>
          %parallel_loop3A_710 = tpu.memref_squeeze %parallel_loop3A_709 : memref<1x1x64xf32, #tpu.memory_space<vmem>> -> memref<1x64xf32, #tpu.memory_space<vmem>>
          %parallel_loop3A_711 = arith.index_cast %parallel_loop3A_706 : i32 to index
          %parallel_loop3A_712 = arith.constant 32 : index
          %parallel_loop3A_713 = tpu.vector_load %parallel_loop3A_710[%parallel_loop3A_711, %parallel_loop3A_712] {strides = array<i32>} : memref<1x64xf32, #tpu.memory_space<vmem>>, vector<1x16xf32>,
          %parallel_loop3A_714 = vector.shape_cast %parallel_loop3A_713 : vector<1x16xf32> to vector<16xf32>
          %parallel_loop3A_715 = arith.constant 0 : i32
          %parallel_loop3A_716 = arith.constant 0 : i32
          %parallel_loop3A_717 = arith.constant 0 : i32
          %parallel_loop3A_718 = tpu.memref_slice %run_scoped3A_8[%rem3A_372, %parallel_loop3A_716, %parallel_loop3A_717] : memref<2x1x64xf32, #tpu.memory_space<vmem>> -> memref<1x1x64xf32, #tpu.memory_space<vmem>>
          %parallel_loop3A_719 = tpu.memref_squeeze %parallel_loop3A_718 : memref<1x1x64xf32, #tpu.memory_space<vmem>> -> memref<1x64xf32, #tpu.memory_space<vmem>>
          %parallel_loop3A_720 = arith.index_cast %parallel_loop3A_715 : i32 to index
          %parallel_loop3A_721 = arith.constant 32 : index
          %parallel_loop3A_722 = tpu.vector_load %parallel_loop3A_719[%parallel_loop3A_720, %parallel_loop3A_721] {strides = array<i32>} : memref<1x64xf32, #tpu.memory_space<vmem>>, vector<1x16xf32>,
          %parallel_loop3A_723 = vector.shape_cast %parallel_loop3A_722 : vector<1x16xf32> to vector<16xf32>
          %parallel_loop3A_724 = arith.subf %parallel_loop3A_714, %parallel_loop3A_570 : vector<16xf32>
          %parallel_loop3A_725 = arith.constant 2.000000e+00 : f32
          %parallel_loop3A_726 = vector.broadcast %parallel_loop3A_725 : f32 to vector<16xf32>
          %parallel_loop3A_727 = arith.divf %parallel_loop3A_724, %parallel_loop3A_726 : vector<16xf32>
          %parallel_loop3A_728 = arith.constant 8.000000e+00 : f32
          %parallel_loop3A_729 = vector.broadcast %parallel_loop3A_728 : f32 to vector<16xf32>
          %parallel_loop3A_730 = arith.mulf %parallel_loop3A_727, %parallel_loop3A_729 : vector<16xf32>
          %parallel_loop3A_731 = arith.subf %parallel_loop3A_573, %parallel_loop3A_723 : vector<16xf32>
          %parallel_loop3A_732 = arith.constant 2.000000e+00 : f32
          %parallel_loop3A_733 = vector.broadcast %parallel_loop3A_732 : f32 to vector<16xf32>
          %parallel_loop3A_734 = arith.divf %parallel_loop3A_731, %parallel_loop3A_733 : vector<16xf32>
          %parallel_loop3A_735 = arith.constant 8.000000e+00 : f32
          %parallel_loop3A_736 = vector.broadcast %parallel_loop3A_735 : f32 to vector<16xf32>
          %parallel_loop3A_737 = arith.mulf %parallel_loop3A_734, %parallel_loop3A_736 : vector<16xf32>
          %parallel_loop3A_738 = arith.fptosi %parallel_loop3A_730 : vector<16xf32> to vector<16xi32>
          %parallel_loop3A_739 = arith.fptosi %parallel_loop3A_737 : vector<16xf32> to vector<16xi32>
          %parallel_loop3A_740 = arith.cmpf oge, %parallel_loop3A_714, %parallel_loop3A_576 : vector<16xf32>
          %parallel_loop3A_741 = arith.cmpf ole, %parallel_loop3A_714, %parallel_loop3A_570 : vector<16xf32>
          %parallel_loop3A_742 = arith.ori %parallel_loop3A_740, %parallel_loop3A_741 : vector<16xi1>
          %parallel_loop3A_743 = arith.cmpf oge, %parallel_loop3A_723, %parallel_loop3A_573 : vector<16xf32>
          %parallel_loop3A_744 = arith.cmpf ole, %parallel_loop3A_723, %parallel_loop3A_579 : vector<16xf32>
          %parallel_loop3A_745 = arith.ori %parallel_loop3A_743, %parallel_loop3A_744 : vector<16xi1>
          %parallel_loop3A_746 = arith.constant 32 : i32
          %parallel_loop3A_747 = vector.broadcast %parallel_loop3A_746 : i32 to vector<16xi32>
          %parallel_loop3A_748 = arith.addi %iota3A, %parallel_loop3A_747 : vector<16xi32>
          %parallel_loop3A_749 = vector.broadcast %parallel_loop3A_551 : i32 to vector<16xi32>
          %parallel_loop3A_750 = arith.cmpi eq, %parallel_loop3A_748, %parallel_loop3A_749 : vector<16xi32>
          %parallel_loop3A_751 = arith.ori %parallel_loop3A_742, %parallel_loop3A_745 : vector<16xi1>
          %parallel_loop3A_752 = arith.ori %parallel_loop3A_751, %parallel_loop3A_750 : vector<16xi1>
          %parallel_loop3A_753 = arith.constant 8 : i32
          %parallel_loop3A_754 = vector.broadcast %parallel_loop3A_753 : i32 to vector<16xi32>
          %parallel_loop3A_755 = arith.muli %parallel_loop3A_739, %parallel_loop3A_754 : vector<16xi32>
          %parallel_loop3A_756 = arith.addi %parallel_loop3A_738, %parallel_loop3A_755 : vector<16xi32>
          %parallel_loop3A_757 = arith.constant -1 : i32
          %parallel_loop3A_758 = vector.broadcast %parallel_loop3A_757 : i32 to vector<16xi32>
          %parallel_loop3A_759 = arith.select %parallel_loop3A_752, %parallel_loop3A_758, %parallel_loop3A_756 : vector<16xi1>, vector<16xi32>
          %parallel_loop3A_760 = arith.constant 0 : i32
          %parallel_loop3A_761 = arith.constant 0 : i32
          %parallel_loop3A_762 = tpu.memref_slice %run_scoped3A_14[%rem3A_378, %parallel_loop3A_760, %parallel_loop3A_761] : memref<2x64x64xi32, #tpu.memory_space<vmem>> -> memref<1x64x64xi32, #tpu.memory_space<vmem>>
          %parallel_loop3A_763 = tpu.memref_squeeze %parallel_loop3A_762 : memref<1x64x64xi32, #tpu.memory_space<vmem>> -> memref<64x64xi32, #tpu.memory_space<vmem>>
          %parallel_loop3A_764 = arith.index_cast %parallel_loop3A_551 : i32 to index
          %parallel_loop3A_765 = arith.constant 32 : index
          %parallel_loop3A_766 = tpu.vector_load %parallel_loop3A_763[%parallel_loop3A_764, %parallel_loop3A_765] {strides = array<i32>} : memref<64x64xi32, #tpu.memory_space<vmem>>, vector<1x16xi32>,
          %parallel_loop3A_767 = vector.shape_cast %parallel_loop3A_766 : vector<1x16xi32> to vector<16xi32>
          %parallel_loop3A_768 = vector.shape_cast %parallel_loop3A_759 : vector<16xi32> to vector<1x16xi32>
          tpu.vector_store %parallel_loop3A_763[%parallel_loop3A_764, %parallel_loop3A_765], %parallel_loop3A_768 {strides = array<i32>} : memref<64x64xi32, #tpu.memory_space<vmem>>, vector<1x16xi32>,
          %parallel_loop3A_769 = arith.constant 0 : i32
          %parallel_loop3A_770 = arith.constant 0 : i32
          %parallel_loop3A_771 = arith.constant 0 : i32
          %parallel_loop3A_772 = tpu.memref_slice %run_scoped3A[%rem3A_370, %parallel_loop3A_770, %parallel_loop3A_771] : memref<2x1x64xf32, #tpu.memory_space<vmem>> -> memref<1x1x64xf32, #tpu.memory_space<vmem>>
          %parallel_loop3A_773 = tpu.memref_squeeze %parallel_loop3A_772 : memref<1x1x64xf32, #tpu.memory_space<vmem>> -> memref<1x64xf32, #tpu.memory_space<vmem>>
          %parallel_loop3A_774 = arith.index_cast %parallel_loop3A_769 : i32 to index
          %parallel_loop3A_775 = arith.constant 48 : index
          %parallel_loop3A_776 = tpu.vector_load %parallel_loop3A_773[%parallel_loop3A_774, %parallel_loop3A_775] {strides = array<i32>} : memref<1x64xf32, #tpu.memory_space<vmem>>, vector<1x16xf32>,
          %parallel_loop3A_777 = vector.shape_cast %parallel_loop3A_776 : vector<1x16xf32> to vector<16xf32>
          %parallel_loop3A_778 = arith.constant 0 : i32
          %parallel_loop3A_779 = arith.constant 0 : i32
          %parallel_loop3A_780 = arith.constant 0 : i32
          %parallel_loop3A_781 = tpu.memref_slice %run_scoped3A_8[%rem3A_372, %parallel_loop3A_779, %parallel_loop3A_780] : memref<2x1x64xf32, #tpu.memory_space<vmem>> -> memref<1x1x64xf32, #tpu.memory_space<vmem>>
          %parallel_loop3A_782 = tpu.memref_squeeze %parallel_loop3A_781 : memref<1x1x64xf32, #tpu.memory_space<vmem>> -> memref<1x64xf32, #tpu.memory_space<vmem>>
          %parallel_loop3A_783 = arith.index_cast %parallel_loop3A_778 : i32 to index
          %parallel_loop3A_784 = arith.constant 48 : index
          %parallel_loop3A_785 = tpu.vector_load %parallel_loop3A_782[%parallel_loop3A_783, %parallel_loop3A_784] {strides = array<i32>} : memref<1x64xf32, #tpu.memory_space<vmem>>, vector<1x16xf32>,
          %parallel_loop3A_786 = vector.shape_cast %parallel_loop3A_785 : vector<1x16xf32> to vector<16xf32>
          %parallel_loop3A_787 = arith.subf %parallel_loop3A_777, %parallel_loop3A_570 : vector<16xf32>
          %parallel_loop3A_788 = arith.constant 2.000000e+00 : f32
          %parallel_loop3A_789 = vector.broadcast %parallel_loop3A_788 : f32 to vector<16xf32>
          %parallel_loop3A_790 = arith.divf %parallel_loop3A_787, %parallel_loop3A_789 : vector<16xf32>
          %parallel_loop3A_791 = arith.constant 8.000000e+00 : f32
          %parallel_loop3A_792 = vector.broadcast %parallel_loop3A_791 : f32 to vector<16xf32>
          %parallel_loop3A_793 = arith.mulf %parallel_loop3A_790, %parallel_loop3A_792 : vector<16xf32>
          %parallel_loop3A_794 = arith.subf %parallel_loop3A_573, %parallel_loop3A_786 : vector<16xf32>
          %parallel_loop3A_795 = arith.constant 2.000000e+00 : f32
          %parallel_loop3A_796 = vector.broadcast %parallel_loop3A_795 : f32 to vector<16xf32>
          %parallel_loop3A_797 = arith.divf %parallel_loop3A_794, %parallel_loop3A_796 : vector<16xf32>
          %parallel_loop3A_798 = arith.constant 8.000000e+00 : f32
          %parallel_loop3A_799 = vector.broadcast %parallel_loop3A_798 : f32 to vector<16xf32>
          %parallel_loop3A_800 = arith.mulf %parallel_loop3A_797, %parallel_loop3A_799 : vector<16xf32>
          %parallel_loop3A_801 = arith.fptosi %parallel_loop3A_793 : vector<16xf32> to vector<16xi32>
          %parallel_loop3A_802 = arith.fptosi %parallel_loop3A_800 : vector<16xf32> to vector<16xi32>
          %parallel_loop3A_803 = arith.cmpf oge, %parallel_loop3A_777, %parallel_loop3A_576 : vector<16xf32>
          %parallel_loop3A_804 = arith.cmpf ole, %parallel_loop3A_777, %parallel_loop3A_570 : vector<16xf32>
          %parallel_loop3A_805 = arith.ori %parallel_loop3A_803, %parallel_loop3A_804 : vector<16xi1>
          %parallel_loop3A_806 = arith.cmpf oge, %parallel_loop3A_786, %parallel_loop3A_573 : vector<16xf32>
          %parallel_loop3A_807 = arith.cmpf ole, %parallel_loop3A_786, %parallel_loop3A_579 : vector<16xf32>
          %parallel_loop3A_808 = arith.ori %parallel_loop3A_806, %parallel_loop3A_807 : vector<16xi1>
          %parallel_loop3A_809 = arith.constant 48 : i32
          %parallel_loop3A_810 = vector.broadcast %parallel_loop3A_809 : i32 to vector<16xi32>
          %parallel_loop3A_811 = arith.addi %iota3A, %parallel_loop3A_810 : vector<16xi32>
          %parallel_loop3A_812 = vector.broadcast %parallel_loop3A_551 : i32 to vector<16xi32>
          %parallel_loop3A_813 = arith.cmpi eq, %parallel_loop3A_811, %parallel_loop3A_812 : vector<16xi32>
          %parallel_loop3A_814 = arith.ori %parallel_loop3A_805, %parallel_loop3A_808 : vector<16xi1>
          %parallel_loop3A_815 = arith.ori %parallel_loop3A_814, %parallel_loop3A_813 : vector<16xi1>
          %parallel_loop3A_816 = arith.constant 8 : i32
          %parallel_loop3A_817 = vector.broadcast %parallel_loop3A_816 : i32 to vector<16xi32>
          %parallel_loop3A_818 = arith.muli %parallel_loop3A_802, %parallel_loop3A_817 : vector<16xi32>
          %parallel_loop3A_819 = arith.addi %parallel_loop3A_801, %parallel_loop3A_818 : vector<16xi32>
          %parallel_loop3A_820 = arith.constant -1 : i32
          %parallel_loop3A_821 = vector.broadcast %parallel_loop3A_820 : i32 to vector<16xi32>
          %parallel_loop3A_822 = arith.select %parallel_loop3A_815, %parallel_loop3A_821, %parallel_loop3A_819 : vector<16xi1>, vector<16xi32>
          %parallel_loop3A_823 = arith.constant 0 : i32
          %parallel_loop3A_824 = arith.constant 0 : i32
          %parallel_loop3A_825 = tpu.memref_slice %run_scoped3A_14[%rem3A_378, %parallel_loop3A_823, %parallel_loop3A_824] : memref<2x64x64xi32, #tpu.memory_space<vmem>> -> memref<1x64x64xi32, #tpu.memory_space<vmem>>
          %parallel_loop3A_826 = tpu.memref_squeeze %parallel_loop3A_825 : memref<1x64x64xi32, #tpu.memory_space<vmem>> -> memref<64x64xi32, #tpu.memory_space<vmem>>
          %parallel_loop3A_827 = arith.index_cast %parallel_loop3A_551 : i32 to index
          %parallel_loop3A_828 = arith.constant 48 : index
          %parallel_loop3A_829 = tpu.vector_load %parallel_loop3A_826[%parallel_loop3A_827, %parallel_loop3A_828] {strides = array<i32>} : memref<64x64xi32, #tpu.memory_space<vmem>>, vector<1x16xi32>,
          %parallel_loop3A_830 = vector.shape_cast %parallel_loop3A_829 : vector<1x16xi32> to vector<16xi32>
          %parallel_loop3A_831 = vector.shape_cast %parallel_loop3A_822 : vector<16xi32> to vector<1x16xi32>
          tpu.vector_store %parallel_loop3A_826[%parallel_loop3A_827, %parallel_loop3A_828], %parallel_loop3A_831 {strides = array<i32>} : memref<64x64xi32, #tpu.memory_space<vmem>>, vector<1x16xi32>,
        } {sc.loop_unroll_factor = 4 : i64, sc.parallel_access}
        "tpu.trace_stop"() : () -> ()
        %ne3A_381 = arith.cmpi ne, %add3A_221, %add3A_239 : i32
        %or3A_382 = arith.constant false
        %or3A_383 = arith.ori %or3A_382, %ne3A_381 : i1
        %or3A_384 = arith.constant false
        %or3A_385 = arith.ori %or3A_383, %or3A_384 : i1
        %or3A_386 = arith.ori %or3A_385, %eq3A_220 : i1
        %convert_element_type3A_387 = arith.extui %or3A_386 : i1 to i32
        %cond3A_388 = arith.constant 0 : i32
        %cond3A_389 = arith.cmpi ne, %convert_element_type3A_387, %cond3A_388 : i32
        scf.if %cond3A_389 {
        } else {
        }
        %and3A_390 = arith.constant false
        %and3A_391 = arith.andi %or3A_386, %and3A_390 : i1
        %ne3A_392 = arith.cmpi ne, %add3A_221, %add3A_239 : i32
        %or3A_393 = arith.constant false
        %or3A_394 = arith.ori %or3A_393, %ne3A_392 : i1
        %or3A_395 = arith.constant false
        %or3A_396 = arith.ori %or3A_394, %or3A_395 : i1
        %or3A_397 = arith.ori %or3A_396, %eq3A_220 : i1
        %convert_element_type3A_398 = arith.extui %or3A_397 : i1 to i32
        %cond3A_399 = arith.constant 0 : i32
        %cond3A_400 = arith.cmpi ne, %convert_element_type3A_398, %cond3A_399 : i32
        scf.if %cond3A_400 {
        } else {
        }
        %and3A_401 = arith.constant false
        %and3A_402 = arith.andi %or3A_397, %and3A_401 : i1
        %ne3A_403 = arith.cmpi ne, %add3A_221, %add3A_239 : i32
        %or3A_404 = arith.constant false
        %or3A_405 = arith.ori %or3A_404, %ne3A_403 : i1
        %or3A_406 = arith.constant false
        %or3A_407 = arith.ori %or3A_405, %or3A_406 : i1
        %or3A_408 = arith.ori %or3A_407, %eq3A_220 : i1
        %convert_element_type3A_409 = arith.extui %or3A_408 : i1 to i32
        %cond3A_410 = arith.constant 0 : i32
        %cond3A_411 = arith.cmpi ne, %convert_element_type3A_409, %cond3A_410 : i32
        scf.if %cond3A_411 {
        } else {
        }
        %and3A_412 = arith.constant false
        %and3A_413 = arith.andi %or3A_408, %and3A_412 : i1
        %ne3A_414 = arith.cmpi ne, %add3A_221, %add3A_239 : i32
        %or3A_415 = arith.constant false
        %or3A_416 = arith.ori %or3A_415, %ne3A_414 : i1
        %or3A_417 = arith.constant false
        %or3A_418 = arith.ori %or3A_416, %or3A_417 : i1
        %or3A_419 = arith.ori %or3A_418, %eq3A_220 : i1
        %convert_element_type3A_420 = arith.extui %or3A_419 : i1 to i32
        %cond3A_421 = arith.constant 0 : i32
        %cond3A_422 = arith.cmpi ne, %convert_element_type3A_420, %cond3A_421 : i32
        scf.if %cond3A_422 {
        } else {
        }
        %and3A_423 = arith.constant false
        %and3A_424 = arith.andi %or3A_419, %and3A_423 : i1
        %ne3A_425 = arith.cmpi ne, %add3A_221, %add3A_239 : i32
        %or3A_426 = arith.constant false
        %or3A_427 = arith.ori %or3A_426, %ne3A_425 : i1
        %or3A_428 = arith.constant false
        %or3A_429 = arith.ori %or3A_427, %or3A_428 : i1
        %or3A_430 = arith.ori %or3A_429, %eq3A_220 : i1
        %convert_element_type3A_431 = arith.extui %or3A_430 : i1 to i32
        %cond3A_432 = arith.constant 0 : i32
        %cond3A_433 = arith.cmpi ne, %convert_element_type3A_431, %cond3A_432 : i32
        scf.if %cond3A_433 {
          "tpu.trace_start"() <{level = 10 : i32, message = "ep_copy_out"}> : () -> ()
          %rem3A_551 = arith.constant 2 : i32
          %rem3A_552 = arith.remui %scan3A_214, %rem3A_551 : i32
          %mul3A_553 = arith.constant 64 : i32
          %mul3A_554 = arith.muli %mul3A_553, %add3A_221 : i32
          %dma_start3A_555 = arith.constant 0 : i32
          %dma_start3A_556 = arith.constant 0 : i32
          %dma_start3A_557 = tpu.memref_slice %run_scoped3A_14[%rem3A_552, %dma_start3A_555, %dma_start3A_556] : memref<2x64x64xi32, #tpu.memory_space<vmem>> -> memref<1x64x64xi32, #tpu.memory_space<vmem>>
          %dma_start3A_558 = tpu.memref_squeeze %dma_start3A_557 : memref<1x64x64xi32, #tpu.memory_space<vmem>> -> memref<64x64xi32, #tpu.memory_space<vmem>>
          %dma_start3A_559 = arith.constant 0 : i32
          %dma_start3A_560 = tpu.memref_slice %arg6[%mul3A_554, %dma_start3A_559] : memref<16384x64xi32, #tpu.memory_space<hbm>> -> memref<64x64xi32, #tpu.memory_space<hbm>>
          %dma_start3A_561 = tpu.memref_slice %run_scoped3A_15[%rem3A_552] : memref<2x!tpu.dma_semaphore, #tpu.memory_space<semaphore_mem>> -> memref<1x!tpu.dma_semaphore, #tpu.memory_space<semaphore_mem>>
          %dma_start3A_562 = tpu.memref_squeeze %dma_start3A_561 : memref<1x!tpu.dma_semaphore, #tpu.memory_space<semaphore_mem>> -> memref<!tpu.dma_semaphore, #tpu.memory_space<semaphore_mem>>
          %dma_start3A_563 = arith.constant 0 : i32
          %dma_start3A_564 = tpu.memref_slice %arg6[%mul3A_554, %dma_start3A_563] : memref<16384x64xi32, #tpu.memory_space<hbm>> -> memref<64x64xi32, #tpu.memory_space<hbm>>
          %dma_start3A_565 = arith.constant 0 : i32
          %dma_start3A_566 = arith.constant 0 : i32
          %dma_start3A_567 = tpu.memref_slice %run_scoped3A_14[%rem3A_552, %dma_start3A_565, %dma_start3A_566] : memref<2x64x64xi32, #tpu.memory_space<vmem>> -> memref<1x64x64xi32, #tpu.memory_space<vmem>>
          %dma_start3A_568 = tpu.memref_squeeze %dma_start3A_567 : memref<1x64x64xi32, #tpu.memory_space<vmem>> -> memref<64x64xi32, #tpu.memory_space<vmem>>
          tpu.enqueue_dma source(%dma_start3A_568 : memref<64x64xi32, #tpu.memory_space<vmem>>) target(%dma_start3A_564 : memref<64x64xi32, #tpu.memory_space<hbm>>) target_semaphore(%dma_start3A_562 : memref<!tpu.dma_semaphore, #tpu.memory_space<semaphore_mem>>)
          "tpu.trace_stop"() : () -> ()
        } else {
        }
        %and3A_434 = arith.constant true
        %and3A_435 = arith.andi %or3A_430, %and3A_434 : i1
        %add3A_436 = arith.constant 1 : i32
        %add3A_437 = arith.addi %scan3A_214, %add3A_436 : i32
        %select_n3A_438 = arith.select %and3A_435, %add3A_437, %scan3A_214 : i32
        %ne3A_439 = arith.cmpi ne, %add3A_221, %add3A_230 : i32
        %or3A_440 = arith.constant false
        %or3A_441 = arith.ori %or3A_440, %ne3A_439 : i1
        %or3A_442 = arith.constant false
        %or3A_443 = arith.ori %or3A_441, %or3A_442 : i1
        %not3A_444 = arith.constant true
        %not3A_445 = arith.xori %eq3A_218, %not3A_444 : i1
        %and3A_446 = arith.andi %or3A_443, %not3A_445 : i1
        %convert_element_type3A_447 = arith.extui %and3A_446 : i1 to i32
        %cond3A_448 = arith.constant 0 : i32
        %cond3A_449 = arith.cmpi ne, %convert_element_type3A_447, %cond3A_448 : i32
        scf.if %cond3A_449 {
        } else {
        }
        %and3A_450 = arith.constant false
        %and3A_451 = arith.andi %and3A_446, %and3A_450 : i1
        %ne3A_452 = arith.cmpi ne, %add3A_221, %add3A_230 : i32
        %or3A_453 = arith.constant false
        %or3A_454 = arith.ori %or3A_453, %ne3A_452 : i1
        %or3A_455 = arith.constant false
        %or3A_456 = arith.ori %or3A_454, %or3A_455 : i1
        %not3A_457 = arith.constant true
        %not3A_458 = arith.xori %eq3A_218, %not3A_457 : i1
        %and3A_459 = arith.andi %or3A_456, %not3A_458 : i1
        %convert_element_type3A_460 = arith.extui %and3A_459 : i1 to i32
        %cond3A_461 = arith.constant 0 : i32
        %cond3A_462 = arith.cmpi ne, %convert_element_type3A_460, %cond3A_461 : i32
        scf.if %cond3A_462 {
        } else {
        }
        %and3A_463 = arith.constant false
        %and3A_464 = arith.andi %and3A_459, %and3A_463 : i1
        %ne3A_465 = arith.cmpi ne, %add3A_221, %add3A_230 : i32
        %or3A_466 = arith.constant false
        %or3A_467 = arith.ori %or3A_466, %ne3A_465 : i1
        %or3A_468 = arith.constant false
        %or3A_469 = arith.ori %or3A_467, %or3A_468 : i1
        %not3A_470 = arith.constant true
        %not3A_471 = arith.xori %eq3A_218, %not3A_470 : i1
        %and3A_472 = arith.andi %or3A_469, %not3A_471 : i1
        %convert_element_type3A_473 = arith.extui %and3A_472 : i1 to i32
        %cond3A_474 = arith.constant 0 : i32
        %cond3A_475 = arith.cmpi ne, %convert_element_type3A_473, %cond3A_474 : i32
        scf.if %cond3A_475 {
        } else {
        }
        %and3A_476 = arith.constant false
        %and3A_477 = arith.andi %and3A_472, %and3A_476 : i1
        %ne3A_478 = arith.cmpi ne, %add3A_221, %add3A_230 : i32
        %or3A_479 = arith.constant false
        %or3A_480 = arith.ori %or3A_479, %ne3A_478 : i1
        %or3A_481 = arith.constant false
        %or3A_482 = arith.ori %or3A_480, %or3A_481 : i1
        %not3A_483 = arith.constant true
        %not3A_484 = arith.xori %eq3A_218, %not3A_483 : i1
        %and3A_485 = arith.andi %or3A_482, %not3A_484 : i1
        %convert_element_type3A_486 = arith.extui %and3A_485 : i1 to i32
        %cond3A_487 = arith.constant 0 : i32
        %cond3A_488 = arith.cmpi ne, %convert_element_type3A_486, %cond3A_487 : i32
        scf.if %cond3A_488 {
        } else {
        }
        %and3A_489 = arith.constant false
        %and3A_490 = arith.andi %and3A_485, %and3A_489 : i1
        %ne3A_491 = arith.cmpi ne, %add3A_221, %add3A_230 : i32
        %or3A_492 = arith.constant false
        %or3A_493 = arith.ori %or3A_492, %ne3A_491 : i1
        %or3A_494 = arith.constant false
        %or3A_495 = arith.ori %or3A_493, %or3A_494 : i1
        %not3A_496 = arith.constant true
        %not3A_497 = arith.xori %eq3A_218, %not3A_496 : i1
        %and3A_498 = arith.andi %or3A_495, %not3A_497 : i1
        %convert_element_type3A_499 = arith.extui %and3A_498 : i1 to i32
        %cond3A_500 = arith.constant 0 : i32
        %cond3A_501 = arith.cmpi ne, %convert_element_type3A_499, %cond3A_500 : i32
        scf.if %cond3A_501 {
          "tpu.trace_start"() <{level = 10 : i32, message = "ep_wait_out"}> : () -> ()
          %rem3A_551 = arith.constant 2 : i32
          %rem3A_552 = arith.remui %scan3A_215, %rem3A_551 : i32
          %mul3A_553 = arith.constant 64 : i32
          %mul3A_554 = arith.muli %mul3A_553, %add3A_230 : i32
          %dma_wait3A_555 = arith.constant 0 : i32
          %dma_wait3A_556 = arith.constant 0 : i32
          %dma_wait3A_557 = tpu.memref_slice %run_scoped3A_14[%rem3A_552, %dma_wait3A_555, %dma_wait3A_556] : memref<2x64x64xi32, #tpu.memory_space<vmem>> -> memref<1x64x64xi32, #tpu.memory_space<vmem>>
          %dma_wait3A_558 = tpu.memref_squeeze %dma_wait3A_557 : memref<1x64x64xi32, #tpu.memory_space<vmem>> -> memref<64x64xi32, #tpu.memory_space<vmem>>
          %dma_wait3A_559 = arith.constant 0 : i32
          %dma_wait3A_560 = tpu.memref_slice %arg6[%mul3A_554, %dma_wait3A_559] : memref<16384x64xi32, #tpu.memory_space<hbm>> -> memref<64x64xi32, #tpu.memory_space<hbm>>
          %dma_wait3A_561 = tpu.memref_slice %run_scoped3A_15[%rem3A_552] : memref<2x!tpu.dma_semaphore, #tpu.memory_space<semaphore_mem>> -> memref<1x!tpu.dma_semaphore, #tpu.memory_space<semaphore_mem>>
          %dma_wait3A_562 = tpu.memref_squeeze %dma_wait3A_561 : memref<1x!tpu.dma_semaphore, #tpu.memory_space<semaphore_mem>> -> memref<!tpu.dma_semaphore, #tpu.memory_space<semaphore_mem>>
          %dma_wait3A_563 = arith.constant 0 : i32
          %dma_wait3A_564 = tpu.memref_slice %arg6[%mul3A_554, %dma_wait3A_563] : memref<16384x64xi32, #tpu.memory_space<hbm>> -> memref<64x64xi32, #tpu.memory_space<hbm>>
          %dma_wait3A_565 = arith.constant 0 : i32
          %dma_wait3A_566 = arith.constant 0 : i32
          %dma_wait3A_567 = tpu.memref_slice %run_scoped3A_14[%rem3A_552, %dma_wait3A_565, %dma_wait3A_566] : memref<2x64x64xi32, #tpu.memory_space<vmem>> -> memref<1x64x64xi32, #tpu.memory_space<vmem>>
          %dma_wait3A_568 = tpu.memref_squeeze %dma_wait3A_567 : memref<1x64x64xi32, #tpu.memory_space<vmem>> -> memref<64x64xi32, #tpu.memory_space<vmem>>
          tpu.wait_dma2 semaphore(%dma_wait3A_562 : memref<!tpu.dma_semaphore, #tpu.memory_space<semaphore_mem>>) src(%dma_wait3A_568 : memref<64x64xi32, #tpu.memory_space<vmem>>) dst(%dma_wait3A_564 : memref<64x64xi32, #tpu.memory_space<hbm>>)
          "tpu.trace_stop"() : () -> ()
        } else {
        }
        %and3A_502 = arith.constant true
        %and3A_503 = arith.andi %and3A_498, %and3A_502 : i1
        %add3A_504 = arith.constant 1 : i32
        %add3A_505 = arith.addi %scan3A_215, %add3A_504 : i32
        %select_n3A_506 = arith.select %and3A_503, %add3A_505, %scan3A_215 : i32
        %ne3A_507 = arith.cmpi ne, %add3A_221, %add3A_239 : i32
        %or3A_508 = arith.constant false
        %or3A_509 = arith.ori %or3A_508, %ne3A_507 : i1
        %or3A_510 = arith.constant false
        %or3A_511 = arith.ori %or3A_509, %or3A_510 : i1
        %or3A_512 = arith.ori %or3A_511, %eq3A_220 : i1
        %add3A_513 = arith.constant 1 : i32
        %add3A_514 = arith.addi %scan3A_207, %add3A_513 : i32
        %select_n3A_515 = arith.select %or3A_512, %add3A_514, %scan3A_207 : i32
        %ne3A_516 = arith.cmpi ne, %add3A_221, %add3A_239 : i32
        %or3A_517 = arith.constant false
        %or3A_518 = arith.ori %or3A_517, %ne3A_516 : i1
        %or3A_519 = arith.constant false
        %or3A_520 = arith.ori %or3A_518, %or3A_519 : i1
        %or3A_521 = arith.ori %or3A_520, %eq3A_220 : i1
        %add3A_522 = arith.constant 1 : i32
        %add3A_523 = arith.addi %scan3A_209, %add3A_522 : i32
        %select_n3A_524 = arith.select %or3A_521, %add3A_523, %scan3A_209 : i32
        %ne3A_525 = arith.cmpi ne, %add3A_221, %add3A_239 : i32
        %or3A_526 = arith.constant false
        %or3A_527 = arith.ori %or3A_526, %ne3A_525 : i1
        %or3A_528 = arith.constant false
        %or3A_529 = arith.ori %or3A_527, %or3A_528 : i1
        %or3A_530 = arith.ori %or3A_529, %eq3A_220 : i1
        %add3A_531 = arith.constant 1 : i32
        %add3A_532 = arith.addi %scan3A_211, %add3A_531 : i32
        %select_n3A_533 = arith.select %or3A_530, %add3A_532, %scan3A_211 : i32
        %ne3A_534 = arith.cmpi ne, %add3A_221, %add3A_239 : i32
        %or3A_535 = arith.constant false
        %or3A_536 = arith.ori %or3A_535, %ne3A_534 : i1
        %or3A_537 = arith.constant false
        %or3A_538 = arith.ori %or3A_536, %or3A_537 : i1
        %or3A_539 = arith.ori %or3A_538, %eq3A_220 : i1
        %add3A_540 = arith.constant 1 : i32
        %add3A_541 = arith.addi %scan3A_213, %add3A_540 : i32
        %select_n3A_542 = arith.select %or3A_539, %add3A_541, %scan3A_213 : i32
        %add3A_543 = arith.constant 1 : i32
        %add3A_544 = arith.addi %scan3A_216, %add3A_543 : i32
        %select_n3A_545 = arith.constant true
        %select_n3A_546 = arith.select %select_n3A_545, %add3A_544, %scan3A_216 : i32
        %eq3A_547 = arith.constant 8 : i32
        %eq3A_548 = arith.cmpi eq, %select_n3A_546, %eq3A_547 : i32
        %select_n3A_549 = arith.constant 0 : i32
        %select_n3A_550 = arith.select %eq3A_548, %select_n3A_549, %select_n3A_546 : i32
        scf.yield %select_n3A_259, %select_n3A_515, %select_n3A_277, %select_n3A_524, %select_n3A_295, %select_n3A_533, %select_n3A_313, %select_n3A_542, %select_n3A_438, %select_n3A_506, %select_n3A_550 : i32, i32, i32, i32, i32, i32, i32, i32, i32, i32, i32
      }
      %scan3A_152 = arith.constant 8 : i32
      %sub3A = arith.constant 1 : i32
      %sub3A_153 = arith.subi %scan3A_151#10, %sub3A : i32
      %select_n3A_154 = arith.constant true
      %select_n3A_155 = arith.select %select_n3A_154, %sub3A_153, %scan3A_151#10 : i32
      %eq3A_156 = arith.constant -1 : i32
      %eq3A_157 = arith.cmpi eq, %select_n3A_155, %eq3A_156 : i32
      %select_n3A_158 = arith.constant 7 : i32
      %select_n3A_159 = arith.select %eq3A_157, %select_n3A_158, %select_n3A_155 : i32
      %add3A_160 = arith.addi %select_n3A_159, %mul3A_6 : i32
      %sub3A_161 = arith.constant 1 : i32
      %sub3A_162 = arith.subi %select_n3A_159, %sub3A_161 : i32
      %select_n3A_163 = arith.constant true
      %select_n3A_164 = arith.select %select_n3A_163, %sub3A_162, %select_n3A_159 : i32
      %eq3A_165 = arith.constant -1 : i32
      %eq3A_166 = arith.cmpi eq, %select_n3A_164, %eq3A_165 : i32
      %select_n3A_167 = arith.constant 7 : i32
      %select_n3A_168 = arith.select %eq3A_166, %select_n3A_167, %select_n3A_164 : i32
      %add3A_169 = arith.addi %select_n3A_168, %mul3A_6 : i32
      %add3A_170 = arith.constant 1 : i32
      %add3A_171 = arith.addi %select_n3A_159, %add3A_170 : i32
      %select_n3A_172 = arith.constant true
      %select_n3A_173 = arith.select %select_n3A_172, %add3A_171, %select_n3A_159 : i32
      %eq3A_174 = arith.constant 8 : i32
      %eq3A_175 = arith.cmpi eq, %select_n3A_173, %eq3A_174 : i32
      %select_n3A_176 = arith.constant 0 : i32
      %select_n3A_177 = arith.select %eq3A_175, %select_n3A_176, %select_n3A_173 : i32
      %add3A_178 = arith.addi %select_n3A_177, %mul3A_6 : i32
      %add3A_179 = arith.constant 1 : i32
      %add3A_180 = arith.addi %select_n3A_177, %add3A_179 : i32
      %select_n3A_181 = arith.constant true
      %select_n3A_182 = arith.select %select_n3A_181, %add3A_180, %select_n3A_177 : i32
      %eq3A_183 = arith.constant 8 : i32
      %eq3A_184 = arith.cmpi eq, %select_n3A_182, %eq3A_183 : i32
      %select_n3A_185 = arith.constant 0 : i32
      %select_n3A_186 = arith.select %eq3A_184, %select_n3A_185, %select_n3A_182 : i32
      %add3A_187 = arith.addi %select_n3A_186, %mul3A_6 : i32
      "tpu.trace_start"() <{level = 10 : i32, message = "ep_finalize"}> : () -> ()
      %rem3A_188 = arith.constant 2 : i32
      %rem3A_189 = arith.remui %scan3A_151#9, %rem3A_188 : i32
      %mul3A_190 = arith.constant 64 : i32
      %mul3A_191 = arith.muli %mul3A_190, %add3A_160 : i32
      %dma_wait3A = arith.constant 0 : i32
      %dma_wait3A_192 = arith.constant 0 : i32
      %dma_wait3A_193 = tpu.memref_slice %run_scoped3A_14[%rem3A_189, %dma_wait3A, %dma_wait3A_192] : memref<2x64x64xi32, #tpu.memory_space<vmem>> -> memref<1x64x64xi32, #tpu.memory_space<vmem>>
      %dma_wait3A_194 = tpu.memref_squeeze %dma_wait3A_193 : memref<1x64x64xi32, #tpu.memory_space<vmem>> -> memref<64x64xi32, #tpu.memory_space<vmem>>
      %dma_wait3A_195 = arith.constant 0 : i32
      %dma_wait3A_196 = tpu.memref_slice %arg6[%mul3A_191, %dma_wait3A_195] : memref<16384x64xi32, #tpu.memory_space<hbm>> -> memref<64x64xi32, #tpu.memory_space<hbm>>
      %dma_wait3A_197 = tpu.memref_slice %run_scoped3A_15[%rem3A_189] : memref<2x!tpu.dma_semaphore, #tpu.memory_space<semaphore_mem>> -> memref<1x!tpu.dma_semaphore, #tpu.memory_space<semaphore_mem>>
      %dma_wait3A_198 = tpu.memref_squeeze %dma_wait3A_197 : memref<1x!tpu.dma_semaphore, #tpu.memory_space<semaphore_mem>> -> memref<!tpu.dma_semaphore, #tpu.memory_space<semaphore_mem>>
      %dma_wait3A_199 = arith.constant 0 : i32
      %dma_wait3A_200 = tpu.memref_slice %arg6[%mul3A_191, %dma_wait3A_199] : memref<16384x64xi32, #tpu.memory_space<hbm>> -> memref<64x64xi32, #tpu.memory_space<hbm>>
      %dma_wait3A_201 = arith.constant 0 : i32
      %dma_wait3A_202 = arith.constant 0 : i32
      %dma_wait3A_203 = tpu.memref_slice %run_scoped3A_14[%rem3A_189, %dma_wait3A_201, %dma_wait3A_202] : memref<2x64x64xi32, #tpu.memory_space<vmem>> -> memref<1x64x64xi32, #tpu.memory_space<vmem>>
      %dma_wait3A_204 = tpu.memref_squeeze %dma_wait3A_203 : memref<1x64x64xi32, #tpu.memory_space<vmem>> -> memref<64x64xi32, #tpu.memory_space<vmem>>
      tpu.wait_dma2 semaphore(%dma_wait3A_198 : memref<!tpu.dma_semaphore, #tpu.memory_space<semaphore_mem>>) src(%dma_wait3A_204 : memref<64x64xi32, #tpu.memory_space<vmem>>) dst(%dma_wait3A_200 : memref<64x64xi32, #tpu.memory_space<hbm>>)
      "tpu.trace_stop"() : () -> ()
      tpu.yield
    }) : () -> ()
    return
  }
}

module attributes {stable_mosaic.version = 14 : i64} {
  func.func @_scene_kernel(%arg0: i32, %arg1: memref<256x64xbf16, #tpu.memory_space<vmem>>, %arg2: memref<256x64xi32, #tpu.memory_space<vmem>>, %arg3: memref<64x4096xbf16, #tpu.memory_space<vmem>>, %arg4: memref<8x4096xi32, #tpu.memory_space<vmem>>, %arg5: memref<256x64xf32, #tpu.memory_space<vmem>>, %arg6: memref<8x64xf32, #tpu.memory_space<vmem>>) attributes {dimension_semantics = [#tpu.dimension_semantics<arbitrary>], iteration_bounds = array<i64: 64>, scalar_prefetch = 0 : i64, scratch_operands = 0 : i64, tpu.core_type = #tpu.core_type<tc>, window_params = [{transform_indices = @transform_0, window_bounds = array<i64: 256, 64>}, {transform_indices = @transform_1, window_bounds = array<i64: 256, 64>}, {pipeline_mode = #tpu.pipeline_mode<synchronous>, transform_indices = @transform_2, window_bounds = array<i64: 64, 4096>}, {pipeline_mode = #tpu.pipeline_mode<synchronous>, transform_indices = @transform_3, window_bounds = array<i64: 8, 4096>}, {transform_indices = @transform_4, window_bounds = array<i64: 256, 64>}, {pipeline_mode = #tpu.pipeline_mode<synchronous>, transform_indices = @transform_5, window_bounds = array<i64: 8, 64>}]} {
    %get3A = arith.constant 0 : index
    %get3A_0 = arith.constant 0 : index
    %get3A_1 = vector.load %arg1[%get3A, %get3A_0] : memref<256x64xbf16, #tpu.memory_space<vmem>>, vector<256x64xbf16>
    %get3A_2 = arith.constant 0 : index
    %get3A_3 = arith.constant 0 : index
    %get3A_4 = vector.load %arg3[%get3A_2, %get3A_3] : memref<64x4096xbf16, #tpu.memory_space<vmem>>, vector<64x4096xbf16>
    %dot_general3A = arith.constant dense<0.000000e+00> : vector<256x4096xf32>
    %dot_general3A_5 = tpu.matmul %get3A_1, %get3A_4, %dot_general3A {dimension_numbers = #tpu.dot_dimension_numbers<[1], [0], [0], [1], [0, 0, 1, 1], [], []>, transpose_lhs_hint = false} : vector<256x64xbf16>, vector<64x4096xbf16>, vector<256x4096xf32> -> vector<256x4096xf32>
    %convert_element_type3A = arith.truncf %dot_general3A_5 : vector<256x4096xf32> to vector<256x4096xbf16>
    %get3A_6 = arith.constant 0 : index
    %get3A_7 = arith.constant 0 : index
    %get3A_8 = vector.load %arg2[%get3A_6, %get3A_7] : memref<256x64xi32, #tpu.memory_space<vmem>>, vector<256x64xi32>
    %iota3A = tpu.iota {dimensions = array<i32: 0>} : vector<256x64xi32>
    %jit3A = arith.constant 64 : i32
    %eq3A = arith.constant 0 : i32
    %eq3A_9 = arith.cmpi eq, %jit3A, %eq3A : i32
    %jit3A_10 = arith.constant 1 : i32
    %select_n3A = arith.select %eq3A_9, %jit3A_10, %jit3A : i32
    %rem3A = vector.broadcast %select_n3A : i32 to vector<256x64xi32>
    %rem3A_11 = arith.remsi %iota3A, %rem3A : vector<256x64xi32>
    %ne3A = arith.constant 0 : i32
    %ne3A_12 = vector.broadcast %ne3A : i32 to vector<256x64xi32>
    %ne3A_13 = arith.cmpi ne, %rem3A_11, %ne3A_12 : vector<256x64xi32>
    %lt3A = arith.constant 0 : i32
    %lt3A_14 = vector.broadcast %lt3A : i32 to vector<256x64xi32>
    %lt3A_15 = arith.cmpi slt, %rem3A_11, %lt3A_14 : vector<256x64xi32>
    %lt3A_16 = arith.constant 0 : i32
    %lt3A_17 = arith.cmpi slt, %select_n3A, %lt3A_16 : i32
    %ne3A_18 = vector.broadcast %lt3A_17 : i1 to vector<256x64xi1>
    %ne3A_19 = vector.broadcast %ne3A_18 : vector<256x64xi1> to vector<256x64xi1>
    %ne3A_20 = arith.xori %lt3A_15, %ne3A_19 : vector<256x64xi1>
    %and3A = arith.andi %ne3A_20, %ne3A_13 : vector<256x64xi1>
    %add3A = vector.broadcast %select_n3A : i32 to vector<256x64xi32>
    %add3A_21 = arith.addi %rem3A_11, %add3A : vector<256x64xi32>
    %select_n3A_22 = arith.select %and3A, %add3A_21, %rem3A_11 : vector<256x64xi1>, vector<256x64xi32>
    %eq3A_23 = arith.constant 0 : i32
    %eq3A_24 = vector.broadcast %eq3A_23 : i32 to vector<256x64xi32>
    %eq3A_25 = arith.cmpi eq, %select_n3A_22, %eq3A_24 : vector<256x64xi32>
    %broadcast_in_dim3A = arith.constant -128 : i32
    %broadcast_in_dim3A_26 = vector.broadcast %broadcast_in_dim3A : i32 to vector<1x64xi32>
    %slice3A = vector.extract_strided_slice %get3A_8 {offsets = [0, 0], sizes = [255, 64], strides = [1, 1]} : vector<256x64xi32> to vector<255x64xi32>
    %sub3A = arith.constant 64 : i32
    %sub3A_27 = vector.broadcast %sub3A : i32 to vector<255x64xi32>
    %sub3A_28 = arith.subi %slice3A, %sub3A_27 : vector<255x64xi32>
    %concatenate3A = tpu.concatenate %broadcast_in_dim3A_26, %sub3A_28 in 0 : vector<1x64xi32>, vector<255x64xi32> -> vector<256x64xi32>
    %jit3A_29 = arith.constant -128 : i32
    %broadcast_in_dim3A_30 = vector.broadcast %jit3A_29 : i32 to vector<256x64xi32>
    %select_n3A_31 = arith.select %eq3A_25, %broadcast_in_dim3A_30, %concatenate3A : vector<256x64xi1>, vector<256x64xi32>
    %get3A_32 = arith.constant 0 : index
    %get3A_33 = arith.constant 0 : index
    %get3A_34 = vector.load %arg4[%get3A_32, %get3A_33] : memref<8x4096xi32, #tpu.memory_space<vmem>>, vector<1x4096xi32>
    %broadcast_in_dim3A_35 = vector.shape_cast %get3A_34 : vector<1x4096xi32> to vector<1x4096xi32>
    %broadcast_in_dim3A_36 = vector.broadcast %broadcast_in_dim3A_35 : vector<1x4096xi32> to vector<256x4096xi32>
    %tile3A = tpu.concatenate %get3A_8, %get3A_8, %get3A_8, %get3A_8, %get3A_8, %get3A_8, %get3A_8, %get3A_8, %get3A_8, %get3A_8, %get3A_8, %get3A_8, %get3A_8, %get3A_8, %get3A_8, %get3A_8, %get3A_8, %get3A_8, %get3A_8, %get3A_8, %get3A_8, %get3A_8, %get3A_8, %get3A_8, %get3A_8, %get3A_8, %get3A_8, %get3A_8, %get3A_8, %get3A_8, %get3A_8, %get3A_8, %get3A_8, %get3A_8, %get3A_8, %get3A_8, %get3A_8, %get3A_8, %get3A_8, %get3A_8, %get3A_8, %get3A_8, %get3A_8, %get3A_8, %get3A_8, %get3A_8, %get3A_8, %get3A_8, %get3A_8, %get3A_8, %get3A_8, %get3A_8, %get3A_8, %get3A_8, %get3A_8, %get3A_8, %get3A_8, %get3A_8, %get3A_8, %get3A_8, %get3A_8, %get3A_8, %get3A_8, %get3A_8 in 1 : vector<256x64xi32>, vector<256x64xi32>, vector<256x64xi32>, vector<256x64xi32>, vector<256x64xi32>, vector<256x64xi32>, vector<256x64xi32>, vector<256x64xi32>, vector<256x64xi32>, vector<256x64xi32>, vector<256x64xi32>, vector<256x64xi32>, vector<256x64xi32>, vector<256x64xi32>, vector<256x64xi32>, vector<256x64xi32>, vector<256x64xi32>, vector<256x64xi32>, vector<256x64xi32>, vector<256x64xi32>, vector<256x64xi32>, vector<256x64xi32>, vector<256x64xi32>, vector<256x64xi32>, vector<256x64xi32>, vector<256x64xi32>, vector<256x64xi32>, vector<256x64xi32>, vector<256x64xi32>, vector<256x64xi32>, vector<256x64xi32>, vector<256x64xi32>, vector<256x64xi32>, vector<256x64xi32>, vector<256x64xi32>, vector<256x64xi32>, vector<256x64xi32>, vector<256x64xi32>, vector<256x64xi32>, vector<256x64xi32>, vector<256x64xi32>, vector<256x64xi32>, vector<256x64xi32>, vector<256x64xi32>, vector<256x64xi32>, vector<256x64xi32>, vector<256x64xi32>, vector<256x64xi32>, vector<256x64xi32>, vector<256x64xi32>, vector<256x64xi32>, vector<256x64xi32>, vector<256x64xi32>, vector<256x64xi32>, vector<256x64xi32>, vector<256x64xi32>, vector<256x64xi32>, vector<256x64xi32>, vector<256x64xi32>, vector<256x64xi32>, vector<256x64xi32>, vector<256x64xi32>, vector<256x64xi32>, vector<256x64xi32> -> vector<256x4096xi32>
    %tile3A_37 = tpu.concatenate %select_n3A_31, %select_n3A_31, %select_n3A_31, %select_n3A_31, %select_n3A_31, %select_n3A_31, %select_n3A_31, %select_n3A_31, %select_n3A_31, %select_n3A_31, %select_n3A_31, %select_n3A_31, %select_n3A_31, %select_n3A_31, %select_n3A_31, %select_n3A_31 in 1 : vector<256x64xi32>, vector<256x64xi32>, vector<256x64xi32>, vector<256x64xi32>, vector<256x64xi32>, vector<256x64xi32>, vector<256x64xi32>, vector<256x64xi32>, vector<256x64xi32>, vector<256x64xi32>, vector<256x64xi32>, vector<256x64xi32>, vector<256x64xi32>, vector<256x64xi32>, vector<256x64xi32>, vector<256x64xi32> -> vector<256x1024xi32>
    %eq3A_38 = arith.cmpi eq, %tile3A, %broadcast_in_dim3A_36 : vector<256x4096xi32>
    %convert_element_type3A_39 = arith.extui %eq3A_38 : vector<256x4096xi1> to vector<256x4096xi32>
    %convert_element_type3A_40 = arith.sitofp %convert_element_type3A_39 : vector<256x4096xi32> to vector<256x4096xf32>
    %convert_element_type3A_41 = arith.truncf %convert_element_type3A_40 : vector<256x4096xf32> to vector<256x4096xbf16>
    %slice3A_42 = vector.extract_strided_slice %convert_element_type3A_41 {offsets = [0, 0], sizes = [256, 1024], strides = [1, 1]} : vector<256x4096xbf16> to vector<256x1024xbf16>
    %slice3A_43 = vector.extract_strided_slice %broadcast_in_dim3A_36 {offsets = [0, 0], sizes = [256, 1024], strides = [1, 1]} : vector<256x4096xi32> to vector<256x1024xi32>
    %eq3A_44 = arith.cmpi eq, %tile3A_37, %slice3A_43 : vector<256x1024xi32>
    %convert_element_type3A_45 = arith.extui %eq3A_44 : vector<256x1024xi1> to vector<256x1024xi32>
    %convert_element_type3A_46 = arith.sitofp %convert_element_type3A_45 : vector<256x1024xi32> to vector<256x1024xf32>
    %convert_element_type3A_47 = arith.truncf %convert_element_type3A_46 : vector<256x1024xf32> to vector<256x1024xbf16>
    %add3A_48 = arith.addf %slice3A_42, %convert_element_type3A_47 : vector<256x1024xbf16>
    %slice3A_49 = vector.extract_strided_slice %convert_element_type3A {offsets = [0, 0], sizes = [64, 4096], strides = [1, 1]} : vector<256x4096xbf16> to vector<64x4096xbf16>
    %slice3A_50 = vector.extract_strided_slice %slice3A_49 {offsets = [0, 0], sizes = [64, 64], strides = [1, 1]} : vector<64x4096xbf16> to vector<64x64xbf16>
    %slice3A_51 = vector.extract_strided_slice %slice3A_49 {offsets = [0, 64], sizes = [64, 64], strides = [1, 1]} : vector<64x4096xbf16> to vector<64x64xbf16>
    %slice3A_52 = vector.extract_strided_slice %slice3A_49 {offsets = [0, 128], sizes = [64, 64], strides = [1, 1]} : vector<64x4096xbf16> to vector<64x64xbf16>
    %slice3A_53 = vector.extract_strided_slice %slice3A_49 {offsets = [0, 192], sizes = [64, 64], strides = [1, 1]} : vector<64x4096xbf16> to vector<64x64xbf16>
    %slice3A_54 = vector.extract_strided_slice %slice3A_49 {offsets = [0, 256], sizes = [64, 64], strides = [1, 1]} : vector<64x4096xbf16> to vector<64x64xbf16>
    %slice3A_55 = vector.extract_strided_slice %slice3A_49 {offsets = [0, 320], sizes = [64, 64], strides = [1, 1]} : vector<64x4096xbf16> to vector<64x64xbf16>
    %slice3A_56 = vector.extract_strided_slice %slice3A_49 {offsets = [0, 384], sizes = [64, 64], strides = [1, 1]} : vector<64x4096xbf16> to vector<64x64xbf16>
    %slice3A_57 = vector.extract_strided_slice %slice3A_49 {offsets = [0, 448], sizes = [64, 64], strides = [1, 1]} : vector<64x4096xbf16> to vector<64x64xbf16>
    %slice3A_58 = vector.extract_strided_slice %slice3A_49 {offsets = [0, 512], sizes = [64, 64], strides = [1, 1]} : vector<64x4096xbf16> to vector<64x64xbf16>
    %slice3A_59 = vector.extract_strided_slice %slice3A_49 {offsets = [0, 576], sizes = [64, 64], strides = [1, 1]} : vector<64x4096xbf16> to vector<64x64xbf16>
    %slice3A_60 = vector.extract_strided_slice %slice3A_49 {offsets = [0, 640], sizes = [64, 64], strides = [1, 1]} : vector<64x4096xbf16> to vector<64x64xbf16>
    %slice3A_61 = vector.extract_strided_slice %slice3A_49 {offsets = [0, 704], sizes = [64, 64], strides = [1, 1]} : vector<64x4096xbf16> to vector<64x64xbf16>
    %slice3A_62 = vector.extract_strided_slice %slice3A_49 {offsets = [0, 768], sizes = [64, 64], strides = [1, 1]} : vector<64x4096xbf16> to vector<64x64xbf16>
    %slice3A_63 = vector.extract_strided_slice %slice3A_49 {offsets = [0, 832], sizes = [64, 64], strides = [1, 1]} : vector<64x4096xbf16> to vector<64x64xbf16>
    %slice3A_64 = vector.extract_strided_slice %slice3A_49 {offsets = [0, 896], sizes = [64, 64], strides = [1, 1]} : vector<64x4096xbf16> to vector<64x64xbf16>
    %slice3A_65 = vector.extract_strided_slice %slice3A_49 {offsets = [0, 960], sizes = [64, 64], strides = [1, 1]} : vector<64x4096xbf16> to vector<64x64xbf16>
    %slice3A_66 = vector.extract_strided_slice %slice3A_49 {offsets = [0, 1024], sizes = [64, 64], strides = [1, 1]} : vector<64x4096xbf16> to vector<64x64xbf16>
    %slice3A_67 = vector.extract_strided_slice %slice3A_49 {offsets = [0, 1088], sizes = [64, 64], strides = [1, 1]} : vector<64x4096xbf16> to vector<64x64xbf16>
    %slice3A_68 = vector.extract_strided_slice %slice3A_49 {offsets = [0, 1152], sizes = [64, 64], strides = [1, 1]} : vector<64x4096xbf16> to vector<64x64xbf16>
    %slice3A_69 = vector.extract_strided_slice %slice3A_49 {offsets = [0, 1216], sizes = [64, 64], strides = [1, 1]} : vector<64x4096xbf16> to vector<64x64xbf16>
    %slice3A_70 = vector.extract_strided_slice %slice3A_49 {offsets = [0, 1280], sizes = [64, 64], strides = [1, 1]} : vector<64x4096xbf16> to vector<64x64xbf16>
    %slice3A_71 = vector.extract_strided_slice %slice3A_49 {offsets = [0, 1344], sizes = [64, 64], strides = [1, 1]} : vector<64x4096xbf16> to vector<64x64xbf16>
    %slice3A_72 = vector.extract_strided_slice %slice3A_49 {offsets = [0, 1408], sizes = [64, 64], strides = [1, 1]} : vector<64x4096xbf16> to vector<64x64xbf16>
    %slice3A_73 = vector.extract_strided_slice %slice3A_49 {offsets = [0, 1472], sizes = [64, 64], strides = [1, 1]} : vector<64x4096xbf16> to vector<64x64xbf16>
    %slice3A_74 = vector.extract_strided_slice %slice3A_49 {offsets = [0, 1536], sizes = [64, 64], strides = [1, 1]} : vector<64x4096xbf16> to vector<64x64xbf16>
    %slice3A_75 = vector.extract_strided_slice %slice3A_49 {offsets = [0, 1600], sizes = [64, 64], strides = [1, 1]} : vector<64x4096xbf16> to vector<64x64xbf16>
    %slice3A_76 = vector.extract_strided_slice %slice3A_49 {offsets = [0, 1664], sizes = [64, 64], strides = [1, 1]} : vector<64x4096xbf16> to vector<64x64xbf16>
    %slice3A_77 = vector.extract_strided_slice %slice3A_49 {offsets = [0, 1728], sizes = [64, 64], strides = [1, 1]} : vector<64x4096xbf16> to vector<64x64xbf16>
    %slice3A_78 = vector.extract_strided_slice %slice3A_49 {offsets = [0, 1792], sizes = [64, 64], strides = [1, 1]} : vector<64x4096xbf16> to vector<64x64xbf16>
    %slice3A_79 = vector.extract_strided_slice %slice3A_49 {offsets = [0, 1856], sizes = [64, 64], strides = [1, 1]} : vector<64x4096xbf16> to vector<64x64xbf16>
    %slice3A_80 = vector.extract_strided_slice %slice3A_49 {offsets = [0, 1920], sizes = [64, 64], strides = [1, 1]} : vector<64x4096xbf16> to vector<64x64xbf16>
    %slice3A_81 = vector.extract_strided_slice %slice3A_49 {offsets = [0, 1984], sizes = [64, 64], strides = [1, 1]} : vector<64x4096xbf16> to vector<64x64xbf16>
    %slice3A_82 = vector.extract_strided_slice %slice3A_49 {offsets = [0, 2048], sizes = [64, 64], strides = [1, 1]} : vector<64x4096xbf16> to vector<64x64xbf16>
    %slice3A_83 = vector.extract_strided_slice %slice3A_49 {offsets = [0, 2112], sizes = [64, 64], strides = [1, 1]} : vector<64x4096xbf16> to vector<64x64xbf16>
    %slice3A_84 = vector.extract_strided_slice %slice3A_49 {offsets = [0, 2176], sizes = [64, 64], strides = [1, 1]} : vector<64x4096xbf16> to vector<64x64xbf16>
    %slice3A_85 = vector.extract_strided_slice %slice3A_49 {offsets = [0, 2240], sizes = [64, 64], strides = [1, 1]} : vector<64x4096xbf16> to vector<64x64xbf16>
    %slice3A_86 = vector.extract_strided_slice %slice3A_49 {offsets = [0, 2304], sizes = [64, 64], strides = [1, 1]} : vector<64x4096xbf16> to vector<64x64xbf16>
    %slice3A_87 = vector.extract_strided_slice %slice3A_49 {offsets = [0, 2368], sizes = [64, 64], strides = [1, 1]} : vector<64x4096xbf16> to vector<64x64xbf16>
    %slice3A_88 = vector.extract_strided_slice %slice3A_49 {offsets = [0, 2432], sizes = [64, 64], strides = [1, 1]} : vector<64x4096xbf16> to vector<64x64xbf16>
    %slice3A_89 = vector.extract_strided_slice %slice3A_49 {offsets = [0, 2496], sizes = [64, 64], strides = [1, 1]} : vector<64x4096xbf16> to vector<64x64xbf16>
    %slice3A_90 = vector.extract_strided_slice %slice3A_49 {offsets = [0, 2560], sizes = [64, 64], strides = [1, 1]} : vector<64x4096xbf16> to vector<64x64xbf16>
    %slice3A_91 = vector.extract_strided_slice %slice3A_49 {offsets = [0, 2624], sizes = [64, 64], strides = [1, 1]} : vector<64x4096xbf16> to vector<64x64xbf16>
    %slice3A_92 = vector.extract_strided_slice %slice3A_49 {offsets = [0, 2688], sizes = [64, 64], strides = [1, 1]} : vector<64x4096xbf16> to vector<64x64xbf16>
    %slice3A_93 = vector.extract_strided_slice %slice3A_49 {offsets = [0, 2752], sizes = [64, 64], strides = [1, 1]} : vector<64x4096xbf16> to vector<64x64xbf16>
    %slice3A_94 = vector.extract_strided_slice %slice3A_49 {offsets = [0, 2816], sizes = [64, 64], strides = [1, 1]} : vector<64x4096xbf16> to vector<64x64xbf16>
    %slice3A_95 = vector.extract_strided_slice %slice3A_49 {offsets = [0, 2880], sizes = [64, 64], strides = [1, 1]} : vector<64x4096xbf16> to vector<64x64xbf16>
    %slice3A_96 = vector.extract_strided_slice %slice3A_49 {offsets = [0, 2944], sizes = [64, 64], strides = [1, 1]} : vector<64x4096xbf16> to vector<64x64xbf16>
    %slice3A_97 = vector.extract_strided_slice %slice3A_49 {offsets = [0, 3008], sizes = [64, 64], strides = [1, 1]} : vector<64x4096xbf16> to vector<64x64xbf16>
    %slice3A_98 = vector.extract_strided_slice %slice3A_49 {offsets = [0, 3072], sizes = [64, 64], strides = [1, 1]} : vector<64x4096xbf16> to vector<64x64xbf16>
    %slice3A_99 = vector.extract_strided_slice %slice3A_49 {offsets = [0, 3136], sizes = [64, 64], strides = [1, 1]} : vector<64x4096xbf16> to vector<64x64xbf16>
    %slice3A_100 = vector.extract_strided_slice %slice3A_49 {offsets = [0, 3200], sizes = [64, 64], strides = [1, 1]} : vector<64x4096xbf16> to vector<64x64xbf16>
    %slice3A_101 = vector.extract_strided_slice %slice3A_49 {offsets = [0, 3264], sizes = [64, 64], strides = [1, 1]} : vector<64x4096xbf16> to vector<64x64xbf16>
    %slice3A_102 = vector.extract_strided_slice %slice3A_49 {offsets = [0, 3328], sizes = [64, 64], strides = [1, 1]} : vector<64x4096xbf16> to vector<64x64xbf16>
    %slice3A_103 = vector.extract_strided_slice %slice3A_49 {offsets = [0, 3392], sizes = [64, 64], strides = [1, 1]} : vector<64x4096xbf16> to vector<64x64xbf16>
    %slice3A_104 = vector.extract_strided_slice %slice3A_49 {offsets = [0, 3456], sizes = [64, 64], strides = [1, 1]} : vector<64x4096xbf16> to vector<64x64xbf16>
    %slice3A_105 = vector.extract_strided_slice %slice3A_49 {offsets = [0, 3520], sizes = [64, 64], strides = [1, 1]} : vector<64x4096xbf16> to vector<64x64xbf16>
    %slice3A_106 = vector.extract_strided_slice %slice3A_49 {offsets = [0, 3584], sizes = [64, 64], strides = [1, 1]} : vector<64x4096xbf16> to vector<64x64xbf16>
    %slice3A_107 = vector.extract_strided_slice %slice3A_49 {offsets = [0, 3648], sizes = [64, 64], strides = [1, 1]} : vector<64x4096xbf16> to vector<64x64xbf16>
    %slice3A_108 = vector.extract_strided_slice %slice3A_49 {offsets = [0, 3712], sizes = [64, 64], strides = [1, 1]} : vector<64x4096xbf16> to vector<64x64xbf16>
    %slice3A_109 = vector.extract_strided_slice %slice3A_49 {offsets = [0, 3776], sizes = [64, 64], strides = [1, 1]} : vector<64x4096xbf16> to vector<64x64xbf16>
    %slice3A_110 = vector.extract_strided_slice %slice3A_49 {offsets = [0, 3840], sizes = [64, 64], strides = [1, 1]} : vector<64x4096xbf16> to vector<64x64xbf16>
    %slice3A_111 = vector.extract_strided_slice %slice3A_49 {offsets = [0, 3904], sizes = [64, 64], strides = [1, 1]} : vector<64x4096xbf16> to vector<64x64xbf16>
    %slice3A_112 = vector.extract_strided_slice %slice3A_49 {offsets = [0, 3968], sizes = [64, 64], strides = [1, 1]} : vector<64x4096xbf16> to vector<64x64xbf16>
    %slice3A_113 = vector.extract_strided_slice %slice3A_49 {offsets = [0, 4032], sizes = [64, 64], strides = [1, 1]} : vector<64x4096xbf16> to vector<64x64xbf16>
    %concatenate3A_114 = tpu.concatenate %slice3A_50, %slice3A_51, %slice3A_52, %slice3A_53, %slice3A_54, %slice3A_55, %slice3A_56, %slice3A_57, %slice3A_58, %slice3A_59, %slice3A_60, %slice3A_61, %slice3A_62, %slice3A_63, %slice3A_64, %slice3A_65, %slice3A_66, %slice3A_67, %slice3A_68, %slice3A_69, %slice3A_70, %slice3A_71, %slice3A_72, %slice3A_73, %slice3A_74, %slice3A_75, %slice3A_76, %slice3A_77, %slice3A_78, %slice3A_79, %slice3A_80, %slice3A_81, %slice3A_82, %slice3A_83, %slice3A_84, %slice3A_85, %slice3A_86, %slice3A_87, %slice3A_88, %slice3A_89, %slice3A_90, %slice3A_91, %slice3A_92, %slice3A_93, %slice3A_94, %slice3A_95, %slice3A_96, %slice3A_97, %slice3A_98, %slice3A_99, %slice3A_100, %slice3A_101, %slice3A_102, %slice3A_103, %slice3A_104, %slice3A_105, %slice3A_106, %slice3A_107, %slice3A_108, %slice3A_109, %slice3A_110, %slice3A_111, %slice3A_112, %slice3A_113 in 0 : vector<64x64xbf16>, vector<64x64xbf16>, vector<64x64xbf16>, vector<64x64xbf16>, vector<64x64xbf16>, vector<64x64xbf16>, vector<64x64xbf16>, vector<64x64xbf16>, vector<64x64xbf16>, vector<64x64xbf16>, vector<64x64xbf16>, vector<64x64xbf16>, vector<64x64xbf16>, vector<64x64xbf16>, vector<64x64xbf16>, vector<64x64xbf16>, vector<64x64xbf16>, vector<64x64xbf16>, vector<64x64xbf16>, vector<64x64xbf16>, vector<64x64xbf16>, vector<64x64xbf16>, vector<64x64xbf16>, vector<64x64xbf16>, vector<64x64xbf16>, vector<64x64xbf16>, vector<64x64xbf16>, vector<64x64xbf16>, vector<64x64xbf16>, vector<64x64xbf16>, vector<64x64xbf16>, vector<64x64xbf16>, vector<64x64xbf16>, vector<64x64xbf16>, vector<64x64xbf16>, vector<64x64xbf16>, vector<64x64xbf16>, vector<64x64xbf16>, vector<64x64xbf16>, vector<64x64xbf16>, vector<64x64xbf16>, vector<64x64xbf16>, vector<64x64xbf16>, vector<64x64xbf16>, vector<64x64xbf16>, vector<64x64xbf16>, vector<64x64xbf16>, vector<64x64xbf16>, vector<64x64xbf16>, vector<64x64xbf16>, vector<64x64xbf16>, vector<64x64xbf16>, vector<64x64xbf16>, vector<64x64xbf16>, vector<64x64xbf16>, vector<64x64xbf16>, vector<64x64xbf16>, vector<64x64xbf16>, vector<64x64xbf16>, vector<64x64xbf16>, vector<64x64xbf16>, vector<64x64xbf16>, vector<64x64xbf16>, vector<64x64xbf16> -> vector<4096x64xbf16>
    %slice3A_115 = vector.extract_strided_slice %add3A_48 {offsets = [0, 0], sizes = [64, 1024], strides = [1, 1]} : vector<256x1024xbf16> to vector<64x1024xbf16>
    %slice3A_116 = vector.extract_strided_slice %concatenate3A_114 {offsets = [0, 0], sizes = [1024, 64], strides = [1, 1]} : vector<4096x64xbf16> to vector<1024x64xbf16>
    %dot_general3A_117 = arith.constant dense<0.000000e+00> : vector<64x64xf32>
    %dot_general3A_118 = tpu.matmul %slice3A_115, %slice3A_116, %dot_general3A_117 {dimension_numbers = #tpu.dot_dimension_numbers<[1], [0], [0], [1], [0, 0, 1, 1], [], []>, transpose_lhs_hint = false} : vector<64x1024xbf16>, vector<1024x64xbf16>, vector<64x64xf32> -> vector<64x64xf32>
    %slice3A_119 = vector.extract_strided_slice %convert_element_type3A_41 {offsets = [0, 1024], sizes = [64, 3072], strides = [1, 1]} : vector<256x4096xbf16> to vector<64x3072xbf16>
    %slice3A_120 = vector.extract_strided_slice %concatenate3A_114 {offsets = [1024, 0], sizes = [3072, 64], strides = [1, 1]} : vector<4096x64xbf16> to vector<3072x64xbf16>
    %dot_general3A_121 = arith.constant dense<0.000000e+00> : vector<64x64xf32>
    %dot_general3A_122 = tpu.matmul %slice3A_119, %slice3A_120, %dot_general3A_121 {dimension_numbers = #tpu.dot_dimension_numbers<[1], [0], [0], [1], [0, 0, 1, 1], [], []>, transpose_lhs_hint = false} : vector<64x3072xbf16>, vector<3072x64xbf16>, vector<64x64xf32> -> vector<64x64xf32>
    %add3A_123 = arith.addf %dot_general3A_118, %dot_general3A_122 : vector<64x64xf32>
    %swap3A = arith.constant 0 : index
    %swap3A_124 = arith.constant 0 : index
    %swap3A_125 = vector.load %arg5[%swap3A, %swap3A_124] : memref<256x64xf32, #tpu.memory_space<vmem>>, vector<64x64xf32>
    tpu.vector_store %arg5[%swap3A, %swap3A_124], %add3A_123 {strides = array<i32>} : memref<256x64xf32, #tpu.memory_space<vmem>>, vector<64x64xf32>,
    %eq3A_126 = arith.constant 0 : i32
    %eq3A_127 = arith.cmpi eq, %arg0, %eq3A_126 : i32
    %and3A_128 = arith.constant true
    %and3A_129 = arith.andi %eq3A_127, %and3A_128 : i1
    %convert_element_type3A_130 = arith.extui %and3A_129 : i1 to i32
    %cond3A = arith.constant 0 : i32
    %cond3A_131 = arith.cmpi ne, %convert_element_type3A_130, %cond3A : i32
    scf.if %cond3A_131 {
      %broadcast_in_dim3A_469 = arith.constant 0.000000e+00 : f32
      %broadcast_in_dim3A_470 = vector.broadcast %broadcast_in_dim3A_469 : f32 to vector<8x64xf32>
      %swap3A_471 = arith.constant 0 : index
      %swap3A_472 = arith.constant 0 : index
      %swap3A_473 = vector.load %arg6[%swap3A_471, %swap3A_472] : memref<8x64xf32, #tpu.memory_space<vmem>>, vector<8x64xf32>
      tpu.vector_store %arg6[%swap3A_471, %swap3A_472], %broadcast_in_dim3A_470 {strides = array<i32>} : memref<8x64xf32, #tpu.memory_space<vmem>>, vector<8x64xf32>,
    } else {
    }
    %get3A_132 = arith.constant 0 : index
    %get3A_133 = arith.constant 0 : index
    %get3A_134 = vector.load %arg6[%get3A_132, %get3A_133] : memref<8x64xf32, #tpu.memory_space<vmem>>, vector<1x64xf32>
    %reduce_sum3A = arith.constant dense<0.000000e+00> : vector<64xf32>
    %reduce_sum3A_135 = vector.multi_reduction <add>, %add3A_123, %reduce_sum3A [0] : vector<64x64xf32> to vector<64xf32>
    %broadcast_in_dim3A_136 = vector.shape_cast %reduce_sum3A_135 : vector<64xf32> to vector<1x64xf32>
    %add3A_137 = arith.addf %get3A_134, %broadcast_in_dim3A_136 : vector<1x64xf32>
    %swap3A_138 = arith.constant 0 : index
    %swap3A_139 = arith.constant 0 : index
    %swap3A_140 = vector.load %arg6[%swap3A_138, %swap3A_139] : memref<8x64xf32, #tpu.memory_space<vmem>>, vector<1x64xf32>
    tpu.vector_store %arg6[%swap3A_138, %swap3A_139], %add3A_137 {strides = array<i32>} : memref<8x64xf32, #tpu.memory_space<vmem>>, vector<1x64xf32>,
    %get3A_141 = arith.constant 1 : index
    %get3A_142 = arith.constant 0 : index
    %get3A_143 = vector.load %arg6[%get3A_141, %get3A_142] : memref<8x64xf32, #tpu.memory_space<vmem>>, vector<1x64xf32>
    %mul3A = arith.mulf %add3A_123, %add3A_123 : vector<64x64xf32>
    %reduce_sum3A_144 = arith.constant dense<0.000000e+00> : vector<64xf32>
    %reduce_sum3A_145 = vector.multi_reduction <add>, %mul3A, %reduce_sum3A_144 [0] : vector<64x64xf32> to vector<64xf32>
    %broadcast_in_dim3A_146 = vector.shape_cast %reduce_sum3A_145 : vector<64xf32> to vector<1x64xf32>
    %add3A_147 = arith.addf %get3A_143, %broadcast_in_dim3A_146 : vector<1x64xf32>
    %swap3A_148 = arith.constant 1 : index
    %swap3A_149 = arith.constant 0 : index
    %swap3A_150 = vector.load %arg6[%swap3A_148, %swap3A_149] : memref<8x64xf32, #tpu.memory_space<vmem>>, vector<1x64xf32>
    tpu.vector_store %arg6[%swap3A_148, %swap3A_149], %add3A_147 {strides = array<i32>} : memref<8x64xf32, #tpu.memory_space<vmem>>, vector<1x64xf32>,
    %slice3A_151 = vector.extract_strided_slice %convert_element_type3A {offsets = [64, 0], sizes = [64, 4096], strides = [1, 1]} : vector<256x4096xbf16> to vector<64x4096xbf16>
    %slice3A_152 = vector.extract_strided_slice %slice3A_151 {offsets = [0, 0], sizes = [64, 64], strides = [1, 1]} : vector<64x4096xbf16> to vector<64x64xbf16>
    %slice3A_153 = vector.extract_strided_slice %slice3A_151 {offsets = [0, 64], sizes = [64, 64], strides = [1, 1]} : vector<64x4096xbf16> to vector<64x64xbf16>
    %slice3A_154 = vector.extract_strided_slice %slice3A_151 {offsets = [0, 128], sizes = [64, 64], strides = [1, 1]} : vector<64x4096xbf16> to vector<64x64xbf16>
    %slice3A_155 = vector.extract_strided_slice %slice3A_151 {offsets = [0, 192], sizes = [64, 64], strides = [1, 1]} : vector<64x4096xbf16> to vector<64x64xbf16>
    %slice3A_156 = vector.extract_strided_slice %slice3A_151 {offsets = [0, 256], sizes = [64, 64], strides = [1, 1]} : vector<64x4096xbf16> to vector<64x64xbf16>
    %slice3A_157 = vector.extract_strided_slice %slice3A_151 {offsets = [0, 320], sizes = [64, 64], strides = [1, 1]} : vector<64x4096xbf16> to vector<64x64xbf16>
    %slice3A_158 = vector.extract_strided_slice %slice3A_151 {offsets = [0, 384], sizes = [64, 64], strides = [1, 1]} : vector<64x4096xbf16> to vector<64x64xbf16>
    %slice3A_159 = vector.extract_strided_slice %slice3A_151 {offsets = [0, 448], sizes = [64, 64], strides = [1, 1]} : vector<64x4096xbf16> to vector<64x64xbf16>
    %slice3A_160 = vector.extract_strided_slice %slice3A_151 {offsets = [0, 512], sizes = [64, 64], strides = [1, 1]} : vector<64x4096xbf16> to vector<64x64xbf16>
    %slice3A_161 = vector.extract_strided_slice %slice3A_151 {offsets = [0, 576], sizes = [64, 64], strides = [1, 1]} : vector<64x4096xbf16> to vector<64x64xbf16>
    %slice3A_162 = vector.extract_strided_slice %slice3A_151 {offsets = [0, 640], sizes = [64, 64], strides = [1, 1]} : vector<64x4096xbf16> to vector<64x64xbf16>
    %slice3A_163 = vector.extract_strided_slice %slice3A_151 {offsets = [0, 704], sizes = [64, 64], strides = [1, 1]} : vector<64x4096xbf16> to vector<64x64xbf16>
    %slice3A_164 = vector.extract_strided_slice %slice3A_151 {offsets = [0, 768], sizes = [64, 64], strides = [1, 1]} : vector<64x4096xbf16> to vector<64x64xbf16>
    %slice3A_165 = vector.extract_strided_slice %slice3A_151 {offsets = [0, 832], sizes = [64, 64], strides = [1, 1]} : vector<64x4096xbf16> to vector<64x64xbf16>
    %slice3A_166 = vector.extract_strided_slice %slice3A_151 {offsets = [0, 896], sizes = [64, 64], strides = [1, 1]} : vector<64x4096xbf16> to vector<64x64xbf16>
    %slice3A_167 = vector.extract_strided_slice %slice3A_151 {offsets = [0, 960], sizes = [64, 64], strides = [1, 1]} : vector<64x4096xbf16> to vector<64x64xbf16>
    %slice3A_168 = vector.extract_strided_slice %slice3A_151 {offsets = [0, 1024], sizes = [64, 64], strides = [1, 1]} : vector<64x4096xbf16> to vector<64x64xbf16>
    %slice3A_169 = vector.extract_strided_slice %slice3A_151 {offsets = [0, 1088], sizes = [64, 64], strides = [1, 1]} : vector<64x4096xbf16> to vector<64x64xbf16>
    %slice3A_170 = vector.extract_strided_slice %slice3A_151 {offsets = [0, 1152], sizes = [64, 64], strides = [1, 1]} : vector<64x4096xbf16> to vector<64x64xbf16>
    %slice3A_171 = vector.extract_strided_slice %slice3A_151 {offsets = [0, 1216], sizes = [64, 64], strides = [1, 1]} : vector<64x4096xbf16> to vector<64x64xbf16>
    %slice3A_172 = vector.extract_strided_slice %slice3A_151 {offsets = [0, 1280], sizes = [64, 64], strides = [1, 1]} : vector<64x4096xbf16> to vector<64x64xbf16>
    %slice3A_173 = vector.extract_strided_slice %slice3A_151 {offsets = [0, 1344], sizes = [64, 64], strides = [1, 1]} : vector<64x4096xbf16> to vector<64x64xbf16>
    %slice3A_174 = vector.extract_strided_slice %slice3A_151 {offsets = [0, 1408], sizes = [64, 64], strides = [1, 1]} : vector<64x4096xbf16> to vector<64x64xbf16>
    %slice3A_175 = vector.extract_strided_slice %slice3A_151 {offsets = [0, 1472], sizes = [64, 64], strides = [1, 1]} : vector<64x4096xbf16> to vector<64x64xbf16>
    %slice3A_176 = vector.extract_strided_slice %slice3A_151 {offsets = [0, 1536], sizes = [64, 64], strides = [1, 1]} : vector<64x4096xbf16> to vector<64x64xbf16>
    %slice3A_177 = vector.extract_strided_slice %slice3A_151 {offsets = [0, 1600], sizes = [64, 64], strides = [1, 1]} : vector<64x4096xbf16> to vector<64x64xbf16>
    %slice3A_178 = vector.extract_strided_slice %slice3A_151 {offsets = [0, 1664], sizes = [64, 64], strides = [1, 1]} : vector<64x4096xbf16> to vector<64x64xbf16>
    %slice3A_179 = vector.extract_strided_slice %slice3A_151 {offsets = [0, 1728], sizes = [64, 64], strides = [1, 1]} : vector<64x4096xbf16> to vector<64x64xbf16>
    %slice3A_180 = vector.extract_strided_slice %slice3A_151 {offsets = [0, 1792], sizes = [64, 64], strides = [1, 1]} : vector<64x4096xbf16> to vector<64x64xbf16>
    %slice3A_181 = vector.extract_strided_slice %slice3A_151 {offsets = [0, 1856], sizes = [64, 64], strides = [1, 1]} : vector<64x4096xbf16> to vector<64x64xbf16>
    %slice3A_182 = vector.extract_strided_slice %slice3A_151 {offsets = [0, 1920], sizes = [64, 64], strides = [1, 1]} : vector<64x4096xbf16> to vector<64x64xbf16>
    %slice3A_183 = vector.extract_strided_slice %slice3A_151 {offsets = [0, 1984], sizes = [64, 64], strides = [1, 1]} : vector<64x4096xbf16> to vector<64x64xbf16>
    %slice3A_184 = vector.extract_strided_slice %slice3A_151 {offsets = [0, 2048], sizes = [64, 64], strides = [1, 1]} : vector<64x4096xbf16> to vector<64x64xbf16>
    %slice3A_185 = vector.extract_strided_slice %slice3A_151 {offsets = [0, 2112], sizes = [64, 64], strides = [1, 1]} : vector<64x4096xbf16> to vector<64x64xbf16>
    %slice3A_186 = vector.extract_strided_slice %slice3A_151 {offsets = [0, 2176], sizes = [64, 64], strides = [1, 1]} : vector<64x4096xbf16> to vector<64x64xbf16>
    %slice3A_187 = vector.extract_strided_slice %slice3A_151 {offsets = [0, 2240], sizes = [64, 64], strides = [1, 1]} : vector<64x4096xbf16> to vector<64x64xbf16>
    %slice3A_188 = vector.extract_strided_slice %slice3A_151 {offsets = [0, 2304], sizes = [64, 64], strides = [1, 1]} : vector<64x4096xbf16> to vector<64x64xbf16>
    %slice3A_189 = vector.extract_strided_slice %slice3A_151 {offsets = [0, 2368], sizes = [64, 64], strides = [1, 1]} : vector<64x4096xbf16> to vector<64x64xbf16>
    %slice3A_190 = vector.extract_strided_slice %slice3A_151 {offsets = [0, 2432], sizes = [64, 64], strides = [1, 1]} : vector<64x4096xbf16> to vector<64x64xbf16>
    %slice3A_191 = vector.extract_strided_slice %slice3A_151 {offsets = [0, 2496], sizes = [64, 64], strides = [1, 1]} : vector<64x4096xbf16> to vector<64x64xbf16>
    %slice3A_192 = vector.extract_strided_slice %slice3A_151 {offsets = [0, 2560], sizes = [64, 64], strides = [1, 1]} : vector<64x4096xbf16> to vector<64x64xbf16>
    %slice3A_193 = vector.extract_strided_slice %slice3A_151 {offsets = [0, 2624], sizes = [64, 64], strides = [1, 1]} : vector<64x4096xbf16> to vector<64x64xbf16>
    %slice3A_194 = vector.extract_strided_slice %slice3A_151 {offsets = [0, 2688], sizes = [64, 64], strides = [1, 1]} : vector<64x4096xbf16> to vector<64x64xbf16>
    %slice3A_195 = vector.extract_strided_slice %slice3A_151 {offsets = [0, 2752], sizes = [64, 64], strides = [1, 1]} : vector<64x4096xbf16> to vector<64x64xbf16>
    %slice3A_196 = vector.extract_strided_slice %slice3A_151 {offsets = [0, 2816], sizes = [64, 64], strides = [1, 1]} : vector<64x4096xbf16> to vector<64x64xbf16>
    %slice3A_197 = vector.extract_strided_slice %slice3A_151 {offsets = [0, 2880], sizes = [64, 64], strides = [1, 1]} : vector<64x4096xbf16> to vector<64x64xbf16>
    %slice3A_198 = vector.extract_strided_slice %slice3A_151 {offsets = [0, 2944], sizes = [64, 64], strides = [1, 1]} : vector<64x4096xbf16> to vector<64x64xbf16>
    %slice3A_199 = vector.extract_strided_slice %slice3A_151 {offsets = [0, 3008], sizes = [64, 64], strides = [1, 1]} : vector<64x4096xbf16> to vector<64x64xbf16>
    %slice3A_200 = vector.extract_strided_slice %slice3A_151 {offsets = [0, 3072], sizes = [64, 64], strides = [1, 1]} : vector<64x4096xbf16> to vector<64x64xbf16>
    %slice3A_201 = vector.extract_strided_slice %slice3A_151 {offsets = [0, 3136], sizes = [64, 64], strides = [1, 1]} : vector<64x4096xbf16> to vector<64x64xbf16>
    %slice3A_202 = vector.extract_strided_slice %slice3A_151 {offsets = [0, 3200], sizes = [64, 64], strides = [1, 1]} : vector<64x4096xbf16> to vector<64x64xbf16>
    %slice3A_203 = vector.extract_strided_slice %slice3A_151 {offsets = [0, 3264], sizes = [64, 64], strides = [1, 1]} : vector<64x4096xbf16> to vector<64x64xbf16>
    %slice3A_204 = vector.extract_strided_slice %slice3A_151 {offsets = [0, 3328], sizes = [64, 64], strides = [1, 1]} : vector<64x4096xbf16> to vector<64x64xbf16>
    %slice3A_205 = vector.extract_strided_slice %slice3A_151 {offsets = [0, 3392], sizes = [64, 64], strides = [1, 1]} : vector<64x4096xbf16> to vector<64x64xbf16>
    %slice3A_206 = vector.extract_strided_slice %slice3A_151 {offsets = [0, 3456], sizes = [64, 64], strides = [1, 1]} : vector<64x4096xbf16> to vector<64x64xbf16>
    %slice3A_207 = vector.extract_strided_slice %slice3A_151 {offsets = [0, 3520], sizes = [64, 64], strides = [1, 1]} : vector<64x4096xbf16> to vector<64x64xbf16>
    %slice3A_208 = vector.extract_strided_slice %slice3A_151 {offsets = [0, 3584], sizes = [64, 64], strides = [1, 1]} : vector<64x4096xbf16> to vector<64x64xbf16>
    %slice3A_209 = vector.extract_strided_slice %slice3A_151 {offsets = [0, 3648], sizes = [64, 64], strides = [1, 1]} : vector<64x4096xbf16> to vector<64x64xbf16>
    %slice3A_210 = vector.extract_strided_slice %slice3A_151 {offsets = [0, 3712], sizes = [64, 64], strides = [1, 1]} : vector<64x4096xbf16> to vector<64x64xbf16>
    %slice3A_211 = vector.extract_strided_slice %slice3A_151 {offsets = [0, 3776], sizes = [64, 64], strides = [1, 1]} : vector<64x4096xbf16> to vector<64x64xbf16>
    %slice3A_212 = vector.extract_strided_slice %slice3A_151 {offsets = [0, 3840], sizes = [64, 64], strides = [1, 1]} : vector<64x4096xbf16> to vector<64x64xbf16>
    %slice3A_213 = vector.extract_strided_slice %slice3A_151 {offsets = [0, 3904], sizes = [64, 64], strides = [1, 1]} : vector<64x4096xbf16> to vector<64x64xbf16>
    %slice3A_214 = vector.extract_strided_slice %slice3A_151 {offsets = [0, 3968], sizes = [64, 64], strides = [1, 1]} : vector<64x4096xbf16> to vector<64x64xbf16>
    %slice3A_215 = vector.extract_strided_slice %slice3A_151 {offsets = [0, 4032], sizes = [64, 64], strides = [1, 1]} : vector<64x4096xbf16> to vector<64x64xbf16>
    %concatenate3A_216 = tpu.concatenate %slice3A_152, %slice3A_153, %slice3A_154, %slice3A_155, %slice3A_156, %slice3A_157, %slice3A_158, %slice3A_159, %slice3A_160, %slice3A_161, %slice3A_162, %slice3A_163, %slice3A_164, %slice3A_165, %slice3A_166, %slice3A_167, %slice3A_168, %slice3A_169, %slice3A_170, %slice3A_171, %slice3A_172, %slice3A_173, %slice3A_174, %slice3A_175, %slice3A_176, %slice3A_177, %slice3A_178, %slice3A_179, %slice3A_180, %slice3A_181, %slice3A_182, %slice3A_183, %slice3A_184, %slice3A_185, %slice3A_186, %slice3A_187, %slice3A_188, %slice3A_189, %slice3A_190, %slice3A_191, %slice3A_192, %slice3A_193, %slice3A_194, %slice3A_195, %slice3A_196, %slice3A_197, %slice3A_198, %slice3A_199, %slice3A_200, %slice3A_201, %slice3A_202, %slice3A_203, %slice3A_204, %slice3A_205, %slice3A_206, %slice3A_207, %slice3A_208, %slice3A_209, %slice3A_210, %slice3A_211, %slice3A_212, %slice3A_213, %slice3A_214, %slice3A_215 in 0 : vector<64x64xbf16>, vector<64x64xbf16>, vector<64x64xbf16>, vector<64x64xbf16>, vector<64x64xbf16>, vector<64x64xbf16>, vector<64x64xbf16>, vector<64x64xbf16>, vector<64x64xbf16>, vector<64x64xbf16>, vector<64x64xbf16>, vector<64x64xbf16>, vector<64x64xbf16>, vector<64x64xbf16>, vector<64x64xbf16>, vector<64x64xbf16>, vector<64x64xbf16>, vector<64x64xbf16>, vector<64x64xbf16>, vector<64x64xbf16>, vector<64x64xbf16>, vector<64x64xbf16>, vector<64x64xbf16>, vector<64x64xbf16>, vector<64x64xbf16>, vector<64x64xbf16>, vector<64x64xbf16>, vector<64x64xbf16>, vector<64x64xbf16>, vector<64x64xbf16>, vector<64x64xbf16>, vector<64x64xbf16>, vector<64x64xbf16>, vector<64x64xbf16>, vector<64x64xbf16>, vector<64x64xbf16>, vector<64x64xbf16>, vector<64x64xbf16>, vector<64x64xbf16>, vector<64x64xbf16>, vector<64x64xbf16>, vector<64x64xbf16>, vector<64x64xbf16>, vector<64x64xbf16>, vector<64x64xbf16>, vector<64x64xbf16>, vector<64x64xbf16>, vector<64x64xbf16>, vector<64x64xbf16>, vector<64x64xbf16>, vector<64x64xbf16>, vector<64x64xbf16>, vector<64x64xbf16>, vector<64x64xbf16>, vector<64x64xbf16>, vector<64x64xbf16>, vector<64x64xbf16>, vector<64x64xbf16>, vector<64x64xbf16>, vector<64x64xbf16>, vector<64x64xbf16>, vector<64x64xbf16>, vector<64x64xbf16>, vector<64x64xbf16> -> vector<4096x64xbf16>
    %slice3A_217 = vector.extract_strided_slice %add3A_48 {offsets = [64, 0], sizes = [64, 1024], strides = [1, 1]} : vector<256x1024xbf16> to vector<64x1024xbf16>
    %slice3A_218 = vector.extract_strided_slice %concatenate3A_216 {offsets = [0, 0], sizes = [1024, 64], strides = [1, 1]} : vector<4096x64xbf16> to vector<1024x64xbf16>
    %dot_general3A_219 = arith.constant dense<0.000000e+00> : vector<64x64xf32>
    %dot_general3A_220 = tpu.matmul %slice3A_217, %slice3A_218, %dot_general3A_219 {dimension_numbers = #tpu.dot_dimension_numbers<[1], [0], [0], [1], [0, 0, 1, 1], [], []>, transpose_lhs_hint = false} : vector<64x1024xbf16>, vector<1024x64xbf16>, vector<64x64xf32> -> vector<64x64xf32>
    %slice3A_221 = vector.extract_strided_slice %convert_element_type3A_41 {offsets = [64, 1024], sizes = [64, 3072], strides = [1, 1]} : vector<256x4096xbf16> to vector<64x3072xbf16>
    %slice3A_222 = vector.extract_strided_slice %concatenate3A_216 {offsets = [1024, 0], sizes = [3072, 64], strides = [1, 1]} : vector<4096x64xbf16> to vector<3072x64xbf16>
    %dot_general3A_223 = arith.constant dense<0.000000e+00> : vector<64x64xf32>
    %dot_general3A_224 = tpu.matmul %slice3A_221, %slice3A_222, %dot_general3A_223 {dimension_numbers = #tpu.dot_dimension_numbers<[1], [0], [0], [1], [0, 0, 1, 1], [], []>, transpose_lhs_hint = false} : vector<64x3072xbf16>, vector<3072x64xbf16>, vector<64x64xf32> -> vector<64x64xf32>
    %add3A_225 = arith.addf %dot_general3A_220, %dot_general3A_224 : vector<64x64xf32>
    %swap3A_226 = arith.constant 64 : index
    %swap3A_227 = arith.constant 0 : index
    %swap3A_228 = vector.load %arg5[%swap3A_226, %swap3A_227] : memref<256x64xf32, #tpu.memory_space<vmem>>, vector<64x64xf32>
    tpu.vector_store %arg5[%swap3A_226, %swap3A_227], %add3A_225 {strides = array<i32>} : memref<256x64xf32, #tpu.memory_space<vmem>>, vector<64x64xf32>,
    %eq3A_229 = arith.constant 0 : i32
    %eq3A_230 = arith.cmpi eq, %arg0, %eq3A_229 : i32
    %and3A_231 = arith.constant false
    %and3A_232 = arith.andi %eq3A_230, %and3A_231 : i1
    %convert_element_type3A_233 = arith.extui %and3A_232 : i1 to i32
    %cond3A_234 = arith.constant 0 : i32
    %cond3A_235 = arith.cmpi ne, %convert_element_type3A_233, %cond3A_234 : i32
    scf.if %cond3A_235 {
      %broadcast_in_dim3A_469 = arith.constant 0.000000e+00 : f32
      %broadcast_in_dim3A_470 = vector.broadcast %broadcast_in_dim3A_469 : f32 to vector<8x64xf32>
      %swap3A_471 = arith.constant 0 : index
      %swap3A_472 = arith.constant 0 : index
      %swap3A_473 = vector.load %arg6[%swap3A_471, %swap3A_472] : memref<8x64xf32, #tpu.memory_space<vmem>>, vector<8x64xf32>
      tpu.vector_store %arg6[%swap3A_471, %swap3A_472], %broadcast_in_dim3A_470 {strides = array<i32>} : memref<8x64xf32, #tpu.memory_space<vmem>>, vector<8x64xf32>,
    } else {
    }
    %get3A_236 = arith.constant 0 : index
    %get3A_237 = arith.constant 0 : index
    %get3A_238 = vector.load %arg6[%get3A_236, %get3A_237] : memref<8x64xf32, #tpu.memory_space<vmem>>, vector<1x64xf32>
    %reduce_sum3A_239 = arith.constant dense<0.000000e+00> : vector<64xf32>
    %reduce_sum3A_240 = vector.multi_reduction <add>, %add3A_225, %reduce_sum3A_239 [0] : vector<64x64xf32> to vector<64xf32>
    %broadcast_in_dim3A_241 = vector.shape_cast %reduce_sum3A_240 : vector<64xf32> to vector<1x64xf32>
    %add3A_242 = arith.addf %get3A_238, %broadcast_in_dim3A_241 : vector<1x64xf32>
    %swap3A_243 = arith.constant 0 : index
    %swap3A_244 = arith.constant 0 : index
    %swap3A_245 = vector.load %arg6[%swap3A_243, %swap3A_244] : memref<8x64xf32, #tpu.memory_space<vmem>>, vector<1x64xf32>
    tpu.vector_store %arg6[%swap3A_243, %swap3A_244], %add3A_242 {strides = array<i32>} : memref<8x64xf32, #tpu.memory_space<vmem>>, vector<1x64xf32>,
    %get3A_246 = arith.constant 1 : index
    %get3A_247 = arith.constant 0 : index
    %get3A_248 = vector.load %arg6[%get3A_246, %get3A_247] : memref<8x64xf32, #tpu.memory_space<vmem>>, vector<1x64xf32>
    %mul3A_249 = arith.mulf %add3A_225, %add3A_225 : vector<64x64xf32>
    %reduce_sum3A_250 = arith.constant dense<0.000000e+00> : vector<64xf32>
    %reduce_sum3A_251 = vector.multi_reduction <add>, %mul3A_249, %reduce_sum3A_250 [0] : vector<64x64xf32> to vector<64xf32>
    %broadcast_in_dim3A_252 = vector.shape_cast %reduce_sum3A_251 : vector<64xf32> to vector<1x64xf32>
    %add3A_253 = arith.addf %get3A_248, %broadcast_in_dim3A_252 : vector<1x64xf32>
    %swap3A_254 = arith.constant 1 : index
    %swap3A_255 = arith.constant 0 : index
    %swap3A_256 = vector.load %arg6[%swap3A_254, %swap3A_255] : memref<8x64xf32, #tpu.memory_space<vmem>>, vector<1x64xf32>
    tpu.vector_store %arg6[%swap3A_254, %swap3A_255], %add3A_253 {strides = array<i32>} : memref<8x64xf32, #tpu.memory_space<vmem>>, vector<1x64xf32>,
    %slice3A_257 = vector.extract_strided_slice %convert_element_type3A {offsets = [128, 0], sizes = [64, 4096], strides = [1, 1]} : vector<256x4096xbf16> to vector<64x4096xbf16>
    %slice3A_258 = vector.extract_strided_slice %slice3A_257 {offsets = [0, 0], sizes = [64, 64], strides = [1, 1]} : vector<64x4096xbf16> to vector<64x64xbf16>
    %slice3A_259 = vector.extract_strided_slice %slice3A_257 {offsets = [0, 64], sizes = [64, 64], strides = [1, 1]} : vector<64x4096xbf16> to vector<64x64xbf16>
    %slice3A_260 = vector.extract_strided_slice %slice3A_257 {offsets = [0, 128], sizes = [64, 64], strides = [1, 1]} : vector<64x4096xbf16> to vector<64x64xbf16>
    %slice3A_261 = vector.extract_strided_slice %slice3A_257 {offsets = [0, 192], sizes = [64, 64], strides = [1, 1]} : vector<64x4096xbf16> to vector<64x64xbf16>
    %slice3A_262 = vector.extract_strided_slice %slice3A_257 {offsets = [0, 256], sizes = [64, 64], strides = [1, 1]} : vector<64x4096xbf16> to vector<64x64xbf16>
    %slice3A_263 = vector.extract_strided_slice %slice3A_257 {offsets = [0, 320], sizes = [64, 64], strides = [1, 1]} : vector<64x4096xbf16> to vector<64x64xbf16>
    %slice3A_264 = vector.extract_strided_slice %slice3A_257 {offsets = [0, 384], sizes = [64, 64], strides = [1, 1]} : vector<64x4096xbf16> to vector<64x64xbf16>
    %slice3A_265 = vector.extract_strided_slice %slice3A_257 {offsets = [0, 448], sizes = [64, 64], strides = [1, 1]} : vector<64x4096xbf16> to vector<64x64xbf16>
    %slice3A_266 = vector.extract_strided_slice %slice3A_257 {offsets = [0, 512], sizes = [64, 64], strides = [1, 1]} : vector<64x4096xbf16> to vector<64x64xbf16>
    %slice3A_267 = vector.extract_strided_slice %slice3A_257 {offsets = [0, 576], sizes = [64, 64], strides = [1, 1]} : vector<64x4096xbf16> to vector<64x64xbf16>
    %slice3A_268 = vector.extract_strided_slice %slice3A_257 {offsets = [0, 640], sizes = [64, 64], strides = [1, 1]} : vector<64x4096xbf16> to vector<64x64xbf16>
    %slice3A_269 = vector.extract_strided_slice %slice3A_257 {offsets = [0, 704], sizes = [64, 64], strides = [1, 1]} : vector<64x4096xbf16> to vector<64x64xbf16>
    %slice3A_270 = vector.extract_strided_slice %slice3A_257 {offsets = [0, 768], sizes = [64, 64], strides = [1, 1]} : vector<64x4096xbf16> to vector<64x64xbf16>
    %slice3A_271 = vector.extract_strided_slice %slice3A_257 {offsets = [0, 832], sizes = [64, 64], strides = [1, 1]} : vector<64x4096xbf16> to vector<64x64xbf16>
    %slice3A_272 = vector.extract_strided_slice %slice3A_257 {offsets = [0, 896], sizes = [64, 64], strides = [1, 1]} : vector<64x4096xbf16> to vector<64x64xbf16>
    %slice3A_273 = vector.extract_strided_slice %slice3A_257 {offsets = [0, 960], sizes = [64, 64], strides = [1, 1]} : vector<64x4096xbf16> to vector<64x64xbf16>
    %slice3A_274 = vector.extract_strided_slice %slice3A_257 {offsets = [0, 1024], sizes = [64, 64], strides = [1, 1]} : vector<64x4096xbf16> to vector<64x64xbf16>
    %slice3A_275 = vector.extract_strided_slice %slice3A_257 {offsets = [0, 1088], sizes = [64, 64], strides = [1, 1]} : vector<64x4096xbf16> to vector<64x64xbf16>
    %slice3A_276 = vector.extract_strided_slice %slice3A_257 {offsets = [0, 1152], sizes = [64, 64], strides = [1, 1]} : vector<64x4096xbf16> to vector<64x64xbf16>
    %slice3A_277 = vector.extract_strided_slice %slice3A_257 {offsets = [0, 1216], sizes = [64, 64], strides = [1, 1]} : vector<64x4096xbf16> to vector<64x64xbf16>
    %slice3A_278 = vector.extract_strided_slice %slice3A_257 {offsets = [0, 1280], sizes = [64, 64], strides = [1, 1]} : vector<64x4096xbf16> to vector<64x64xbf16>
    %slice3A_279 = vector.extract_strided_slice %slice3A_257 {offsets = [0, 1344], sizes = [64, 64], strides = [1, 1]} : vector<64x4096xbf16> to vector<64x64xbf16>
    %slice3A_280 = vector.extract_strided_slice %slice3A_257 {offsets = [0, 1408], sizes = [64, 64], strides = [1, 1]} : vector<64x4096xbf16> to vector<64x64xbf16>
    %slice3A_281 = vector.extract_strided_slice %slice3A_257 {offsets = [0, 1472], sizes = [64, 64], strides = [1, 1]} : vector<64x4096xbf16> to vector<64x64xbf16>
    %slice3A_282 = vector.extract_strided_slice %slice3A_257 {offsets = [0, 1536], sizes = [64, 64], strides = [1, 1]} : vector<64x4096xbf16> to vector<64x64xbf16>
    %slice3A_283 = vector.extract_strided_slice %slice3A_257 {offsets = [0, 1600], sizes = [64, 64], strides = [1, 1]} : vector<64x4096xbf16> to vector<64x64xbf16>
    %slice3A_284 = vector.extract_strided_slice %slice3A_257 {offsets = [0, 1664], sizes = [64, 64], strides = [1, 1]} : vector<64x4096xbf16> to vector<64x64xbf16>
    %slice3A_285 = vector.extract_strided_slice %slice3A_257 {offsets = [0, 1728], sizes = [64, 64], strides = [1, 1]} : vector<64x4096xbf16> to vector<64x64xbf16>
    %slice3A_286 = vector.extract_strided_slice %slice3A_257 {offsets = [0, 1792], sizes = [64, 64], strides = [1, 1]} : vector<64x4096xbf16> to vector<64x64xbf16>
    %slice3A_287 = vector.extract_strided_slice %slice3A_257 {offsets = [0, 1856], sizes = [64, 64], strides = [1, 1]} : vector<64x4096xbf16> to vector<64x64xbf16>
    %slice3A_288 = vector.extract_strided_slice %slice3A_257 {offsets = [0, 1920], sizes = [64, 64], strides = [1, 1]} : vector<64x4096xbf16> to vector<64x64xbf16>
    %slice3A_289 = vector.extract_strided_slice %slice3A_257 {offsets = [0, 1984], sizes = [64, 64], strides = [1, 1]} : vector<64x4096xbf16> to vector<64x64xbf16>
    %slice3A_290 = vector.extract_strided_slice %slice3A_257 {offsets = [0, 2048], sizes = [64, 64], strides = [1, 1]} : vector<64x4096xbf16> to vector<64x64xbf16>
    %slice3A_291 = vector.extract_strided_slice %slice3A_257 {offsets = [0, 2112], sizes = [64, 64], strides = [1, 1]} : vector<64x4096xbf16> to vector<64x64xbf16>
    %slice3A_292 = vector.extract_strided_slice %slice3A_257 {offsets = [0, 2176], sizes = [64, 64], strides = [1, 1]} : vector<64x4096xbf16> to vector<64x64xbf16>
    %slice3A_293 = vector.extract_strided_slice %slice3A_257 {offsets = [0, 2240], sizes = [64, 64], strides = [1, 1]} : vector<64x4096xbf16> to vector<64x64xbf16>
    %slice3A_294 = vector.extract_strided_slice %slice3A_257 {offsets = [0, 2304], sizes = [64, 64], strides = [1, 1]} : vector<64x4096xbf16> to vector<64x64xbf16>
    %slice3A_295 = vector.extract_strided_slice %slice3A_257 {offsets = [0, 2368], sizes = [64, 64], strides = [1, 1]} : vector<64x4096xbf16> to vector<64x64xbf16>
    %slice3A_296 = vector.extract_strided_slice %slice3A_257 {offsets = [0, 2432], sizes = [64, 64], strides = [1, 1]} : vector<64x4096xbf16> to vector<64x64xbf16>
    %slice3A_297 = vector.extract_strided_slice %slice3A_257 {offsets = [0, 2496], sizes = [64, 64], strides = [1, 1]} : vector<64x4096xbf16> to vector<64x64xbf16>
    %slice3A_298 = vector.extract_strided_slice %slice3A_257 {offsets = [0, 2560], sizes = [64, 64], strides = [1, 1]} : vector<64x4096xbf16> to vector<64x64xbf16>
    %slice3A_299 = vector.extract_strided_slice %slice3A_257 {offsets = [0, 2624], sizes = [64, 64], strides = [1, 1]} : vector<64x4096xbf16> to vector<64x64xbf16>
    %slice3A_300 = vector.extract_strided_slice %slice3A_257 {offsets = [0, 2688], sizes = [64, 64], strides = [1, 1]} : vector<64x4096xbf16> to vector<64x64xbf16>
    %slice3A_301 = vector.extract_strided_slice %slice3A_257 {offsets = [0, 2752], sizes = [64, 64], strides = [1, 1]} : vector<64x4096xbf16> to vector<64x64xbf16>
    %slice3A_302 = vector.extract_strided_slice %slice3A_257 {offsets = [0, 2816], sizes = [64, 64], strides = [1, 1]} : vector<64x4096xbf16> to vector<64x64xbf16>
    %slice3A_303 = vector.extract_strided_slice %slice3A_257 {offsets = [0, 2880], sizes = [64, 64], strides = [1, 1]} : vector<64x4096xbf16> to vector<64x64xbf16>
    %slice3A_304 = vector.extract_strided_slice %slice3A_257 {offsets = [0, 2944], sizes = [64, 64], strides = [1, 1]} : vector<64x4096xbf16> to vector<64x64xbf16>
    %slice3A_305 = vector.extract_strided_slice %slice3A_257 {offsets = [0, 3008], sizes = [64, 64], strides = [1, 1]} : vector<64x4096xbf16> to vector<64x64xbf16>
    %slice3A_306 = vector.extract_strided_slice %slice3A_257 {offsets = [0, 3072], sizes = [64, 64], strides = [1, 1]} : vector<64x4096xbf16> to vector<64x64xbf16>
    %slice3A_307 = vector.extract_strided_slice %slice3A_257 {offsets = [0, 3136], sizes = [64, 64], strides = [1, 1]} : vector<64x4096xbf16> to vector<64x64xbf16>
    %slice3A_308 = vector.extract_strided_slice %slice3A_257 {offsets = [0, 3200], sizes = [64, 64], strides = [1, 1]} : vector<64x4096xbf16> to vector<64x64xbf16>
    %slice3A_309 = vector.extract_strided_slice %slice3A_257 {offsets = [0, 3264], sizes = [64, 64], strides = [1, 1]} : vector<64x4096xbf16> to vector<64x64xbf16>
    %slice3A_310 = vector.extract_strided_slice %slice3A_257 {offsets = [0, 3328], sizes = [64, 64], strides = [1, 1]} : vector<64x4096xbf16> to vector<64x64xbf16>
    %slice3A_311 = vector.extract_strided_slice %slice3A_257 {offsets = [0, 3392], sizes = [64, 64], strides = [1, 1]} : vector<64x4096xbf16> to vector<64x64xbf16>
    %slice3A_312 = vector.extract_strided_slice %slice3A_257 {offsets = [0, 3456], sizes = [64, 64], strides = [1, 1]} : vector<64x4096xbf16> to vector<64x64xbf16>
    %slice3A_313 = vector.extract_strided_slice %slice3A_257 {offsets = [0, 3520], sizes = [64, 64], strides = [1, 1]} : vector<64x4096xbf16> to vector<64x64xbf16>
    %slice3A_314 = vector.extract_strided_slice %slice3A_257 {offsets = [0, 3584], sizes = [64, 64], strides = [1, 1]} : vector<64x4096xbf16> to vector<64x64xbf16>
    %slice3A_315 = vector.extract_strided_slice %slice3A_257 {offsets = [0, 3648], sizes = [64, 64], strides = [1, 1]} : vector<64x4096xbf16> to vector<64x64xbf16>
    %slice3A_316 = vector.extract_strided_slice %slice3A_257 {offsets = [0, 3712], sizes = [64, 64], strides = [1, 1]} : vector<64x4096xbf16> to vector<64x64xbf16>
    %slice3A_317 = vector.extract_strided_slice %slice3A_257 {offsets = [0, 3776], sizes = [64, 64], strides = [1, 1]} : vector<64x4096xbf16> to vector<64x64xbf16>
    %slice3A_318 = vector.extract_strided_slice %slice3A_257 {offsets = [0, 3840], sizes = [64, 64], strides = [1, 1]} : vector<64x4096xbf16> to vector<64x64xbf16>
    %slice3A_319 = vector.extract_strided_slice %slice3A_257 {offsets = [0, 3904], sizes = [64, 64], strides = [1, 1]} : vector<64x4096xbf16> to vector<64x64xbf16>
    %slice3A_320 = vector.extract_strided_slice %slice3A_257 {offsets = [0, 3968], sizes = [64, 64], strides = [1, 1]} : vector<64x4096xbf16> to vector<64x64xbf16>
    %slice3A_321 = vector.extract_strided_slice %slice3A_257 {offsets = [0, 4032], sizes = [64, 64], strides = [1, 1]} : vector<64x4096xbf16> to vector<64x64xbf16>
    %concatenate3A_322 = tpu.concatenate %slice3A_258, %slice3A_259, %slice3A_260, %slice3A_261, %slice3A_262, %slice3A_263, %slice3A_264, %slice3A_265, %slice3A_266, %slice3A_267, %slice3A_268, %slice3A_269, %slice3A_270, %slice3A_271, %slice3A_272, %slice3A_273, %slice3A_274, %slice3A_275, %slice3A_276, %slice3A_277, %slice3A_278, %slice3A_279, %slice3A_280, %slice3A_281, %slice3A_282, %slice3A_283, %slice3A_284, %slice3A_285, %slice3A_286, %slice3A_287, %slice3A_288, %slice3A_289, %slice3A_290, %slice3A_291, %slice3A_292, %slice3A_293, %slice3A_294, %slice3A_295, %slice3A_296, %slice3A_297, %slice3A_298, %slice3A_299, %slice3A_300, %slice3A_301, %slice3A_302, %slice3A_303, %slice3A_304, %slice3A_305, %slice3A_306, %slice3A_307, %slice3A_308, %slice3A_309, %slice3A_310, %slice3A_311, %slice3A_312, %slice3A_313, %slice3A_314, %slice3A_315, %slice3A_316, %slice3A_317, %slice3A_318, %slice3A_319, %slice3A_320, %slice3A_321 in 0 : vector<64x64xbf16>, vector<64x64xbf16>, vector<64x64xbf16>, vector<64x64xbf16>, vector<64x64xbf16>, vector<64x64xbf16>, vector<64x64xbf16>, vector<64x64xbf16>, vector<64x64xbf16>, vector<64x64xbf16>, vector<64x64xbf16>, vector<64x64xbf16>, vector<64x64xbf16>, vector<64x64xbf16>, vector<64x64xbf16>, vector<64x64xbf16>, vector<64x64xbf16>, vector<64x64xbf16>, vector<64x64xbf16>, vector<64x64xbf16>, vector<64x64xbf16>, vector<64x64xbf16>, vector<64x64xbf16>, vector<64x64xbf16>, vector<64x64xbf16>, vector<64x64xbf16>, vector<64x64xbf16>, vector<64x64xbf16>, vector<64x64xbf16>, vector<64x64xbf16>, vector<64x64xbf16>, vector<64x64xbf16>, vector<64x64xbf16>, vector<64x64xbf16>, vector<64x64xbf16>, vector<64x64xbf16>, vector<64x64xbf16>, vector<64x64xbf16>, vector<64x64xbf16>, vector<64x64xbf16>, vector<64x64xbf16>, vector<64x64xbf16>, vector<64x64xbf16>, vector<64x64xbf16>, vector<64x64xbf16>, vector<64x64xbf16>, vector<64x64xbf16>, vector<64x64xbf16>, vector<64x64xbf16>, vector<64x64xbf16>, vector<64x64xbf16>, vector<64x64xbf16>, vector<64x64xbf16>, vector<64x64xbf16>, vector<64x64xbf16>, vector<64x64xbf16>, vector<64x64xbf16>, vector<64x64xbf16>, vector<64x64xbf16>, vector<64x64xbf16>, vector<64x64xbf16>, vector<64x64xbf16>, vector<64x64xbf16>, vector<64x64xbf16> -> vector<4096x64xbf16>
    %slice3A_323 = vector.extract_strided_slice %add3A_48 {offsets = [128, 0], sizes = [64, 1024], strides = [1, 1]} : vector<256x1024xbf16> to vector<64x1024xbf16>
    %slice3A_324 = vector.extract_strided_slice %concatenate3A_322 {offsets = [0, 0], sizes = [1024, 64], strides = [1, 1]} : vector<4096x64xbf16> to vector<1024x64xbf16>
    %dot_general3A_325 = arith.constant dense<0.000000e+00> : vector<64x64xf32>
    %dot_general3A_326 = tpu.matmul %slice3A_323, %slice3A_324, %dot_general3A_325 {dimension_numbers = #tpu.dot_dimension_numbers<[1], [0], [0], [1], [0, 0, 1, 1], [], []>, transpose_lhs_hint = false} : vector<64x1024xbf16>, vector<1024x64xbf16>, vector<64x64xf32> -> vector<64x64xf32>
    %slice3A_327 = vector.extract_strided_slice %convert_element_type3A_41 {offsets = [128, 1024], sizes = [64, 3072], strides = [1, 1]} : vector<256x4096xbf16> to vector<64x3072xbf16>
    %slice3A_328 = vector.extract_strided_slice %concatenate3A_322 {offsets = [1024, 0], sizes = [3072, 64], strides = [1, 1]} : vector<4096x64xbf16> to vector<3072x64xbf16>
    %dot_general3A_329 = arith.constant dense<0.000000e+00> : vector<64x64xf32>
    %dot_general3A_330 = tpu.matmul %slice3A_327, %slice3A_328, %dot_general3A_329 {dimension_numbers = #tpu.dot_dimension_numbers<[1], [0], [0], [1], [0, 0, 1, 1], [], []>, transpose_lhs_hint = false} : vector<64x3072xbf16>, vector<3072x64xbf16>, vector<64x64xf32> -> vector<64x64xf32>
    %add3A_331 = arith.addf %dot_general3A_326, %dot_general3A_330 : vector<64x64xf32>
    %swap3A_332 = arith.constant 128 : index
    %swap3A_333 = arith.constant 0 : index
    %swap3A_334 = vector.load %arg5[%swap3A_332, %swap3A_333] : memref<256x64xf32, #tpu.memory_space<vmem>>, vector<64x64xf32>
    tpu.vector_store %arg5[%swap3A_332, %swap3A_333], %add3A_331 {strides = array<i32>} : memref<256x64xf32, #tpu.memory_space<vmem>>, vector<64x64xf32>,
    %eq3A_335 = arith.constant 0 : i32
    %eq3A_336 = arith.cmpi eq, %arg0, %eq3A_335 : i32
    %and3A_337 = arith.constant false
    %and3A_338 = arith.andi %eq3A_336, %and3A_337 : i1
    %convert_element_type3A_339 = arith.extui %and3A_338 : i1 to i32
    %cond3A_340 = arith.constant 0 : i32
    %cond3A_341 = arith.cmpi ne, %convert_element_type3A_339, %cond3A_340 : i32
    scf.if %cond3A_341 {
      %broadcast_in_dim3A_469 = arith.constant 0.000000e+00 : f32
      %broadcast_in_dim3A_470 = vector.broadcast %broadcast_in_dim3A_469 : f32 to vector<8x64xf32>
      %swap3A_471 = arith.constant 0 : index
      %swap3A_472 = arith.constant 0 : index
      %swap3A_473 = vector.load %arg6[%swap3A_471, %swap3A_472] : memref<8x64xf32, #tpu.memory_space<vmem>>, vector<8x64xf32>
      tpu.vector_store %arg6[%swap3A_471, %swap3A_472], %broadcast_in_dim3A_470 {strides = array<i32>} : memref<8x64xf32, #tpu.memory_space<vmem>>, vector<8x64xf32>,
    } else {
    }
    %get3A_342 = arith.constant 0 : index
    %get3A_343 = arith.constant 0 : index
    %get3A_344 = vector.load %arg6[%get3A_342, %get3A_343] : memref<8x64xf32, #tpu.memory_space<vmem>>, vector<1x64xf32>
    %reduce_sum3A_345 = arith.constant dense<0.000000e+00> : vector<64xf32>
    %reduce_sum3A_346 = vector.multi_reduction <add>, %add3A_331, %reduce_sum3A_345 [0] : vector<64x64xf32> to vector<64xf32>
    %broadcast_in_dim3A_347 = vector.shape_cast %reduce_sum3A_346 : vector<64xf32> to vector<1x64xf32>
    %add3A_348 = arith.addf %get3A_344, %broadcast_in_dim3A_347 : vector<1x64xf32>
    %swap3A_349 = arith.constant 0 : index
    %swap3A_350 = arith.constant 0 : index
    %swap3A_351 = vector.load %arg6[%swap3A_349, %swap3A_350] : memref<8x64xf32, #tpu.memory_space<vmem>>, vector<1x64xf32>
    tpu.vector_store %arg6[%swap3A_349, %swap3A_350], %add3A_348 {strides = array<i32>} : memref<8x64xf32, #tpu.memory_space<vmem>>, vector<1x64xf32>,
    %get3A_352 = arith.constant 1 : index
    %get3A_353 = arith.constant 0 : index
    %get3A_354 = vector.load %arg6[%get3A_352, %get3A_353] : memref<8x64xf32, #tpu.memory_space<vmem>>, vector<1x64xf32>
    %mul3A_355 = arith.mulf %add3A_331, %add3A_331 : vector<64x64xf32>
    %reduce_sum3A_356 = arith.constant dense<0.000000e+00> : vector<64xf32>
    %reduce_sum3A_357 = vector.multi_reduction <add>, %mul3A_355, %reduce_sum3A_356 [0] : vector<64x64xf32> to vector<64xf32>
    %broadcast_in_dim3A_358 = vector.shape_cast %reduce_sum3A_357 : vector<64xf32> to vector<1x64xf32>
    %add3A_359 = arith.addf %get3A_354, %broadcast_in_dim3A_358 : vector<1x64xf32>
    %swap3A_360 = arith.constant 1 : index
    %swap3A_361 = arith.constant 0 : index
    %swap3A_362 = vector.load %arg6[%swap3A_360, %swap3A_361] : memref<8x64xf32, #tpu.memory_space<vmem>>, vector<1x64xf32>
    tpu.vector_store %arg6[%swap3A_360, %swap3A_361], %add3A_359 {strides = array<i32>} : memref<8x64xf32, #tpu.memory_space<vmem>>, vector<1x64xf32>,
    %slice3A_363 = vector.extract_strided_slice %convert_element_type3A {offsets = [192, 0], sizes = [64, 4096], strides = [1, 1]} : vector<256x4096xbf16> to vector<64x4096xbf16>
    %slice3A_364 = vector.extract_strided_slice %slice3A_363 {offsets = [0, 0], sizes = [64, 64], strides = [1, 1]} : vector<64x4096xbf16> to vector<64x64xbf16>
    %slice3A_365 = vector.extract_strided_slice %slice3A_363 {offsets = [0, 64], sizes = [64, 64], strides = [1, 1]} : vector<64x4096xbf16> to vector<64x64xbf16>
    %slice3A_366 = vector.extract_strided_slice %slice3A_363 {offsets = [0, 128], sizes = [64, 64], strides = [1, 1]} : vector<64x4096xbf16> to vector<64x64xbf16>
    %slice3A_367 = vector.extract_strided_slice %slice3A_363 {offsets = [0, 192], sizes = [64, 64], strides = [1, 1]} : vector<64x4096xbf16> to vector<64x64xbf16>
    %slice3A_368 = vector.extract_strided_slice %slice3A_363 {offsets = [0, 256], sizes = [64, 64], strides = [1, 1]} : vector<64x4096xbf16> to vector<64x64xbf16>
    %slice3A_369 = vector.extract_strided_slice %slice3A_363 {offsets = [0, 320], sizes = [64, 64], strides = [1, 1]} : vector<64x4096xbf16> to vector<64x64xbf16>
    %slice3A_370 = vector.extract_strided_slice %slice3A_363 {offsets = [0, 384], sizes = [64, 64], strides = [1, 1]} : vector<64x4096xbf16> to vector<64x64xbf16>
    %slice3A_371 = vector.extract_strided_slice %slice3A_363 {offsets = [0, 448], sizes = [64, 64], strides = [1, 1]} : vector<64x4096xbf16> to vector<64x64xbf16>
    %slice3A_372 = vector.extract_strided_slice %slice3A_363 {offsets = [0, 512], sizes = [64, 64], strides = [1, 1]} : vector<64x4096xbf16> to vector<64x64xbf16>
    %slice3A_373 = vector.extract_strided_slice %slice3A_363 {offsets = [0, 576], sizes = [64, 64], strides = [1, 1]} : vector<64x4096xbf16> to vector<64x64xbf16>
    %slice3A_374 = vector.extract_strided_slice %slice3A_363 {offsets = [0, 640], sizes = [64, 64], strides = [1, 1]} : vector<64x4096xbf16> to vector<64x64xbf16>
    %slice3A_375 = vector.extract_strided_slice %slice3A_363 {offsets = [0, 704], sizes = [64, 64], strides = [1, 1]} : vector<64x4096xbf16> to vector<64x64xbf16>
    %slice3A_376 = vector.extract_strided_slice %slice3A_363 {offsets = [0, 768], sizes = [64, 64], strides = [1, 1]} : vector<64x4096xbf16> to vector<64x64xbf16>
    %slice3A_377 = vector.extract_strided_slice %slice3A_363 {offsets = [0, 832], sizes = [64, 64], strides = [1, 1]} : vector<64x4096xbf16> to vector<64x64xbf16>
    %slice3A_378 = vector.extract_strided_slice %slice3A_363 {offsets = [0, 896], sizes = [64, 64], strides = [1, 1]} : vector<64x4096xbf16> to vector<64x64xbf16>
    %slice3A_379 = vector.extract_strided_slice %slice3A_363 {offsets = [0, 960], sizes = [64, 64], strides = [1, 1]} : vector<64x4096xbf16> to vector<64x64xbf16>
    %slice3A_380 = vector.extract_strided_slice %slice3A_363 {offsets = [0, 1024], sizes = [64, 64], strides = [1, 1]} : vector<64x4096xbf16> to vector<64x64xbf16>
    %slice3A_381 = vector.extract_strided_slice %slice3A_363 {offsets = [0, 1088], sizes = [64, 64], strides = [1, 1]} : vector<64x4096xbf16> to vector<64x64xbf16>
    %slice3A_382 = vector.extract_strided_slice %slice3A_363 {offsets = [0, 1152], sizes = [64, 64], strides = [1, 1]} : vector<64x4096xbf16> to vector<64x64xbf16>
    %slice3A_383 = vector.extract_strided_slice %slice3A_363 {offsets = [0, 1216], sizes = [64, 64], strides = [1, 1]} : vector<64x4096xbf16> to vector<64x64xbf16>
    %slice3A_384 = vector.extract_strided_slice %slice3A_363 {offsets = [0, 1280], sizes = [64, 64], strides = [1, 1]} : vector<64x4096xbf16> to vector<64x64xbf16>
    %slice3A_385 = vector.extract_strided_slice %slice3A_363 {offsets = [0, 1344], sizes = [64, 64], strides = [1, 1]} : vector<64x4096xbf16> to vector<64x64xbf16>
    %slice3A_386 = vector.extract_strided_slice %slice3A_363 {offsets = [0, 1408], sizes = [64, 64], strides = [1, 1]} : vector<64x4096xbf16> to vector<64x64xbf16>
    %slice3A_387 = vector.extract_strided_slice %slice3A_363 {offsets = [0, 1472], sizes = [64, 64], strides = [1, 1]} : vector<64x4096xbf16> to vector<64x64xbf16>
    %slice3A_388 = vector.extract_strided_slice %slice3A_363 {offsets = [0, 1536], sizes = [64, 64], strides = [1, 1]} : vector<64x4096xbf16> to vector<64x64xbf16>
    %slice3A_389 = vector.extract_strided_slice %slice3A_363 {offsets = [0, 1600], sizes = [64, 64], strides = [1, 1]} : vector<64x4096xbf16> to vector<64x64xbf16>
    %slice3A_390 = vector.extract_strided_slice %slice3A_363 {offsets = [0, 1664], sizes = [64, 64], strides = [1, 1]} : vector<64x4096xbf16> to vector<64x64xbf16>
    %slice3A_391 = vector.extract_strided_slice %slice3A_363 {offsets = [0, 1728], sizes = [64, 64], strides = [1, 1]} : vector<64x4096xbf16> to vector<64x64xbf16>
    %slice3A_392 = vector.extract_strided_slice %slice3A_363 {offsets = [0, 1792], sizes = [64, 64], strides = [1, 1]} : vector<64x4096xbf16> to vector<64x64xbf16>
    %slice3A_393 = vector.extract_strided_slice %slice3A_363 {offsets = [0, 1856], sizes = [64, 64], strides = [1, 1]} : vector<64x4096xbf16> to vector<64x64xbf16>
    %slice3A_394 = vector.extract_strided_slice %slice3A_363 {offsets = [0, 1920], sizes = [64, 64], strides = [1, 1]} : vector<64x4096xbf16> to vector<64x64xbf16>
    %slice3A_395 = vector.extract_strided_slice %slice3A_363 {offsets = [0, 1984], sizes = [64, 64], strides = [1, 1]} : vector<64x4096xbf16> to vector<64x64xbf16>
    %slice3A_396 = vector.extract_strided_slice %slice3A_363 {offsets = [0, 2048], sizes = [64, 64], strides = [1, 1]} : vector<64x4096xbf16> to vector<64x64xbf16>
    %slice3A_397 = vector.extract_strided_slice %slice3A_363 {offsets = [0, 2112], sizes = [64, 64], strides = [1, 1]} : vector<64x4096xbf16> to vector<64x64xbf16>
    %slice3A_398 = vector.extract_strided_slice %slice3A_363 {offsets = [0, 2176], sizes = [64, 64], strides = [1, 1]} : vector<64x4096xbf16> to vector<64x64xbf16>
    %slice3A_399 = vector.extract_strided_slice %slice3A_363 {offsets = [0, 2240], sizes = [64, 64], strides = [1, 1]} : vector<64x4096xbf16> to vector<64x64xbf16>
    %slice3A_400 = vector.extract_strided_slice %slice3A_363 {offsets = [0, 2304], sizes = [64, 64], strides = [1, 1]} : vector<64x4096xbf16> to vector<64x64xbf16>
    %slice3A_401 = vector.extract_strided_slice %slice3A_363 {offsets = [0, 2368], sizes = [64, 64], strides = [1, 1]} : vector<64x4096xbf16> to vector<64x64xbf16>
    %slice3A_402 = vector.extract_strided_slice %slice3A_363 {offsets = [0, 2432], sizes = [64, 64], strides = [1, 1]} : vector<64x4096xbf16> to vector<64x64xbf16>
    %slice3A_403 = vector.extract_strided_slice %slice3A_363 {offsets = [0, 2496], sizes = [64, 64], strides = [1, 1]} : vector<64x4096xbf16> to vector<64x64xbf16>
    %slice3A_404 = vector.extract_strided_slice %slice3A_363 {offsets = [0, 2560], sizes = [64, 64], strides = [1, 1]} : vector<64x4096xbf16> to vector<64x64xbf16>
    %slice3A_405 = vector.extract_strided_slice %slice3A_363 {offsets = [0, 2624], sizes = [64, 64], strides = [1, 1]} : vector<64x4096xbf16> to vector<64x64xbf16>
    %slice3A_406 = vector.extract_strided_slice %slice3A_363 {offsets = [0, 2688], sizes = [64, 64], strides = [1, 1]} : vector<64x4096xbf16> to vector<64x64xbf16>
    %slice3A_407 = vector.extract_strided_slice %slice3A_363 {offsets = [0, 2752], sizes = [64, 64], strides = [1, 1]} : vector<64x4096xbf16> to vector<64x64xbf16>
    %slice3A_408 = vector.extract_strided_slice %slice3A_363 {offsets = [0, 2816], sizes = [64, 64], strides = [1, 1]} : vector<64x4096xbf16> to vector<64x64xbf16>
    %slice3A_409 = vector.extract_strided_slice %slice3A_363 {offsets = [0, 2880], sizes = [64, 64], strides = [1, 1]} : vector<64x4096xbf16> to vector<64x64xbf16>
    %slice3A_410 = vector.extract_strided_slice %slice3A_363 {offsets = [0, 2944], sizes = [64, 64], strides = [1, 1]} : vector<64x4096xbf16> to vector<64x64xbf16>
    %slice3A_411 = vector.extract_strided_slice %slice3A_363 {offsets = [0, 3008], sizes = [64, 64], strides = [1, 1]} : vector<64x4096xbf16> to vector<64x64xbf16>
    %slice3A_412 = vector.extract_strided_slice %slice3A_363 {offsets = [0, 3072], sizes = [64, 64], strides = [1, 1]} : vector<64x4096xbf16> to vector<64x64xbf16>
    %slice3A_413 = vector.extract_strided_slice %slice3A_363 {offsets = [0, 3136], sizes = [64, 64], strides = [1, 1]} : vector<64x4096xbf16> to vector<64x64xbf16>
    %slice3A_414 = vector.extract_strided_slice %slice3A_363 {offsets = [0, 3200], sizes = [64, 64], strides = [1, 1]} : vector<64x4096xbf16> to vector<64x64xbf16>
    %slice3A_415 = vector.extract_strided_slice %slice3A_363 {offsets = [0, 3264], sizes = [64, 64], strides = [1, 1]} : vector<64x4096xbf16> to vector<64x64xbf16>
    %slice3A_416 = vector.extract_strided_slice %slice3A_363 {offsets = [0, 3328], sizes = [64, 64], strides = [1, 1]} : vector<64x4096xbf16> to vector<64x64xbf16>
    %slice3A_417 = vector.extract_strided_slice %slice3A_363 {offsets = [0, 3392], sizes = [64, 64], strides = [1, 1]} : vector<64x4096xbf16> to vector<64x64xbf16>
    %slice3A_418 = vector.extract_strided_slice %slice3A_363 {offsets = [0, 3456], sizes = [64, 64], strides = [1, 1]} : vector<64x4096xbf16> to vector<64x64xbf16>
    %slice3A_419 = vector.extract_strided_slice %slice3A_363 {offsets = [0, 3520], sizes = [64, 64], strides = [1, 1]} : vector<64x4096xbf16> to vector<64x64xbf16>
    %slice3A_420 = vector.extract_strided_slice %slice3A_363 {offsets = [0, 3584], sizes = [64, 64], strides = [1, 1]} : vector<64x4096xbf16> to vector<64x64xbf16>
    %slice3A_421 = vector.extract_strided_slice %slice3A_363 {offsets = [0, 3648], sizes = [64, 64], strides = [1, 1]} : vector<64x4096xbf16> to vector<64x64xbf16>
    %slice3A_422 = vector.extract_strided_slice %slice3A_363 {offsets = [0, 3712], sizes = [64, 64], strides = [1, 1]} : vector<64x4096xbf16> to vector<64x64xbf16>
    %slice3A_423 = vector.extract_strided_slice %slice3A_363 {offsets = [0, 3776], sizes = [64, 64], strides = [1, 1]} : vector<64x4096xbf16> to vector<64x64xbf16>
    %slice3A_424 = vector.extract_strided_slice %slice3A_363 {offsets = [0, 3840], sizes = [64, 64], strides = [1, 1]} : vector<64x4096xbf16> to vector<64x64xbf16>
    %slice3A_425 = vector.extract_strided_slice %slice3A_363 {offsets = [0, 3904], sizes = [64, 64], strides = [1, 1]} : vector<64x4096xbf16> to vector<64x64xbf16>
    %slice3A_426 = vector.extract_strided_slice %slice3A_363 {offsets = [0, 3968], sizes = [64, 64], strides = [1, 1]} : vector<64x4096xbf16> to vector<64x64xbf16>
    %slice3A_427 = vector.extract_strided_slice %slice3A_363 {offsets = [0, 4032], sizes = [64, 64], strides = [1, 1]} : vector<64x4096xbf16> to vector<64x64xbf16>
    %concatenate3A_428 = tpu.concatenate %slice3A_364, %slice3A_365, %slice3A_366, %slice3A_367, %slice3A_368, %slice3A_369, %slice3A_370, %slice3A_371, %slice3A_372, %slice3A_373, %slice3A_374, %slice3A_375, %slice3A_376, %slice3A_377, %slice3A_378, %slice3A_379, %slice3A_380, %slice3A_381, %slice3A_382, %slice3A_383, %slice3A_384, %slice3A_385, %slice3A_386, %slice3A_387, %slice3A_388, %slice3A_389, %slice3A_390, %slice3A_391, %slice3A_392, %slice3A_393, %slice3A_394, %slice3A_395, %slice3A_396, %slice3A_397, %slice3A_398, %slice3A_399, %slice3A_400, %slice3A_401, %slice3A_402, %slice3A_403, %slice3A_404, %slice3A_405, %slice3A_406, %slice3A_407, %slice3A_408, %slice3A_409, %slice3A_410, %slice3A_411, %slice3A_412, %slice3A_413, %slice3A_414, %slice3A_415, %slice3A_416, %slice3A_417, %slice3A_418, %slice3A_419, %slice3A_420, %slice3A_421, %slice3A_422, %slice3A_423, %slice3A_424, %slice3A_425, %slice3A_426, %slice3A_427 in 0 : vector<64x64xbf16>, vector<64x64xbf16>, vector<64x64xbf16>, vector<64x64xbf16>, vector<64x64xbf16>, vector<64x64xbf16>, vector<64x64xbf16>, vector<64x64xbf16>, vector<64x64xbf16>, vector<64x64xbf16>, vector<64x64xbf16>, vector<64x64xbf16>, vector<64x64xbf16>, vector<64x64xbf16>, vector<64x64xbf16>, vector<64x64xbf16>, vector<64x64xbf16>, vector<64x64xbf16>, vector<64x64xbf16>, vector<64x64xbf16>, vector<64x64xbf16>, vector<64x64xbf16>, vector<64x64xbf16>, vector<64x64xbf16>, vector<64x64xbf16>, vector<64x64xbf16>, vector<64x64xbf16>, vector<64x64xbf16>, vector<64x64xbf16>, vector<64x64xbf16>, vector<64x64xbf16>, vector<64x64xbf16>, vector<64x64xbf16>, vector<64x64xbf16>, vector<64x64xbf16>, vector<64x64xbf16>, vector<64x64xbf16>, vector<64x64xbf16>, vector<64x64xbf16>, vector<64x64xbf16>, vector<64x64xbf16>, vector<64x64xbf16>, vector<64x64xbf16>, vector<64x64xbf16>, vector<64x64xbf16>, vector<64x64xbf16>, vector<64x64xbf16>, vector<64x64xbf16>, vector<64x64xbf16>, vector<64x64xbf16>, vector<64x64xbf16>, vector<64x64xbf16>, vector<64x64xbf16>, vector<64x64xbf16>, vector<64x64xbf16>, vector<64x64xbf16>, vector<64x64xbf16>, vector<64x64xbf16>, vector<64x64xbf16>, vector<64x64xbf16>, vector<64x64xbf16>, vector<64x64xbf16>, vector<64x64xbf16>, vector<64x64xbf16> -> vector<4096x64xbf16>
    %slice3A_429 = vector.extract_strided_slice %add3A_48 {offsets = [192, 0], sizes = [64, 1024], strides = [1, 1]} : vector<256x1024xbf16> to vector<64x1024xbf16>
    %slice3A_430 = vector.extract_strided_slice %concatenate3A_428 {offsets = [0, 0], sizes = [1024, 64], strides = [1, 1]} : vector<4096x64xbf16> to vector<1024x64xbf16>
    %dot_general3A_431 = arith.constant dense<0.000000e+00> : vector<64x64xf32>
    %dot_general3A_432 = tpu.matmul %slice3A_429, %slice3A_430, %dot_general3A_431 {dimension_numbers = #tpu.dot_dimension_numbers<[1], [0], [0], [1], [0, 0, 1, 1], [], []>, transpose_lhs_hint = false} : vector<64x1024xbf16>, vector<1024x64xbf16>, vector<64x64xf32> -> vector<64x64xf32>
    %slice3A_433 = vector.extract_strided_slice %convert_element_type3A_41 {offsets = [192, 1024], sizes = [64, 3072], strides = [1, 1]} : vector<256x4096xbf16> to vector<64x3072xbf16>
    %slice3A_434 = vector.extract_strided_slice %concatenate3A_428 {offsets = [1024, 0], sizes = [3072, 64], strides = [1, 1]} : vector<4096x64xbf16> to vector<3072x64xbf16>
    %dot_general3A_435 = arith.constant dense<0.000000e+00> : vector<64x64xf32>
    %dot_general3A_436 = tpu.matmul %slice3A_433, %slice3A_434, %dot_general3A_435 {dimension_numbers = #tpu.dot_dimension_numbers<[1], [0], [0], [1], [0, 0, 1, 1], [], []>, transpose_lhs_hint = false} : vector<64x3072xbf16>, vector<3072x64xbf16>, vector<64x64xf32> -> vector<64x64xf32>
    %add3A_437 = arith.addf %dot_general3A_432, %dot_general3A_436 : vector<64x64xf32>
    %swap3A_438 = arith.constant 192 : index
    %swap3A_439 = arith.constant 0 : index
    %swap3A_440 = vector.load %arg5[%swap3A_438, %swap3A_439] : memref<256x64xf32, #tpu.memory_space<vmem>>, vector<64x64xf32>
    tpu.vector_store %arg5[%swap3A_438, %swap3A_439], %add3A_437 {strides = array<i32>} : memref<256x64xf32, #tpu.memory_space<vmem>>, vector<64x64xf32>,
    %eq3A_441 = arith.constant 0 : i32
    %eq3A_442 = arith.cmpi eq, %arg0, %eq3A_441 : i32
    %and3A_443 = arith.constant false
    %and3A_444 = arith.andi %eq3A_442, %and3A_443 : i1
    %convert_element_type3A_445 = arith.extui %and3A_444 : i1 to i32
    %cond3A_446 = arith.constant 0 : i32
    %cond3A_447 = arith.cmpi ne, %convert_element_type3A_445, %cond3A_446 : i32
    scf.if %cond3A_447 {
      %broadcast_in_dim3A_469 = arith.constant 0.000000e+00 : f32
      %broadcast_in_dim3A_470 = vector.broadcast %broadcast_in_dim3A_469 : f32 to vector<8x64xf32>
      %swap3A_471 = arith.constant 0 : index
      %swap3A_472 = arith.constant 0 : index
      %swap3A_473 = vector.load %arg6[%swap3A_471, %swap3A_472] : memref<8x64xf32, #tpu.memory_space<vmem>>, vector<8x64xf32>
      tpu.vector_store %arg6[%swap3A_471, %swap3A_472], %broadcast_in_dim3A_470 {strides = array<i32>} : memref<8x64xf32, #tpu.memory_space<vmem>>, vector<8x64xf32>,
    } else {
    }
    %get3A_448 = arith.constant 0 : index
    %get3A_449 = arith.constant 0 : index
    %get3A_450 = vector.load %arg6[%get3A_448, %get3A_449] : memref<8x64xf32, #tpu.memory_space<vmem>>, vector<1x64xf32>
    %reduce_sum3A_451 = arith.constant dense<0.000000e+00> : vector<64xf32>
    %reduce_sum3A_452 = vector.multi_reduction <add>, %add3A_437, %reduce_sum3A_451 [0] : vector<64x64xf32> to vector<64xf32>
    %broadcast_in_dim3A_453 = vector.shape_cast %reduce_sum3A_452 : vector<64xf32> to vector<1x64xf32>
    %add3A_454 = arith.addf %get3A_450, %broadcast_in_dim3A_453 : vector<1x64xf32>
    %swap3A_455 = arith.constant 0 : index
    %swap3A_456 = arith.constant 0 : index
    %swap3A_457 = vector.load %arg6[%swap3A_455, %swap3A_456] : memref<8x64xf32, #tpu.memory_space<vmem>>, vector<1x64xf32>
    tpu.vector_store %arg6[%swap3A_455, %swap3A_456], %add3A_454 {strides = array<i32>} : memref<8x64xf32, #tpu.memory_space<vmem>>, vector<1x64xf32>,
    %get3A_458 = arith.constant 1 : index
    %get3A_459 = arith.constant 0 : index
    %get3A_460 = vector.load %arg6[%get3A_458, %get3A_459] : memref<8x64xf32, #tpu.memory_space<vmem>>, vector<1x64xf32>
    %mul3A_461 = arith.mulf %add3A_437, %add3A_437 : vector<64x64xf32>
    %reduce_sum3A_462 = arith.constant dense<0.000000e+00> : vector<64xf32>
    %reduce_sum3A_463 = vector.multi_reduction <add>, %mul3A_461, %reduce_sum3A_462 [0] : vector<64x64xf32> to vector<64xf32>
    %broadcast_in_dim3A_464 = vector.shape_cast %reduce_sum3A_463 : vector<64xf32> to vector<1x64xf32>
    %add3A_465 = arith.addf %get3A_460, %broadcast_in_dim3A_464 : vector<1x64xf32>
    %swap3A_466 = arith.constant 1 : index
    %swap3A_467 = arith.constant 0 : index
    %swap3A_468 = vector.load %arg6[%swap3A_466, %swap3A_467] : memref<8x64xf32, #tpu.memory_space<vmem>>, vector<1x64xf32>
    tpu.vector_store %arg6[%swap3A_466, %swap3A_467], %add3A_465 {strides = array<i32>} : memref<8x64xf32, #tpu.memory_space<vmem>>, vector<1x64xf32>,
    return
  }
  func.func @transform_0(%arg0: i32) -> (i32, i32) {
    %c0_i32 = arith.constant 0 : i32
    %c0_i32_0 = arith.constant 0 : i32
    return %arg0, %c0_i32 : i32, i32
  }
  func.func @transform_1(%arg0: i32) -> (i32, i32) {
    %c0_i32 = arith.constant 0 : i32
    %c0_i32_0 = arith.constant 0 : i32
    return %arg0, %c0_i32 : i32, i32
  }
  func.func @transform_2(%arg0: i32) -> (i32, i32) {
    %c0_i32 = arith.constant 0 : i32
    %c0_i32_0 = arith.constant 0 : i32
    %c0_i32_1 = arith.constant 0 : i32
    return %c0_i32, %c0_i32_0 : i32, i32
  }
  func.func @transform_3(%arg0: i32) -> (i32, i32) {
    %c0_i32 = arith.constant 0 : i32
    %c0_i32_0 = arith.constant 0 : i32
    %c0_i32_1 = arith.constant 0 : i32
    return %c0_i32, %c0_i32_0 : i32, i32
  }
  func.func @transform_4(%arg0: i32) -> (i32, i32) {
    %c0_i32 = arith.constant 0 : i32
    %c0_i32_0 = arith.constant 0 : i32
    return %arg0, %c0_i32 : i32, i32
  }
  func.func @transform_5(%arg0: i32) -> (i32, i32) {
    %c0_i32 = arith.constant 0 : i32
    %c0_i32_0 = arith.constant 0 : i32
    %c0_i32_1 = arith.constant 0 : i32
    return %c0_i32, %c0_i32_0 : i32, i32
  }
}

module attributes {stable_mosaic.version = 14 : i64} {
  func.func @_norm_kernel(%arg0: i32, %arg1: memref<2048x64xf32, #tpu.memory_space<vmem>>, %arg2: memref<8x64xf32, #tpu.memory_space<vmem>>, %arg3: memref<8x64xf32, #tpu.memory_space<vmem>>, %arg4: memref<8x64xf32, #tpu.memory_space<vmem>>, %arg5: memref<2048x64xf32, #tpu.memory_space<vmem>>) attributes {dimension_semantics = [#tpu.dimension_semantics<arbitrary>], iteration_bounds = array<i64: 8>, scalar_prefetch = 0 : i64, scratch_operands = 0 : i64, tpu.core_type = #tpu.core_type<tc>, window_params = [{transform_indices = @transform_0, window_bounds = array<i64: 2048, 64>}, {pipeline_mode = #tpu.pipeline_mode<synchronous>, transform_indices = @transform_1, window_bounds = array<i64: 8, 64>}, {pipeline_mode = #tpu.pipeline_mode<synchronous>, transform_indices = @transform_2, window_bounds = array<i64: 8, 64>}, {pipeline_mode = #tpu.pipeline_mode<synchronous>, transform_indices = @transform_3, window_bounds = array<i64: 8, 64>}, {transform_indices = @transform_4, window_bounds = array<i64: 2048, 64>}]} {
    %get3A = arith.constant 0 : index
    %get3A_0 = arith.constant 0 : index
    %get3A_1 = vector.load %arg2[%get3A, %get3A_0] : memref<8x64xf32, #tpu.memory_space<vmem>>, vector<1x64xf32>
    %get3A_2 = arith.constant 1 : index
    %get3A_3 = arith.constant 0 : index
    %get3A_4 = vector.load %arg2[%get3A_2, %get3A_3] : memref<8x64xf32, #tpu.memory_space<vmem>>, vector<1x64xf32>
    %mul3A = arith.constant 6.10351563E-5 : f32
    %mul3A_5 = vector.broadcast %mul3A : f32 to vector<1x64xf32>
    %mul3A_6 = arith.mulf %get3A_1, %mul3A_5 : vector<1x64xf32>
    %mul3A_7 = arith.constant 6.10351563E-5 : f32
    %mul3A_8 = vector.broadcast %mul3A_7 : f32 to vector<1x64xf32>
    %mul3A_9 = arith.mulf %get3A_4, %mul3A_8 : vector<1x64xf32>
    %mul3A_10 = arith.mulf %mul3A_6, %mul3A_6 : vector<1x64xf32>
    %sub3A = arith.subf %mul3A_9, %mul3A_10 : vector<1x64xf32>
    %add3A = arith.constant 9.99999974E-6 : f32
    %add3A_11 = vector.broadcast %add3A : f32 to vector<1x64xf32>
    %add3A_12 = arith.addf %sub3A, %add3A_11 : vector<1x64xf32>
    %sqrt3A = math.sqrt %add3A_12 : vector<1x64xf32>
    %div3A = arith.constant 1.000000e+00 : f32
    %div3A_13 = vector.broadcast %div3A : f32 to vector<1x64xf32>
    %div3A_14 = arith.divf %div3A_13, %sqrt3A : vector<1x64xf32>
    %get3A_15 = arith.constant 0 : index
    %get3A_16 = arith.constant 0 : index
    %get3A_17 = vector.load %arg1[%get3A_15, %get3A_16] : memref<2048x64xf32, #tpu.memory_space<vmem>>, vector<2048x64xf32>
    %sub3A_18 = vector.broadcast %mul3A_6 : vector<1x64xf32> to vector<2048x64xf32>
    %sub3A_19 = arith.subf %get3A_17, %sub3A_18 : vector<2048x64xf32>
    %get3A_20 = arith.constant 0 : index
    %get3A_21 = arith.constant 0 : index
    %get3A_22 = vector.load %arg3[%get3A_20, %get3A_21] : memref<8x64xf32, #tpu.memory_space<vmem>>, vector<1x64xf32>
    %mul3A_23 = arith.mulf %div3A_14, %get3A_22 : vector<1x64xf32>
    %mul3A_24 = vector.broadcast %mul3A_23 : vector<1x64xf32> to vector<2048x64xf32>
    %mul3A_25 = arith.mulf %sub3A_19, %mul3A_24 : vector<2048x64xf32>
    %get3A_26 = arith.constant 0 : index
    %get3A_27 = arith.constant 0 : index
    %get3A_28 = vector.load %arg4[%get3A_26, %get3A_27] : memref<8x64xf32, #tpu.memory_space<vmem>>, vector<1x64xf32>
    %add3A_29 = vector.broadcast %get3A_28 : vector<1x64xf32> to vector<2048x64xf32>
    %add3A_30 = arith.addf %mul3A_25, %add3A_29 : vector<2048x64xf32>
    %max3A = arith.constant 0.000000e+00 : f32
    %max3A_31 = vector.broadcast %max3A : f32 to vector<2048x64xf32>
    %max3A_32 = arith.maximumf %add3A_30, %max3A_31 : vector<2048x64xf32>
    %swap3A = arith.constant 0 : index
    %swap3A_33 = arith.constant 0 : index
    %swap3A_34 = vector.load %arg5[%swap3A, %swap3A_33] : memref<2048x64xf32, #tpu.memory_space<vmem>>, vector<2048x64xf32>
    tpu.vector_store %arg5[%swap3A, %swap3A_33], %max3A_32 {strides = array<i32>} : memref<2048x64xf32, #tpu.memory_space<vmem>>, vector<2048x64xf32>,
    return
  }
  func.func @transform_0(%arg0: i32) -> (i32, i32) {
    %c0_i32 = arith.constant 0 : i32
    %c0_i32_0 = arith.constant 0 : i32
    return %arg0, %c0_i32 : i32, i32
  }
  func.func @transform_1(%arg0: i32) -> (i32, i32) {
    %c0_i32 = arith.constant 0 : i32
    %c0_i32_0 = arith.constant 0 : i32
    %c0_i32_1 = arith.constant 0 : i32
    return %c0_i32, %c0_i32_0 : i32, i32
  }
  func.func @transform_2(%arg0: i32) -> (i32, i32) {
    %c0_i32 = arith.constant 0 : i32
    %c0_i32_0 = arith.constant 0 : i32
    %c0_i32_1 = arith.constant 0 : i32
    return %c0_i32, %c0_i32_0 : i32, i32
  }
  func.func @transform_3(%arg0: i32) -> (i32, i32) {
    %c0_i32 = arith.constant 0 : i32
    %c0_i32_0 = arith.constant 0 : i32
    %c0_i32_1 = arith.constant 0 : i32
    return %c0_i32, %c0_i32_0 : i32, i32
  }
  func.func @transform_4(%arg0: i32) -> (i32, i32) {
    %c0_i32 = arith.constant 0 : i32
    %c0_i32_0 = arith.constant 0 : i32
    return %arg0, %c0_i32 : i32, i32
  }
}

</mosaic_0001>

<sc_bundles>
// kernel: kernel.5.cloned.1.call-start
scs
__scs_entry_jumppad:
0x0: {  	(pc) =	sbr.rel $0x88, $3  }
0x1: {  	(tag) =	ssettag $0x0;
	lr =	simm.s32 $0x1  }
0x2: {  	[smem:$0x3F9C] =	sst lr;
	_ =	strace $0xD0000000  }
0x3: {  	_ = 	snop  }
0x4: {  	_ = 	snop  }
0x5: {  	_ = 	snop  }
0x6: {  	_ = 	snop  }
0x7: {  	_ = 	snop  }
__scs_overlays_trampoline_lowered:
0x8: {  	[smem:$0x3FAB] =	sst s0  }
0x9: {  	[smem:$0x3FAC] =	sst s1  }
0xa: {  	[smem:$0x3FAD] =	sst s2  }
0xb: {  	[smem:$0x3FAE] =	sst s3  }
0xc: {  	[smem:$0x3FAF] =	sst s4  }
0xd: {  	[smem:$0x3FB0] =	sst s5  }
0xe: {  	[smem:$0x3FB1] =	sst s6  }
0xf: {  	[smem:$0x3FB2] =	sst s7  }
0x10: {  	[smem:$0x3FB3] =	sst s8  }
0x11: {  	[smem:$0x3FB4] =	sst s9;
	s0 =	simm.s32 @!p0 $0x0  }
0x12: {  	s1 =	sld [smem:$0x3F9A];
	s0 =	simm.s32 @p0 $0x1  }
0x13: {  	[smem:$0x3FB5] =	sst s0;
	s0 =	simm.s32 @!p1 $0x0  }
0x14: {  	s2 =	sld [smem:$0x3F99];
	s0 =	simm.s32 @p1 $0x1  }
0x15: {  	[smem:$0x3FB6] =	sst s0;
	s0 =	simm.s32 @!p2 $0x0  }
0x16: {  	s3 =	sld [smem:$0x3FDB];
	s0 =	simm.s32 @p2 $0x1  }
0x17: {  	s4 =	simm.s32 $0x1BF5;
	[smem:$0x3FB8] =	sst s0  }
0x18: {  	s0 =	sld [smem:$0x3F9B];
	_ =	swait.ge [sflag:s4], $0x0  }
0x19: {  	s7 =	sld [smem:$0x3F9C]  }
0x1a: {  	s8 =	sadd.s32 $0xFFFFE003, lr  }
0x1b: {  	s9 =	sadd.s32 $0xFFFFFEF7, lr;
	s5 =	simm.s32 $0xFFFFFFFF;
	p2 =	slt.u32 s8, $0xFFFFF086  }
0x1c: {  	p1 =	slt.u32 s9, $0xF7A;
	s5 =	simm.s32 @!p2 $0x0  }
0x1d: {  	s5 =	simm.s32 @p1 $0x1;
	p0 =	seq.s32 s7, s2  }
0x1e: {  	s7 =	smul.u32 @!p0 $0xF7A, s2;
	p2 =	seq.s32 @!p0 s5, $0x0  }
0x1f: {  	s9 =	smul.u32 $0xF7A, s1;
	s8 =	simm.s32 @!p0 $0x1BF5;
	p2 =	por !p2, p0  }
0x20: {  	[sflag:s8] =	ssyncset.s32 @!p0 $0xFFFFF086;
	s6 =	sadd.s32 @!p0 s3, s7;
	s7 =	simm.s32 @!p0 $0x108  }
0x21: {  	s3 =	sadd.s32 s3, s9;
	s6 =	sadd.s32 @!p0 $0x88, s6;
	s7 =	simm.s32 @p2 $0x1082  }
0x22: {  	[simem:s7], [sflag:s8] =	dma.local @!p0 [hbm:s6], $0xF7A  }
0x23: {  	s9 =	sor.u32 $0xD0000000, s2;
	s6 =	simm.s32 $0x108;
	_ =	swait.ge @!p0 [sflag:s8], $0x0  }
0x24: {  	s3 =	sadd.s32 $0x88, s3;
	s6 =	simm.s32 @!p1 $0x1082;
	[sflag:s4] =	ssyncset.s32 $0xFFFFF086  }
0x25: {  	[simem:s6], [sflag:s4] =	dma.local [hbm:s3], $0xF7A  }
0x26: {  	[smem:$0x3F9C] =	sst s1;
	(tag) =	ssettag s2;
	_ =	strace s9  }
0x27: {  	s1 =	sld [smem:$0x3FAC]  }
0x28: {  	s2 =	sld [smem:$0x3FAD]  }
0x29: {  	s4 =	sld [smem:$0x3FAF]  }
0x2a: {  	p0 =	seq.s32 s5, $0x0;
	s5 =	sld [smem:$0x3FB0]  }
0x2b: {  	s6 =	sld [smem:$0x3FB1]  }
0x2c: {  	s7 =	sld [smem:$0x3FB2]  }
0x2d: {  	s3 =	simm.s32 $0x108;
	s8 =	sld [smem:$0x3FB3]  }
0x2e: {  	s3 =	simm.s32 @!p0 $0x1082;
	s9 =	sld [smem:$0x3FB4]  }
0x2f: {  	lr =	sadd.s32 s0, s3;
	s0 =	sld [smem:$0x3FAB]  }
0x30: {  	s3 =	sld [smem:$0x3FAE]  }
0x31: {  	[smem:$0x3FB7] =	sst s10  }
0x32: {  	s10 =	sld [smem:$0x3FB5];
	_ =	sdelay $0x3  }
0x33: {  	p0 =	seq.s32 s10, $0x1;
	s10 =	sld [smem:$0x3FB7];
	_ =	sdelay $0x3  }
0x34: {  	[smem:$0x3FB7] =	sst s10  }
0x35: {  	s10 =	sld [smem:$0x3FB6];
	_ =	sdelay $0x3  }
0x36: {  	p1 =	seq.s32 s10, $0x1;
	s10 =	sld [smem:$0x3FB7];
	_ =	sdelay $0x3  }
0x37: {  	[smem:$0x3FB7] =	sst s10  }
0x38: {  	s10 =	sld [smem:$0x3FB8]  }
0x39: {  	_ = 	snop;
	(pc) =	sbr.ind lr, $3  }
0x3a: {  	_ = 	snop  }
0x3b: {  	_ = 	snop  }
0x3c: {  	p2 =	seq.s32 s10, $0x1;
	s10 =	sld [smem:$0x3FB7]  }
0x3d: {  	_ =	shalt  }
0x3e: {  	_ =	shalt  }
0x3f: {  	_ =	shalt  }
0x40: {  	_ =	shalt  }
0x41: {  	_ =	shalt  }
0x42: {  	_ =	shalt  }
0x43: {  	_ =	shalt  }
0x44: {  	_ =	shalt  }
0x45: {  	_ =	shalt  }
0x46: {  	_ =	shalt  }
0x47: {  	_ =	shalt  }
0x48: {  	_ =	shalt  }
0x49: {  	_ =	shalt  }
0x4a: {  	_ =	shalt  }
0x4b: {  	_ =	shalt  }
0x4c: {  	_ =	shalt  }
0x4d: {  	_ =	shalt  }
0x4e: {  	_ =	shalt  }
0x4f: {  	_ =	shalt  }
0x50: {  	_ =	shalt  }
0x51: {  	_ =	shalt  }
0x52: {  	_ =	shalt  }
0x53: {  	_ =	shalt  }
0x54: {  	_ =	shalt  }
0x55: {  	_ =	shalt  }
0x56: {  	_ =	shalt  }
0x57: {  	_ =	shalt  }
0x58: {  	_ =	shalt  }
0x59: {  	_ =	shalt  }
0x5a: {  	_ =	shalt  }
0x5b: {  	_ =	shalt  }
0x5c: {  	_ =	shalt  }
0x5d: {  	_ =	shalt  }
0x5e: {  	_ =	shalt  }
0x5f: {  	_ =	shalt  }
0x60: {  	_ =	shalt  }
0x61: {  	_ =	shalt  }
0x62: {  	_ =	shalt  }
0x63: {  	_ =	shalt  }
0x64: {  	_ =	shalt  }
0x65: {  	_ =	shalt  }
0x66: {  	_ =	shalt  }
0x67: {  	_ =	shalt  }
0x68: {  	_ =	shalt  }
0x69: {  	_ =	shalt  }
0x6a: {  	_ =	shalt  }
0x6b: {  	_ =	shalt  }
0x6c: {  	_ =	shalt  }
0x6d: {  	_ =	shalt  }
0x6e: {  	_ =	shalt  }
0x6f: {  	_ =	shalt  }
0x70: {  	_ =	shalt  }
0x71: {  	_ =	shalt  }
0x72: {  	_ =	shalt  }
0x73: {  	_ =	shalt  }
0x74: {  	_ =	shalt  }
0x75: {  	_ =	shalt  }
0x76: {  	_ =	shalt  }
0x77: {  	_ =	shalt  }
0x78: {  	_ =	shalt  }
0x79: {  	_ =	shalt  }
0x7a: {  	_ =	shalt  }
0x7b: {  	_ =	shalt  }
0x7c: {  	_ =	shalt  }
0x7d: {  	_ =	shalt  }
0x7e: {  	_ =	shalt  }
0x7f: {  	_ =	shalt  }
0x80: {  	_ =	shalt  }
0x81: {  	_ =	shalt  }
0x82: {  	_ =	shalt  }
0x83: {  	_ =	shalt  }
0x84: {  	_ =	shalt  }
0x85: {  	_ =	shalt  }
0x86: {  	_ =	shalt  }
0x87: {  	_ =	shalt  }
.Lfunc_end0:
.L_simem_size_0:
called_computation_lowered:
.L_overlay_start_0:
0x88: {  	s2 =	sld [smem:$0x3FD9]  }
0x89: {  	s3 =	sld [smem:$0x3FFE];
	_ =	sdelay $0x1  }
0x8a: {  	s1 =	srdreg.scid  }
0x8b: {  	s0 =	sand.u32 $0x1, s1  }
0x8c: {  	s17 =	sshll.u32 s0, $0xA;
	s2 =	sadd.s32 s3, s2  }
0x8d: {  	s2 =	sadd.s32 s2, s17  }
0x8e: {  	[smem:$0x3FC3] =	sst s2  }
0x8f: {  	_ = 	snop  }
0x90: {  	s2 =	sld [smem:$0x3FD0];
	(tm) =	ssettm $0x1  }
0x91: {  	s18 =	sld [smem:$0x3FFB];
	_ =	sdelay $0x3  }
0x92: {  	_ =	strace s18  }
0x93: {  	s3 =	sld [smem:$0x3FFC];
	_ =	sdelay $0x3  }
0x94: {  	_ =	strace s3  }
0x95: {  	s3 =	sld [smem:$0x3FFD];
	_ =	sdelay $0x3  }
0x96: {  	_ =	strace s3  }
0x97: {  	_ =	strace $0x8FFFFFFF  }
0x98: {  	s19 =	sld [smem:$0x3FDB];
	_ =	sdelay $0x1  }
0x99: {  	s4 =	simm.s32 $_scs_section_size  }
0x9a: {  	s5 =	simm.s32 $_size__tile_overlayer_lowered;
	s6 =	simm.s32 $_tile_overlayer_lowered  }
0x9b: {  	s22 =	simm.s32 $0x1BFF;
	s21 =	sshll.u32 s6, $0x1;
	s3 =	sadd.s32 s4, s19  }
0x9c: {  	s7 =	simm.s32 $0x0;
	s20 =	sshll.u32 s5, $0x1;
	s5 =	sadd.s32 s21, s3  }
0x9d: {  	[timem:s7], [sflag:s22] =	dma.local [hbm:s5], s20  }
0x9e: {  	_ =	swait.ge [sflag:s22], s20  }
0x9f: {  	s4 =	ssub.s32 $0x0, s20;
	[sflag:s22] =	ssyncset.done $0x0  }
0xa0: {  	[sflag:s22] =	ssyncadd.s32 s4;
	_ =	sdelay $0x1  }
0xa1: {  	s23 =	simm.s32 $0x1B8B  }
0xa2: {  	_ =	swait.ge [sflag:s23], $0x1  }
0xa3: {  	[sflag:s23] =	ssyncset.done $0x0  }
0xa4: {  	s25 =	simm.s32 $0x1B8E;
	s24 =	sld [smem:$0x3FFE];
	[sflag:s23] =	ssyncadd.s32 $0xFFFFFFFF  }
0xa5: {  	s26 =	simm.s32 $execute0_lowered;
	[smem:$0x3FD2] =	sst s25  }
0xa6: {  	s5 =	sshll.u32 s26, $0x1;
	_ =	strace $0x80000046;
	[dreg:$0x1] =	wrdreg $0xFFFFFFFF  }
0xa7: {  	s28 =	simm.s32 $_size_execute0_lowered;
	s3 =	sadd.s32 s3, s5;
	[dreg:$0x0] =	wrdreg $0x0  }
0xa8: {  	s5 =	sshll.u32 s28, $0x1;
	[dreg:$0x2] =	wrdreg s3  }
0xa9: {  	[dreg:$0x3] =	wrdreg s5  }
0xaa: {  	[dreg:$0x4] =	wrdreg $0xC0  }
0xab: {  	_ =	task [dreg:s7], $0x5FFFF  }
0xac: {  	[dreg:$0x1] =	wrdreg $0xFFFFFFFF  }
0xad: {  	[dreg:$0x0] =	wrdreg $0x60  }
0xae: {  	[dreg:$0x2] =	wrdreg s2  }
0xaf: {  	[dreg:$0x3] =	wrdreg s24  }
0xb0: {  	[dreg:$0x4] =	wrdreg $0x9  }
0xb1: {  	_ =	task.clear_ibuf [dreg:s7], $0x5FFFF;
	_ =	strace $0x90000046  }
0xb2: {  	s29 =	simm.s32 $0x9;
	_ =	strace $0x80000055  }
0xb3: {  	_ =	swait.ge [sflag:s29], $0x1  }
0xb4: {  	[sflag:s29] =	ssyncadd.s32 $0xFFFFFFFF  }
0xb5: {  	_ =	strace $0x90000055  }
0xb6: {  	_ =	sfence  }
0xb7: {  	s30 =	sld [smem:$0x0];
	_ =	sdelay $0x2  }
0xb8: {  	s31 =	sshll.u32 s1, $0xD;
	s1 =	sshrl.u32 s1, $0x2  }
0xb9: {  	s3 =	sand.u32 $0x4000, s31;
	s1 =	sadd.s32 s1, s30  }
0xba: {  	s0 =	sor.u32 s3, s0;
	s1 =	sshll.u32 s1, $0x11  }
0xbb: {  	s0 =	sor.u32 s1, s0  }
0xbc: {  	s0 =	sadd.s32 $0x8F2B, s0  }
0xbd: {  	[sflag:s0] =	ssyncadd.remote.s32 $0x1  }
0xbe: {  	_ =	sfence.sel $0xFFFF  }
0xbf: {  	[dreg:$0x0] =	wrdreg $0xFFFFFFFF;
	(pc) =	sbr.abs _section_cstart, $3  }
0xc0: {  	[dreg:$0x1] =	wrdreg $0xFFFFFFFF  }
0xc1: {  	_ =	task.clear_ibuf [dreg:s7], $0x2FFFF;
	_ =	strace $0x9FFFFFFF  }
0xc2: {  	(tm) =	ssettm $0x7FFFFFFF  }
0xc3: {  	_ =	shalt  }
tec
execute0_lowered:
.L_overlay_start_1:
0x0: {  	(tag) =	ssettag $0x1  }
0x1: {  	s4 =	rddreg [dreg:$0x0];
	s1 =	simm.s32 $0x0  }
0x2: {  	[smem:$0x7FF] =	sst s1  }
0x3: {  	s0 =	rddreg [dreg:$0x1];
	v0 =	vimm.f32 $2.000000000e+00;
	s26 =	srdreg.scid;
	_ =	strace $0x80000047  }
0x4: {  	s7 =	stileid.u32;
	s9 =	sadd.s32 $0x800, s0;
	s1 =	sand.u32 $0x1, s26;
	(erf) = vrcp.f32 v0  }
0x5: {  	s10 =	sadd.s32 $0x1800, s0;
	s2 =	ssub.s32 $0x2, s1;
	s1 =	sshll.u32 s1, $0x4  }
0x6: {  	s11 =	sadd.s32 $0x41800, s0;
	s0 =	sadd.s32 $0x81800, s0;
	s1 =	sor.u32 s7, s1  }
0x7: {  	[dreg:$0x3] =	wrdreg s0;
	s3 =	sshrl.u32 s2, $0x1;
	s29 =	sshll.u32 s1, $0x7  }
0x8: {  	s28 =	ssub.s32 s2, s3;
	s8 =	sshll.u32 s1, $0x3;
	s30 =	sadd.s32 s4, s29  }
0x9: {  	s1 =	sshll.u32 s1, $0xD;
	s2 =	sadd.s32 s9, s29;
	[dreg:$0x4] =	wrdreg s30  }
0xa: {  	s31 =	sadd.s32 s10, s1;
	[dreg:$0x5] =	wrdreg s2  }
0xb: {  	s5 =	smov.u32 s9;
	s1 =	sadd.s32 s11, s1;
	[dreg:$0x6] =	wrdreg s31  }
0xc: {  	s6 =	smov.u32 s10;
	v0 =	vlaneseq.u32;
	s0 =	smax.u32 s28, $0x1;
	[dreg:$0x7] =	wrdreg s1  }
0xd: {  	s7 =	smov.u32 s11;
	v2 =	vor.u32 $0x10, v0;
	v3 =	vor.u32 $0x20, v0;
	v4 =	vor.u32 $0x30, v0;
	[dreg:$0x8] =	wrdreg s0;
	s1 =	simm.s32 $0x0;
	v1 =	vpop (erf)  }
.LBB2_1:
0xe: {  	[dreg:$0x9] =	wrdreg s1;
	s0 =	simm.s32 $0x0  }
0xf: {  	s2 =	simm.s32 $0x100;
	s25 =	simm.s32 $0x200;
	_ =	strace $0x80000048  }
0x10: {  	s31 =	simm.s32 $0x4200;
	s19 =	simm.s32 $0x0;
	s22 =	rddreg [dreg:$0x4]  }
0x11: {  	s20 =	simm.s32 $0x0;
	s21 =	simm.s32 $0x0;
	s23 =	rddreg [dreg:$0x5]  }
0x12: {  	[tilespmem:s0], [sflag:$0x1] =	stream.linear.gather [hbm4b:s22+s0], $0x80, $0x200038;
	[tilespmem:$0xC200] =	vst v63  }
0x13: {  	s28 =	simm.s32 $0x0;
	s29 =	simm.s32 $0x1;
	s24 =	rddreg [dreg:$0x6]  }
0x14: {  	[tilespmem:s2], [sflag:$0x3] =	stream.linear.gather [hbm4b:s23+s0], $0x80, $0x200038;
	[tilespmem:$0xC200] =	vst v63  }
0x15: {  	s30 =	simm.s32 $0x0;
	s26 =	rddreg [dreg:$0x7];
	s22 =	simm.s32 $0x1  }
0x16: {  	[tilespmem:s25], [sflag:$0x5] =	stream.linear.gather [hbm4b:s24+s0], $0x2000, $0x200038;
	[tilespmem:$0xC200] =	vst v63  }
0x17: {  	s23 =	simm.s32 $0x0;
	s24 =	simm.s32 $0x1;
	s25 =	simm.s32 $0x0  }
0x18: {  	[tilespmem:s31], [sflag:$0x7] =	stream.linear.gather [hbm4b:s26+s0], $0x2000, $0x200038;
	[tilespmem:$0xC200] =	vst v63  }
0x19: {  	s0 =	simm.s32 $0x0;
	s26 =	simm.s32 $0x1;
	_ =	strace $0x90000048  }
.LBB2_2:
0x1a: {  	s31 =	sadd.s32 $0x1, s0  }
0x1b: {  	p0 =	seq.s32 s31, $0x8  }
0x1c: {  	s31 =	simm.s32 @p0 $0x0;
	p0 =	seq.s32 s30, $0x7  }
0x1d: {  	p2 =	seq.s32 @!p0 s0, s31  }
0x1e: {  	p1 =	por p2, p0  }
0x1f: {  	s3 =	sadd.s32 @!p1 s8, s31  }
0x20: {  	s4 =	sshll.u32 @!p1 s31, $0x7;
	s2 =	sshll.u32 @!p1 s3, $0x7  }
0x21: {  	s4 =	sand.u32 @!p1 $0x380, s4;
	s2 =	sand.u32 @!p1 $0xFFFFFC00, s2  }
0x22: {  	_ =	strace @!p1 $0x80000049;
	s12 =	simm.s32 @!p1 $0x0;
	s2 =	sor.u32 @!p1 s4, s2  }
0x23: {  	s4 =	sand.u32 @!p1 $0x1, s29;
	s10 =	sshrl.u32 @!p1 s2, $0x3;
	s2 =	rddreg [dreg:$0x0]  }
0x24: {  	s9 =	sshll.u32 @!p1 s4, $0x7;
	s4 =	sadd.s32 @!p1 $0x1, s4;
	s11 =	sadd.s32 @!p1 s2, s10  }
0x25: {  	[tilespmem:s9], [sflag:s4] =	stream.linear.gather @!p1 [hbm4b:s11+s12], $0x80, $0x200038;
	[tilespmem:$0xC200] =	vst v63  }
0x26: {  	s3 =	sshll.u32 @!p1 s3, $0xA;
	s4 =	sand.u32 @!p1 $0x1, s26  }
0x27: {  	s10 =	sadd.s32 @!p1 s5, s10;
	_ =	strace @!p1 $0x90000049;
	s9 =	sshll.u32 @!p1 s4, $0x7  }
0x28: {  	s4 =	sadd.s32 @!p1 $0x3, s4;
	_ =	strace @!p1 $0x8000004A;
	s9 =	sor.u32 @!p1 $0x100, s9  }
0x29: {  	[tilespmem:s9], [sflag:s4] =	stream.linear.gather @!p1 [hbm4b:s10+s12], $0x80, $0x200038;
	[tilespmem:$0xC200] =	vst v63  }
0x2a: {  	s3 =	sand.u32 @!p1 $0x1FFFFC00, s3;
	s4 =	sand.u32 @!p1 $0x1, s24  }
0x2b: {  	s11 =	sadd.s32 @!p1 s6, s3;
	_ =	strace @!p1 $0x9000004A;
	s10 =	sshll.u32 @!p1 s4, $0xD  }
0x2c: {  	s4 =	sadd.s32 @!p1 $0x5, s4;
	_ =	strace @!p1 $0x8000004B;
	s10 =	sor.u32 @!p1 $0x200, s10  }
0x2d: {  	[tilespmem:s10], [sflag:s4] =	stream.linear.gather @!p1 [hbm4b:s11+s12], $0x2000, $0x200038;
	[tilespmem:$0xC200] =	vst v63  }
0x2e: {  	s4 =	sand.u32 @!p1 $0x1, s22  }
0x2f: {  	s3 =	sadd.s32 @!p1 s7, s3;
	_ =	strace @!p1 $0x9000004B;
	s10 =	sshll.u32 @!p1 s4, $0xD  }
0x30: {  	s4 =	sadd.s32 @!p1 $0x7, s4;
	_ =	strace @!p1 $0x8000004C;
	s10 =	sor.u32 @!p1 $0x4200, s10  }
0x31: {  	[tilespmem:s10], [sflag:s4] =	stream.linear.gather @!p1 [hbm4b:s3+s12], $0x2000, $0x200038;
	[tilespmem:$0xC200] =	vst v63  }
0x32: {  	s12 =	sand.u32 $0x1, s28;
	_ =	strace @!p1 $0x9000004C  }
0x33: {  	s3 =	sadd.s32 $0x1, s12;
	_ =	strace $0x8000004D  }
0x34: {  	_ =	swait.ge [sflag:s3], $0x80  }
0x35: {  	[sflag:s3] =	ssyncset.done $0x0  }
0x36: {  	[sflag:s3] =	ssyncadd.s32 $0xFFFFFF80  }
0x37: {  	s13 =	sand.u32 $0x1, s25;
	_ =	strace $0x9000004D  }
0x38: {  	s3 =	sadd.s32 $0x3, s13;
	_ =	strace $0x8000004E  }
0x39: {  	_ =	swait.ge [sflag:s3], $0x80  }
0x3a: {  	[sflag:s3] =	ssyncset.done $0x0  }
0x3b: {  	[sflag:s3] =	ssyncadd.s32 $0xFFFFFF80  }
0x3c: {  	s14 =	sand.u32 $0x1, s23;
	_ =	strace $0x9000004E  }
0x3d: {  	s15 =	sadd.s32 $0x5, s14;
	_ =	strace $0x8000004F  }
0x3e: {  	_ =	swait.ge [sflag:s15], $0x2000  }
0x3f: {  	[sflag:s15] =	ssyncset.done $0x0  }
0x40: {  	[sflag:s15] =	ssyncadd.s32 $0xFFFFE000  }
0x41: {  	s16 =	sand.u32 $0x1, s21;
	_ =	strace $0x9000004F  }
0x42: {  	s17 =	sadd.s32 $0x7, s16;
	_ =	strace $0x80000050  }
0x43: {  	_ =	swait.ge [sflag:s17], $0x2000  }
0x44: {  	[sflag:s17] =	ssyncset.done $0x0  }
0x45: {  	[sflag:s17] =	ssyncadd.s32 $0xFFFFE000  }
0x46: {  	s4 =	sshll.u32 s16, $0xD;
	_ =	strace $0x90000050  }
0x47: {  	s10 =	sor.u32 $0x4300, s4;
	s3 =	sshll.u32 s14, $0xD;
	_ =	strace $0x80000051  }
0x48: {  	s13 =	sor.u32 $0x300, s3;
	v5 =	vld [tilespmem:s10+$0x80]  }
0x49: {  	v6 =	vld [tilespmem:s13+$0x80]  }
0x4a: {  	v9 =	vld [tilespmem:s10+$0xFFFFFF00]  }
0x4b: {  	s18 =	sshll.u32 s25, $0x7;
	v22 =	vld [tilespmem:s10+$0xFFFFFF80]  }
0x4c: {  	s14 =	sand.u32 $0x80, s18;
	v27 =	vld [tilespmem:s10+$0x0]  }
0x4d: {  	s4 =	sshll.u32 s28, $0x7;
	s12 =	sor.u32 $0x100, s14;
	v14 =	vld [tilespmem:s13+$0xFFFFFF00]  }
0x4e: {  	s15 =	sand.u32 $0x80, s4;
	v25 =	vld [tilespmem:s12+$0x0];
	v18 =	vadd.f32 $1.000000000e+00, v5  }
0x4f: {  	s11 =	simm.s32 $0x0;
	v26 =	vld [tilespmem:s15+$0x0];
	v23 =	vadd.f32 $-1.000000000e+00, v6;
	v24 =	vadd.f32 $1.000000000e+00, v6  }
0x50: {  	v11 =	vmov s11;
	v13 =	vadd.f32 $-1.000000000e+00, v5;
	v20 =	vadd.f32 $1.000000000e+00, v9  }
0x51: {  	vm0 =	veq.s32 v11, v0;
	s16 =	simm.s32 $0x1;
	v21 =	vadd.f32 $-1.000000000e+00, v9;
	v19 =	vadd.f32 $1.000000000e+00, v22  }
0x52: {  	v15 =	vmov s16;
	s18 =	simm.s32 $0x3;
	v17 =	vadd.f32 $1.000000000e+00, v27;
	v10 =	vadd.f32 $-1.000000000e+00, v14  }
0x53: {  	v12 =	vmov s18;
	s17 =	simm.s32 $0x2;
	v14 =	vadd.f32 $1.000000000e+00, v14;
	v22 =	vadd.f32 $-1.000000000e+00, v22  }
0x54: {  	v16 =	vmov s17;
	v7 =	vsub.f32 v18, v25;
	v8 =	vsub.f32 v26, v23  }
0x55: {  	vm1 =	vge.f32 v26, v24;
	vm2 =	vle.f32 v26, v23;
	vm3 =	vge.f32 v25, v18  }
0x56: {  	vm4 =	vle.f32 v25, v13;
	v9 =	vsub.f32 v20, v25;
	v7 =	vmul.f32 v7, v1  }
0x57: {  	v29 =	vsub.f32 v19, v25;
	v31 =	vsub.f32 v26, v10;
	v6 =	vmul.f32 v8, v1  }
0x58: {  	v32 =	vsub.f32 v17, v25;
	vm9 =	vge.f32 v25, v19;
	v7 =	vmul.f32 $8.000000000e+00, v7  }
0x59: {  	vm10 =	vle.f32 v25, v22;
	vm13 =	vge.f32 v25, v17;
	v5 =	vmul.f32 $8.000000000e+00, v6  }
0x5a: {  	vm1 =	vmor vm1, vm2;
	vm2 =	vmor vm3, vm4;
	v6 =	vld [tilespmem:s13+$0xFFFFFF80];
	v7 =	vtrunc.f32 v7  }
0x5b: {  	vm3 =	veq.s32 v12, v0;
	v5 =	vtrunc.f32 v5;
	v7 =	vcvt.f32.s32 v7  }
0x5c: {  	vm4 =	vge.f32 v25, v20;
	vm1 =	vmor vm1, vm2;
	v5 =	vcvt.f32.s32 v5  }
0x5d: {  	s3 =	sand.u32 $0x1, s20;
	v28 =	vld [tilespmem:s13+$0x0];
	v9 =	vmul.f32 v9, v1;
	v29 =	vmul.f32 v29, v1;
	v7 =	vshll.u32 v7, $0x3  }
0x5e: {  	s4 =	sshll.u32 s3, $0xD;
	v31 =	vmul.f32 v31, v1;
	vm1 =	vmor vm3, vm1;
	v5 =	vadd.s32 v5, v7  }
0x5f: {  	s11 =	sor.u32 $0x8300, s4;
	v32 =	vmul.f32 v32, v1;
	v8 =	vadd.f32 $-1.000000000e+00, v6;
	v5 =	vsel vm1, $0xFFFFFFFF, v5  }
0x60: {  	vm2 =	veq.s32 v15, v0;
	v29 =	vmul.f32 $8.000000000e+00, v29;
	v31 =	vmul.f32 $8.000000000e+00, v31;
	[tilespmem:s11+$0x80] =	vst v5  }
0x61: {  	v35 =	vmul.f32 $8.000000000e+00, v9;
	v32 =	vmul.f32 $8.000000000e+00, v32;
	v33 =	vsub.f32 v26, v8;
	v7 =	vld [tilespmem:s14+$0x110]  }
0x62: {  	v29 =	vtrunc.f32 v29;
	v31 =	vtrunc.f32 v31;
	v5 =	vadd.f32 $-1.000000000e+00, v28;
	v30 =	vld [tilespmem:s15+$0x10]  }
0x63: {  	vm3 =	vle.f32 v26, v10;
	v29 =	vcvt.f32.s32 v29;
	v33 =	vmul.f32 v33, v1  }
0x64: {  	v54 =	vtrunc.f32 v32;
	v56 =	vcvt.f32.s32 v31;
	v34 =	vsub.f32 v26, v5  }
0x65: {  	v29 =	vshll.u32 v29, $0x3;
	vm1 =	veq.s32 v16, v0;
	v33 =	vmul.f32 $8.000000000e+00, v33  }
0x66: {  	vm12 =	vle.f32 v26, v5;
	v34 =	vmul.f32 v34, v1;
	v9 =	vsub.f32 v18, v7  }
0x67: {  	v33 =	vtrunc.f32 v33;
	v36 =	vsub.f32 v30, v23;
	vm5 =	vge.f32 v30, v24  }
0x68: {  	vm6 =	vle.f32 v30, v23;
	vm7 =	vge.f32 v7, v18;
	v37 =	vmul.f32 v9, v1  }
0x69: {  	vm8 =	vle.f32 v7, v13;
	v31 =	vcvt.f32.s32 v33;
	v36 =	vmul.f32 v36, v1  }
0x6a: {  	vm5 =	vmor vm5, vm6;
	vm6 =	vmor vm7, vm8;
	v37 =	vmul.f32 $8.000000000e+00, v37  }
0x6b: {  	v9 =	vadd.f32 $1.000000000e+00, v6;
	v6 =	vadd.f32 $1.000000000e+00, v28;
	v28 =	vmul.f32 $8.000000000e+00, v36  }
0x6c: {  	vm7 =	veq.s32 v12, v2;
	vm8 =	vle.f32 v26, v8;
	v52 =	vtrunc.f32 v37  }
0x6d: {  	vm5 =	vmor vm5, vm6;
	v28 =	vtrunc.f32 v28;
	v30 =	vcvt.f32.s32 v52  }
0x6e: {  	vm6 =	vle.f32 v25, v21;
	v60 =	vadd.s32 v31, v29;
	v7 =	vcvt.f32.s32 v28  }
0x6f: {  	vm5 =	vmor vm7, vm5;
	vm4 =	vmor vm4, vm6;
	v28 =	vshll.u32 v30, $0x3  }
0x70: {  	vm6 =	vmor vm9, vm10;
	vm7 =	vge.f32 v26, v9;
	v7 =	vadd.s32 v7, v28  }
0x71: {  	v30 =	vmul.f32 $8.000000000e+00, v34;
	v28 =	vtrunc.f32 v35;
	v53 =	vsel vm5, $0xFFFFFFFF, v7  }
0x72: {  	vm11 =	vge.f32 v26, v6;
	v7 =	vadd.f32 $-1.000000000e+00, v27;
	v28 =	vcvt.f32.s32 v28;
	[tilespmem:s11+$0x90] =	vst v53  }
0x73: {  	vm5 =	vge.f32 v26, v14;
	v27 =	vcvt.f32.s32 v54;
	v30 =	vtrunc.f32 v30;
	v55 =	vld [tilespmem:s14+$0x120]  }
0x74: {  	vm3 =	vmor vm5, vm3;
	vm5 =	vmor vm7, vm8;
	v30 =	vcvt.f32.s32 v30;
	v34 =	vld [tilespmem:s15+$0x20]  }
0x75: {  	vm7 =	vmor vm11, vm12;
	vm14 =	vle.f32 v25, v7;
	v28 =	vshll.u32 v28, $0x3  }
0x76: {  	v27 =	vshll.u32 v27, $0x3;
	vm3 =	vmor vm3, vm4;
	vm4 =	vmor vm5, vm6  }
0x77: {  	vm8 =	vmor vm13, vm14;
	v25 =	vadd.s32 v56, v28;
	vm0 =	vmor vm0, vm3  }
0x78: {  	vm2 =	vmor vm2, vm4;
	v27 =	vadd.s32 v30, v27;
	v57 =	vsub.f32 v18, v55  }
0x79: {  	vm5 =	vmor vm7, vm8;
	v25 =	vsel vm0, $0xFFFFFFFF, v25;
	v58 =	vsub.f32 v34, v23  }
0x7a: {  	vm0 =	vmor vm1, vm5;
	vm1 =	veq.s32 v16, v2;
	v26 =	vmul.f32 v57, v1  }
0x7b: {  	[tilespmem:s11+$0xFFFFFF00] =	vst v25;
	v27 =	vsel vm0, $0xFFFFFFFF, v27;
	vm9 =	vge.f32 v34, v24;
	v33 =	vmul.f32 v58, v1  }
0x7c: {  	v62 =	vld [tilespmem:s14+$0x110];
	vm10 =	vle.f32 v34, v23;
	vm11 =	vge.f32 v55, v18;
	[tilespmem:s11+$0x0] =	vst v27;
	v26 =	vmul.f32 $8.000000000e+00, v26  }
0x7d: {  	vm12 =	vle.f32 v55, v13;
	vm9 =	vmor vm9, vm10;
	v29 =	vld [tilespmem:s14+$0x110];
	v33 =	vmul.f32 $8.000000000e+00, v33  }
0x7e: {  	v30 =	vld [tilespmem:s15+$0x10];
	vm10 =	vmor vm11, vm12;
	vm11 =	veq.s32 v12, v3;
	v26 =	vtrunc.f32 v26  }
0x7f: {  	vm9 =	vmor vm9, vm10;
	v33 =	vtrunc.f32 v33;
	v26 =	vcvt.f32.s32 v26  }
0x80: {  	vm0 =	veq.s32 v15, v2;
	vm9 =	vmor vm11, vm9;
	v59 =	vcvt.f32.s32 v33  }
0x81: {  	v43 =	vld [tilespmem:s15+$0x10];
	v42 =	vsub.f32 v20, v62;
	vm6 =	vge.f32 v62, v20;
	v26 =	vshll.u32 v26, $0x3  }
0x82: {  	vm7 =	vle.f32 v62, v21;
	v46 =	vsub.f32 v17, v29;
	v26 =	vadd.s32 v59, v26  }
0x83: {  	v47 =	vsub.f32 v30, v10;
	v34 =	vmul.f32 v42, v1;
	v26 =	vsel vm9, $0xFFFFFFFF, v26  }
0x84: {  	vm8 =	vge.f32 v30, v14;
	vm6 =	vmor vm6, vm7;
	v51 =	vmul.f32 v46, v1;
	[tilespmem:s11+$0xA0] =	vst v26  }
0x85: {  	vm9 =	vle.f32 v30, v10;
	v30 =	vmul.f32 $8.000000000e+00, v34;
	v26 =	vsel vm2, $0xFFFFFFFF, v60;
	v28 =	vld [tilespmem:s14+$0x130]  }
0x86: {  	v50 =	vsub.f32 v43, v5;
	vm14 =	vge.f32 v43, v6;
	v32 =	vmul.f32 $8.000000000e+00, v51;
	v61 =	vld [tilespmem:s15+$0x30];
	[tilespmem:s11+$0xFFFFFF80] =	vst v26  }
0x87: {  	vm7 =	vle.f32 v29, v7;
	vm2 =	veq.s32 v11, v2;
	v30 =	vtrunc.f32 v30;
	v63 =	vld [tilespmem:s14+$0x110]  }
0x88: {  	vm8 =	vmor vm8, vm9;
	v41 =	vld [tilespmem:s15+$0x10];
	v52 =	vcvt.f32.s32 v30;
	v30 =	vtrunc.f32 v32  }
0x89: {  	vm9 =	vge.f32 v29, v17;
	vm6 =	vmor vm8, vm6;
	v30 =	vcvt.f32.s32 v30  }
0x8a: {  	vm15 =	vle.f32 v43, v5;
	vm7 =	vmor vm9, vm7;
	vm2 =	vmor vm2, vm6  }
0x8b: {  	v27 =	vshll.u32 v52, $0x3;
	v29 =	vshll.u32 v30, $0x3;
	v31 =	vsub.f32 v18, v28  }
0x8c: {  	v40 =	vsub.f32 v61, v23;
	vm3 =	vge.f32 v61, v24;
	v45 =	vsub.f32 v19, v63  }
0x8d: {  	vm4 =	vle.f32 v61, v23;
	v23 =	vsub.f32 v41, v8;
	v31 =	vmul.f32 v31, v1  }
0x8e: {  	vm5 =	vge.f32 v28, v18;
	v44 =	vmul.f32 v40, v1;
	v49 =	vmul.f32 v45, v1  }
0x8f: {  	vm10 =	vge.f32 v41, v9;
	v23 =	vmul.f32 v23, v1;
	v31 =	vmul.f32 $8.000000000e+00, v31  }
0x90: {  	vm11 =	vle.f32 v41, v8;
	v26 =	vmul.f32 $8.000000000e+00, v44;
	v25 =	vmul.f32 $8.000000000e+00, v49  }
0x91: {  	vm12 =	vge.f32 v63, v19;
	v23 =	vmul.f32 $8.000000000e+00, v23;
	v48 =	vtrunc.f32 v31  }
0x92: {  	vm13 =	vle.f32 v63, v22;
	v18 =	vtrunc.f32 v26;
	v31 =	vmul.f32 v47, v1  }
0x93: {  	vm10 =	vmor vm10, vm11;
	v26 =	vmul.f32 v50, v1;
	v25 =	vtrunc.f32 v25  }
0x94: {  	vm11 =	vmor vm12, vm13;
	v23 =	vtrunc.f32 v23;
	v31 =	vmul.f32 $8.000000000e+00, v31  }
0x95: {  	vm12 =	vmor vm14, vm15;
	v26 =	vmul.f32 $8.000000000e+00, v26;
	v25 =	vcvt.f32.s32 v25  }
0x96: {  	vm8 =	vmor vm10, vm11;
	v23 =	vcvt.f32.s32 v23;
	v31 =	vtrunc.f32 v31  }
0x97: {  	v26 =	vtrunc.f32 v26;
	v25 =	vshll.u32 v25, $0x3;
	v31 =	vcvt.f32.s32 v31  }
0x98: {  	vm0 =	vmor vm0, vm8;
	v26 =	vcvt.f32.s32 v26;
	v23 =	vadd.s32 v23, v25  }
0x99: {  	vm7 =	vmor vm12, vm7;
	v23 =	vsel vm0, $0xFFFFFFFF, v23;
	v27 =	vadd.s32 v31, v27  }
0x9a: {  	vm1 =	vmor vm1, vm7;
	v26 =	vadd.s32 v26, v29;
	[tilespmem:s11+$0xFFFFFF90] =	vst v23;
	v53 =	vsel vm2, $0xFFFFFFFF, v27  }
0x9b: {  	v24 =	vcvt.f32.s32 v48;
	vm0 =	vle.f32 v28, v13;
	v13 =	vsel vm1, $0xFFFFFFFF, v26;
	v23 =	vld [tilespmem:s14+$0x120];
	[tilespmem:s11+$0xFFFFFF10] =	vst v53  }
0x9c: {  	v18 =	vcvt.f32.s32 v18;
	vm0 =	vmor vm5, vm0;
	vm1 =	vmor vm3, vm4;
	[tilespmem:s11+$0x10] =	vst v13;
	v25 =	vld [tilespmem:s14+$0x120]  }
0x9d: {  	vm2 =	veq.s32 v12, v4;
	v12 =	vshll.u32 v24, $0x3;
	vm1 =	vmor vm1, vm0;
	v13 =	vld [tilespmem:s14+$0x120]  }
0x9e: {  	vm0 =	veq.s32 v11, v3;
	v12 =	vadd.s32 v18, v12;
	vm3 =	vmor vm2, vm1;
	v18 =	vld [tilespmem:s15+$0x20]  }
0x9f: {  	vm2 =	veq.s32 v15, v3;
	vm1 =	veq.s32 v16, v3;
	v56 =	vld [tilespmem:s15+$0x20];
	v54 =	vsel vm3, $0xFFFFFFFF, v12  }
0xa0: {  	v12 =	vld [tilespmem:s15+$0x20];
	v57 =	vsub.f32 v19, v23;
	vm3 =	vge.f32 v23, v19;
	vm5 =	vle.f32 v23, v22  }
0xa1: {  	vm3 =	vmor vm3, vm5;
	v55 =	vsub.f32 v20, v25;
	vm4 =	vge.f32 v25, v20  }
0xa2: {  	vm6 =	vle.f32 v25, v21;
	v58 =	vsub.f32 v17, v13;
	vm7 =	vge.f32 v13, v17  }
0xa3: {  	v28 =	vsub.f32 v18, v10;
	vm8 =	vge.f32 v18, v14;
	v27 =	vmul.f32 v57, v1  }
0xa4: {  	v30 =	vsub.f32 v56, v5;
	vm9 =	vle.f32 v18, v10;
	vm12 =	vge.f32 v56, v6  }
0xa5: {  	vm13 =	vle.f32 v56, v5;
	vm14 =	vle.f32 v13, v7;
	v29 =	vsub.f32 v12, v8  }
0xa6: {  	vm10 =	vge.f32 v12, v9;
	v23 =	vmul.f32 v55, v1;
	v26 =	vmul.f32 v58, v1  }
0xa7: {  	vm11 =	vle.f32 v12, v8;
	v28 =	vmul.f32 v28, v1;
	v27 =	vmul.f32 $8.000000000e+00, v27  }
0xa8: {  	vm8 =	vmor vm8, vm9;
	v18 =	vmul.f32 v29, v1;
	v29 =	vmul.f32 v30, v1  }
0xa9: {  	vm4 =	vmor vm4, vm6;
	v23 =	vmul.f32 $8.000000000e+00, v23;
	v26 =	vmul.f32 $8.000000000e+00, v26  }
0xaa: {  	vm5 =	vmor vm12, vm13;
	v28 =	vmul.f32 $8.000000000e+00, v28;
	v12 =	vtrunc.f32 v27  }
0xab: {  	vm7 =	vmor vm7, vm14;
	v18 =	vmul.f32 $8.000000000e+00, v18;
	v59 =	vmul.f32 $8.000000000e+00, v29  }
0xac: {  	vm6 =	vmor vm10, vm11;
	v12 =	vcvt.f32.s32 v12;
	v23 =	vtrunc.f32 v23  }
0xad: {  	vm4 =	vmor vm8, vm4;
	v26 =	vtrunc.f32 v26;
	v13 =	vtrunc.f32 v28  }
0xae: {  	vm5 =	vmor vm5, vm7;
	v23 =	vcvt.f32.s32 v23;
	v60 =	vcvt.f32.s32 v26  }
0xaf: {  	vm3 =	vmor vm6, vm3;
	v18 =	vtrunc.f32 v18;
	v13 =	vcvt.f32.s32 v13  }
0xb0: {  	vm0 =	vmor vm0, vm4;
	v61 =	vtrunc.f32 v59;
	v18 =	vcvt.f32.s32 v18  }
0xb1: {  	v12 =	vshll.u32 v12, $0x3;
	v26 =	vcvt.f32.s32 v61;
	v23 =	vshll.u32 v23, $0x3  }
0xb2: {  	v25 =	vshll.u32 v60, $0x3;
	v13 =	vadd.s32 v13, v23;
	v12 =	vadd.s32 v18, v12  }
0xb3: {  	v18 =	vadd.s32 v26, v25;
	v13 =	vsel vm0, $0xFFFFFFFF, v13;
	vm0 =	vmor vm1, vm5  }
0xb4: {  	v18 =	vsel vm0, $0xFFFFFFFF, v18;
	vm0 =	veq.s32 v11, v4;
	v11 =	vimm.s32 $0x0  }
0xb5: {  	s17 =	simm.s32 $0x4;
	vm2 =	vmor vm2, vm3;
	[tilespmem:s11+$0xFFFFFF20] =	vst v13;
	v11 =	vsel vm0, $0xFFFFFFFF, v11  }
0xb6: {  	v23 =	vsel vm2, $0xFFFFFFFF, v12;
	v12 =	vmov s17;
	v62 =	vld [tilespmem:s14+$0x130];
	[tilespmem:$0x1FF50] =	vst v11  }
0xb7: {  	vm0 =	veq.s32 v12, v2;
	[tilespmem:s11+$0x20] =	vst v18;
	v18 =	vimm.s32 $0x0  }
0xb8: {  	[tilespmem:s11+$0xFFFFFFA0] =	vst v23;
	v18 =	vsel vm0, $0xFFFFFFFF, v18;
	vm0 =	veq.s32 v15, v4;
	v15 =	vimm.s32 $0x0  }
0xb9: {  	s16 =	simm.s32 $0x5;
	v23 =	vld [tilespmem:s14+$0x130];
	[tilespmem:$0x1FF60] =	vst v18;
	v15 =	vsel vm0, $0xFFFFFFFF, v15;
	vm0 =	veq.s32 v16, v4;
	v16 =	vimm.s32 $0x0  }
0xba: {  	v13 =	vmov s16;
	[tilespmem:$0x1FF70] =	vst v15;
	v16 =	vsel vm0, $0xFFFFFFFF, v16  }
0xbb: {  	vm0 =	veq.s32 v13, v2;
	v15 =	vld [tilespmem:s14+$0x130];
	[tilespmem:$0x1FF80] =	vst v16;
	v16 =	vimm.s32 $0x0  }
0xbc: {  	v16 =	vsel vm0, $0xFFFFFFFF, v16  }
0xbd: {  	s18 =	simm.s32 $0x6;
	vm0 =	veq.s32 v13, v3;
	[tilespmem:$0x1FF90] =	vst v16;
	v16 =	vimm.s32 $0x0  }
0xbe: {  	v11 =	vmov s18;
	v16 =	vsel vm0, $0xFFFFFFFF, v16  }
0xbf: {  	vm0 =	veq.s32 v11, v3;
	[tilespmem:$0x1FFA0] =	vst v16;
	v16 =	vimm.s32 $0x0  }
0xc0: {  	v16 =	vsel vm0, $0xFFFFFFFF, v16  }
0xc1: {  	vm1 =	veq.s32 v11, v2;
	[tilespmem:$0x1FFB0] =	vst v16;
	v16 =	vimm.s32 $0x0  }
0xc2: {  	s1 =	smov.u32 s29;
	v16 =	vsel vm1, $0xFFFFFFFF, v16  }
0xc3: {  	p2 =	por !p2, p0;
	s2 =	smov.u32 s26;
	s16 =	sadd.s32 @!p1 $0x1, s29;
	v32 =	vsub.f32 v19, v23;
	v30 =	vld [tilespmem:s15+$0x30];
	vm1 =	vge.f32 v23, v19;
	v19 =	vimm.s32 $0x0;
	[tilespmem:$0x1FFC0] =	vst v16  }
0xc4: {  	s9 =	smov.u32 s24;
	s29 =	smov.u32 @p2 s16;
	s16 =	sadd.s32 @!p1 $0x1, s26;
	v19 =	vsel vm1, $0xFFFFFFFF, v19;
	v18 =	vld [tilespmem:s15+$0x30]  }
0xc5: {  	vm11 =	veq.s32 v12, v3;
	s18 =	sadd.s32 @!p1 $0x1, s24;
	s26 =	smov.u32 @p2 s16;
	s16 =	simm.s32 $0x0;
	vm1 =	vle.f32 v23, v22;
	v16 =	vld [tilespmem:s15+$0x30];
	[tilespmem:$0x1FFD0] =	vst v19;
	v19 =	vimm.s32 $0x0  }
0xc6: {  	vm15 =	veq.s32 v12, v0;
	s29 =	smov.u32 @p0 s1;
	s1 =	simm.s32 $0x8;
	s24 =	smov.u32 @p2 s18;
	v63 =	vsub.f32 v20, v62;
	v19 =	vsel vm1, $0xFFFFFFFF, v19  }
0xc7: {  	s16 =	simm.s32 @p2 $0x1;
	s26 =	smov.u32 @p0 s2;
	s18 =	sadd.s32 $0x200, s10;
	v33 =	vsub.f32 v17, v15;
	vm1 =	vge.f32 v15, v17;
	v17 =	vimm.s32 $0x0;
	[tilespmem:$0x1FFE0] =	vst v19  }
0xc8: {  	vm13 =	veq.s32 v11, v0;
	s10 =	sor.u32 $0x8200, s4;
	s2 =	sadd.s32 $0x200, s13;
	s13 =	smov.u32 s11;
	vm8 =	vge.f32 v62, v20;
	v17 =	vsel vm1, $0xFFFFFFFF, v17;
	[tilespmem:s11+$0xB0] =	vst v54  }
0xc9: {  	s24 =	smov.u32 @p0 s9;
	s9 =	sadd.s32 s8, s0;
	s16 =	simm.s32 @p0 $0x0;
	vm14 =	vle.f32 v62, v21;
	v34 =	vmul.f32 v63, v1;
	vm0 =	veq.s32 v13, v0;
	v22 =	vld [tilespmem:s18+$0x80];
	[tilespmem:$0x1FFF0] =	vst v17  }
.LBB2_3:
0xca: {  	v17 =	vimm.s32 $0x0  }
0xcb: {  	v38 =	vld [tilespmem:s2+$0xFFFFFF80];
	v17 =	vsel vm8, $0xFFFFFFFF, v17;
	v20 =	vmul.f32 $8.000000000e+00, v34  }
0xcc: {  	v23 =	vmul.f32 v33, v1;
	v40 =	vld [tilespmem:s2+$0x0];
	[tilespmem:$0x1FF10] =	vst v17;
	v17 =	vimm.s32 $0x0  }
0xcd: {  	v17 =	vsel vm11, $0xFFFFFFFF, v17;
	v20 =	vtrunc.f32 v20;
	v19 =	vsub.f32 v30, v10  }
0xce: {  	v36 =	vld [tilespmem:s12+$0x0];
	vm1 =	vge.f32 v30, v14;
	v21 =	vsub.f32 v18, v8;
	v25 =	vsub.f32 v16, v5  }
0xcf: {  	v26 =	vld [tilespmem:s18+$0xFFFFFF00];
	v14 =	vimm.s32 $0x0;
	v24 =	vadd.f32 $1.000000000e+00, v22;
	v28 =	vadd.f32 $-1.000000000e+00, v22  }
0xd0: {  	v37 =	vld [tilespmem:s15+$0x0];
	v14 =	vsel vm1, $0xFFFFFFFF, v14;
	vm1 =	vle.f32 v30, v10;
	v35 =	vadd.f32 $-1.000000000e+00, v38  }
0xd1: {  	[tilespmem:$0x1FF40] =	vst v17;
	v10 =	vimm.s32 $0x0;
	v34 =	vadd.f32 $-1.000000000e+00, v40;
	v38 =	vadd.f32 $1.000000000e+00, v38  }
0xd2: {  	v17 =	vld [tilespmem:s2+$0x80];
	v40 =	vadd.f32 $1.000000000e+00, v40;
	[tilespmem:$0x1FEF0] =	vst v14;
	v14 =	vmul.f32 v32, v1;
	v10 =	vsel vm1, $0xFFFFFFFF, v10  }
0xd3: {  	v19 =	vmul.f32 v19, v1;
	vm5 =	vge.f32 v36, v24;
	[tilespmem:$0x1FF00] =	vst v10;
	v10 =	vmul.f32 v21, v1  }
0xd4: {  	v41 =	vld [tilespmem:s18+$0x0];
	v21 =	vmul.f32 $8.000000000e+00, v23;
	v23 =	vcvt.f32.s32 v20;
	v20 =	vadd.f32 $1.000000000e+00, v26  }
0xd5: {  	vm6 =	vle.f32 v36, v28;
	v47 =	vsub.f32 v37, v35;
	v48 =	vsub.f32 v37, v34  }
0xd6: {  	vm11 =	vge.f32 v37, v40;
	vm12 =	vle.f32 v37, v34;
	v29 =	vmul.f32 $8.000000000e+00, v19  }
0xd7: {  	v39 =	vld [tilespmem:s18+$0xFFFFFF80];
	v19 =	vmul.f32 v25, v1;
	v25 =	vadd.f32 $-1.000000000e+00, v17;
	v31 =	vmul.f32 $8.000000000e+00, v10  }
0xd8: {  	v10 =	vsub.f32 v24, v36;
	v33 =	vtrunc.f32 v21;
	v21 =	vadd.f32 $-1.000000000e+00, v26  }
0xd9: {  	s4 =	sadd.s32 $0x3, s17;
	v14 =	vmul.f32 $8.000000000e+00, v14;
	v27 =	vadd.f32 $1.000000000e+00, v17;
	v17 =	vadd.f32 $1.000000000e+00, v41  }
0xda: {  	v26 =	vmov s4;
	v59 =	vmul.f32 v47, v1;
	v61 =	vmul.f32 v48, v1  }
0xdb: {  	v23 =	vshll.u32 v23, $0x3;
	v32 =	vtrunc.f32 v14;
	v30 =	vmul.f32 $8.000000000e+00, v19  }
0xdc: {  	v19 =	vadd.f32 $1.000000000e+00, v39;
	v33 =	vcvt.f32.s32 v33;
	v29 =	vtrunc.f32 v29  }
0xdd: {  	v14 =	vsub.f32 v37, v25;
	v10 =	vmul.f32 v10, v1;
	vm3 =	vge.f32 v37, v27  }
0xde: {  	vm4 =	vle.f32 v37, v25;
	v45 =	vsub.f32 v17, v36;
	v51 =	vmul.f32 $8.000000000e+00, v61  }
0xdf: {  	vm1 =	vge.f32 v36, v17;
	v32 =	vcvt.f32.s32 v32;
	v31 =	vtrunc.f32 v31  }
0xe0: {  	v43 =	vsub.f32 v19, v36;
	v30 =	vtrunc.f32 v30;
	v14 =	vmul.f32 v14, v1  }
0xe1: {  	v42 =	vld [tilespmem:s2+$0xFFFFFF00];
	vm3 =	vmor vm3, vm4;
	v10 =	vmul.f32 $8.000000000e+00, v10;
	v58 =	vmul.f32 v45, v1  }
0xe2: {  	vm4 =	vmor vm5, vm6;
	v57 =	vmul.f32 v43, v1;
	v14 =	vmul.f32 $8.000000000e+00, v14  }
0xe3: {  	vm5 =	veq.s32 v26, v0;
	v10 =	vtrunc.f32 v10;
	v43 =	vmul.f32 $8.000000000e+00, v58  }
0xe4: {  	vm3 =	vmor vm3, vm4;
	v10 =	vcvt.f32.s32 v10;
	v14 =	vtrunc.f32 v14  }
0xe5: {  	v45 =	vmul.f32 $8.000000000e+00, v59;
	vm3 =	vmor vm5, vm3;
	v14 =	vcvt.f32.s32 v14  }
0xe6: {  	v43 =	vtrunc.f32 v43;
	v22 =	vshll.u32 v10, $0x3;
	v10 =	vadd.f32 $-1.000000000e+00, v42  }
0xe7: {  	v45 =	vtrunc.f32 v45;
	v43 =	vcvt.f32.s32 v43;
	v14 =	vadd.s32 v14, v22  }
0xe8: {  	s11 =	sadd.s32 $0x200, s11;
	v22 =	vsub.f32 v20, v36;
	v44 =	vsub.f32 v37, v10;
	v14 =	vsel vm3, $0xFFFFFFFF, v14  }
0xe9: {  	vm4 =	vge.f32 v36, v20;
	v52 =	vtrunc.f32 v51;
	v56 =	vcvt.f32.s32 v45;
	[tilespmem:s11+$0x80] =	vst v14  }
0xea: {  	v43 =	vshll.u32 v43, $0x3;
	v22 =	vmul.f32 v22, v1;
	v44 =	vmul.f32 v44, v1;
	v46 =	vld [tilespmem:s14+$0x110]  }
0xeb: {  	vm3 =	vle.f32 v37, v10;
	v14 =	vadd.f32 $1.000000000e+00, v42;
	v42 =	vmul.f32 $8.000000000e+00, v57;
	v49 =	vld [tilespmem:s15+$0x10]  }
0xec: {  	v60 =	vmul.f32 $8.000000000e+00, v22;
	v22 =	vadd.f32 $-1.000000000e+00, v39;
	v44 =	vmul.f32 $8.000000000e+00, v44  }
0xed: {  	v39 =	vadd.f32 $-1.000000000e+00, v41;
	vm5 =	vge.f32 v37, v14;
	v42 =	vtrunc.f32 v42  }
0xee: {  	v42 =	vcvt.f32.s32 v42;
	vm3 =	vmor vm5, vm3;
	v47 =	vtrunc.f32 v60  }
0xef: {  	v44 =	vtrunc.f32 v44;
	vm10 =	vle.f32 v36, v22;
	v62 =	vsub.f32 v24, v46  }
0xf0: {  	vm2 =	vle.f32 v36, v39;
	v47 =	vcvt.f32.s32 v47;
	v50 =	vsub.f32 v49, v25  }
0xf1: {  	v55 =	vcvt.f32.s32 v44;
	vm1 =	vmor vm1, vm2;
	v48 =	vmul.f32 v62, v1  }
0xf2: {  	v42 =	vshll.u32 v42, $0x3;
	vm6 =	vge.f32 v49, v27;
	v63 =	vmul.f32 v50, v1  }
0xf3: {  	vm7 =	vle.f32 v49, v25;
	vm8 =	vge.f32 v46, v24;
	v48 =	vmul.f32 $8.000000000e+00, v48  }
0xf4: {  	vm9 =	vle.f32 v46, v28;
	v46 =	vimm.s32 $0x0;
	v41 =	vmul.f32 $8.000000000e+00, v63  }
0xf5: {  	vm6 =	vmor vm6, vm7;
	vm7 =	vmor vm8, vm9;
	v48 =	vtrunc.f32 v48  }
0xf6: {  	vm8 =	veq.s32 v26, v2;
	v41 =	vtrunc.f32 v41;
	v48 =	vcvt.f32.s32 v48  }
0xf7: {  	vm9 =	vge.f32 v36, v19;
	v58 =	vshll.u32 v47, $0x3;
	v41 =	vcvt.f32.s32 v41  }
0xf8: {  	vm6 =	vmor vm6, vm7;
	vm7 =	vge.f32 v37, v38;
	v50 =	vshll.u32 v48, $0x3  }
0xf9: {  	vm6 =	vmor vm8, vm6;
	vm8 =	vle.f32 v37, v35;
	v41 =	vadd.s32 v41, v50  }
0xfa: {  	v37 =	vadd.s32 v56, v42;
	vm5 =	vmor vm7, vm8;
	v41 =	vsel vm6, $0xFFFFFFFF, v41  }
0xfb: {  	vm7 =	vmor vm11, vm12;
	vm6 =	vle.f32 v36, v21;
	v36 =	vadd.s32 v55, v58;
	[tilespmem:s11+$0x90] =	vst v41  }
0xfc: {  	vm4 =	vmor vm4, vm6;
	v41 =	vcvt.f32.s32 v52;
	vm6 =	vmor vm9, vm10;
	v53 =	vld [tilespmem:s14+$0x120]  }
0xfd: {  	v54 =	vld [tilespmem:s15+$0x20];
	vm2 =	vmor vm3, vm4;
	vm4 =	vmor vm5, vm6;
	vm3 =	vmor vm7, vm1  }
0xfe: {  	v41 =	vadd.s32 v41, v43;
	vm2 =	vmor vm15, vm2;
	vm0 =	vmor vm0, vm4  }
0xff: {  	v36 =	vsel vm2, $0xFFFFFFFF, v36;
	v37 =	vsel vm0, $0xFFFFFFFF, v37;
	vm0 =	vmor vm13, vm3  }
0x100: {  	vm2 =	vge.f32 v18, v9;
	vm3 =	vle.f32 v18, v8;
	v61 =	vsel vm0, $0xFFFFFFFF, v41  }
0x101: {  	vm0 =	vle.f32 v15, v7;
	v7 =	vimm.s32 $0x0;
	v57 =	vsub.f32 v24, v53  }
0x102: {  	v51 =	vld [tilespmem:$0x1FFD0];
	v18 =	vcvt.f32.s32 v29;
	v7 =	vsel vm0, $0xFFFFFFFF, v7;
	v59 =	vsub.f32 v54, v25  }
0x103: {  	vm4 =	vge.f32 v16, v6;
	v15 =	vcvt.f32.s32 v31;
	[tilespmem:$0x1FF20] =	vst v7;
	v7 =	vld [tilespmem:$0x1FEF0];
	v44 =	vmul.f32 v57, v1  }
0x104: {  	v48 =	vld [tilespmem:$0x1FF10];
	[tilespmem:s11+$0xFFFFFF80] =	vst v37;
	vm2 =	vmor vm2, vm3;
	v18 =	vadd.s32 v18, v23;
	v47 =	vmul.f32 v59, v1  }
0x105: {  	v45 =	vld [tilespmem:s14+$0x110];
	vm1 =	vge.f32 v54, v27;
	vm5 =	vle.f32 v54, v25;
	v44 =	vmul.f32 $8.000000000e+00, v44  }
0x106: {  	[tilespmem:s11+$0x0] =	vst v61;
	v49 =	vld [tilespmem:s15+$0x10];
	vm6 =	vge.f32 v53, v24;
	vm7 =	vle.f32 v53, v28;
	v60 =	vmul.f32 $8.000000000e+00, v47  }
0x107: {  	v29 =	vld [tilespmem:s14+$0x110];
	vm1 =	vmor vm1, vm5;
	vm5 =	vmor vm6, vm7;
	v44 =	vtrunc.f32 v44  }
0x108: {  	vm0 =	vnez.u8 v7;
	v7 =	vld [tilespmem:$0x1FF00];
	v42 =	vtrunc.f32 v60;
	v44 =	vcvt.f32.s32 v44  }
0x109: {  	[tilespmem:s11+$0xFFFFFF00] =	vst v36;
	v54 =	vld [tilespmem:s15+$0x10];
	vm6 =	veq.s32 v26, v3;
	vm1 =	vmor vm1, vm5;
	v42 =	vcvt.f32.s32 v42  }
0x10a: {  	vm5 =	vle.f32 v16, v5;
	v16 =	vcvt.f32.s32 v30;
	v30 =	vld [tilespmem:s15+$0x10];
	v44 =	vshll.u32 v44, $0x3  }
0x10b: {  	v52 =	vld [tilespmem:$0x1FFE0];
	v8 =	vmovc v35;
	vm1 =	vmor vm6, vm1;
	vm11 =	vmor vm4, vm5;
	v42 =	vadd.s32 v42, v44  }
0x10c: {  	v6 =	vmovc v40;
	v9 =	vmovc v38;
	v55 =	vsub.f32 v19, v45;
	v61 =	vsub.f32 v49, v8;
	v44 =	vld [tilespmem:s14+$0x110];
	v42 =	vsel vm1, $0xFFFFFFFF, v42  }
0x10d: {  	v5 =	vmovc v34;
	vm13 =	vge.f32 v49, v9;
	v56 =	vsub.f32 v17, v29;
	vm1 =	vnez.u8 v7;
	[tilespmem:s11+$0xA0] =	vst v42  }
0x10e: {  	vm9 =	vge.f32 v54, v6;
	vm15 =	vle.f32 v54, v5;
	vm0 =	vmor vm0, vm1;
	v62 =	vld [tilespmem:s14+$0x130]  }
0x10f: {  	v57 =	vsub.f32 v30, v10;
	v63 =	vld [tilespmem:s15+$0x30];
	v47 =	vsel vm0, $0xFFFFFFFF, v46;
	vm0 =	vnez.u8 v48  }
0x110: {  	vm1 =	vnez.u8 v52;
	vm14 =	vmor vm0, vm14;
	vm0 =	vnez.u8 v51  }
0x111: {  	v7 =	vmovc v39;
	vm10 =	vmor vm0, vm1;
	v53 =	vsub.f32 v20, v44;
	vm3 =	vge.f32 v44, v20  }
0x112: {  	vm4 =	vle.f32 v44, v21;
	vm1 =	vge.f32 v29, v17;
	vm0 =	vle.f32 v29, v7  }
0x113: {  	vm12 =	vle.f32 v30, v10;
	vm3 =	vmor vm3, vm4;
	vm0 =	vmor vm1, vm0  }
0x114: {  	v39 =	vmul.f32 v53, v1;
	v31 =	vsub.f32 v24, v62;
	v50 =	vsub.f32 v63, v25  }
0x115: {  	vm5 =	vge.f32 v63, v27;
	vm6 =	vle.f32 v63, v25;
	vm7 =	vge.f32 v62, v24  }
0x116: {  	vm8 =	vle.f32 v62, v28;
	v62 =	vmul.f32 v55, v1;
	v63 =	vsub.f32 v54, v5  }
0x117: {  	v28 =	vmul.f32 v57, v1;
	vm5 =	vmor vm5, vm6;
	vm6 =	vmor vm7, vm8  }
0x118: {  	vm7 =	veq.s32 v26, v4;
	v38 =	vmul.f32 $8.000000000e+00, v39;
	v31 =	vmul.f32 v31, v1  }
0x119: {  	vm8 =	vle.f32 v45, v22;
	v36 =	vmul.f32 v50, v1;
	v37 =	vmul.f32 v63, v1  }
0x11a: {  	vm5 =	vmor vm5, vm6;
	v28 =	vmul.f32 $8.000000000e+00, v28;
	v27 =	vtrunc.f32 v38  }
0x11b: {  	vm6 =	vle.f32 v49, v8;
	v31 =	vmul.f32 $8.000000000e+00, v31;
	v36 =	vmul.f32 $8.000000000e+00, v36  }
0x11c: {  	vm5 =	vmor vm7, vm5;
	v26 =	vmul.f32 $8.000000000e+00, v37;
	v28 =	vtrunc.f32 v28  }
0x11d: {  	vm7 =	vge.f32 v45, v19;
	v27 =	vcvt.f32.s32 v27;
	v28 =	vcvt.f32.s32 v28  }
0x11e: {  	vm4 =	vmor vm13, vm6;
	v58 =	vtrunc.f32 v31;
	v59 =	vtrunc.f32 v36  }
0x11f: {  	vm6 =	vmor vm7, vm8;
	v31 =	vmul.f32 v56, v1;
	v60 =	vcvt.f32.s32 v58  }
0x120: {  	vm7 =	vmor vm9, vm15;
	v36 =	vmul.f32 v61, v1;
	v24 =	vcvt.f32.s32 v59  }
0x121: {  	v26 =	vtrunc.f32 v26;
	v27 =	vshll.u32 v27, $0x3;
	v25 =	vshll.u32 v60, $0x3  }
0x122: {  	v27 =	vadd.s32 v28, v27;
	v28 =	vld [tilespmem:$0x1FF60];
	v24 =	vadd.s32 v24, v25;
	v25 =	vmul.f32 $8.000000000e+00, v62  }
0x123: {  	v24 =	vsel vm5, $0xFFFFFFFF, v24;
	vm5 =	vge.f32 v30, v14;
	v30 =	vmul.f32 $8.000000000e+00, v31  }
0x124: {  	v41 =	vld [tilespmem:$0x1FF90];
	vm0 =	vmor vm7, vm0;
	v26 =	vcvt.f32.s32 v26;
	[tilespmem:s11+$0xB0] =	vst v24;
	v24 =	vmul.f32 $8.000000000e+00, v36  }
0x125: {  	v42 =	vld [tilespmem:$0x1FFC0];
	v25 =	vtrunc.f32 v25;
	vm5 =	vmor vm5, vm12;
	v30 =	vtrunc.f32 v30  }
0x126: {  	v43 =	vld [tilespmem:$0x1FFF0];
	v25 =	vcvt.f32.s32 v25;
	vm1 =	vmor vm5, vm3;
	vm3 =	vmor vm4, vm6  }
0x127: {  	[tilespmem:$0x1FF30] =	vst v47;
	v44 =	vld [tilespmem:$0x1FF20];
	vm4 =	vnez.u8 v28;
	v30 =	vcvt.f32.s32 v30;
	v24 =	vtrunc.f32 v24  }
0x128: {  	v48 =	vld [tilespmem:$0x1FF30];
	vm1 =	vmor vm4, vm1;
	v24 =	vcvt.f32.s32 v24;
	v25 =	vshll.u32 v25, $0x3  }
0x129: {  	v50 =	vld [tilespmem:$0x1FF50];
	v40 =	vsel vm1, $0xFFFFFFFF, v27;
	vm1 =	vnez.u8 v41;
	v29 =	vshll.u32 v30, $0x3  }
0x12a: {  	v51 =	vld [tilespmem:$0x1FF70];
	vm1 =	vmor vm1, vm3;
	vm3 =	vnez.u8 v42;
	v24 =	vadd.s32 v24, v25  }
0x12b: {  	v52 =	vld [tilespmem:$0x1FF80];
	[tilespmem:s11+$0xFFFFFF10] =	vst v40;
	v39 =	vadd.s32 v26, v29;
	vm0 =	vmor vm3, vm0;
	v24 =	vsel vm1, $0xFFFFFFFF, v24  }
0x12c: {  	v45 =	vld [tilespmem:s14+$0x120];
	v25 =	vsel vm0, $0xFFFFFFFF, v39;
	vm0 =	vnez.u8 v43;
	vm1 =	vnez.u8 v44  }
0x12d: {  	v46 =	vshll.u32 v32, $0x3;
	vm0 =	vmor vm0, vm1;
	vm1 =	vnez.u8 v48  }
0x12e: {  	v47 =	vshll.u32 v33, $0x3;
	v23 =	vld [tilespmem:s15+$0x20];
	vm3 =	vnez.u8 v50;
	[tilespmem:s11+$0xFFFFFF90] =	vst v24;
	vm1 =	vmor vm1, vm14  }
0x12f: {  	vm2 =	vmor vm2, vm10;
	v28 =	vld [tilespmem:s14+$0x120];
	vm1 =	vmor vm3, vm1;
	vm3 =	vnez.u8 v51  }
0x130: {  	v15 =	vadd.s32 v15, v46;
	vm0 =	vmor vm11, vm0;
	v53 =	vld [tilespmem:s15+$0x20];
	vm2 =	vmor vm3, vm2  }
0x131: {  	[tilespmem:s11+$0x10] =	vst v25;
	vm3 =	vnez.u8 v52;
	v18 =	vsel vm1, $0xFFFFFFFF, v18;
	v54 =	vsub.f32 v20, v45  }
0x132: {  	v16 =	vadd.s32 v16, v47;
	vm0 =	vmor vm3, vm0;
	v15 =	vsel vm2, $0xFFFFFFFF, v15;
	[tilespmem:s13+$0xFFFFFF30] =	vst v18  }
0x133: {  	v49 =	vld [tilespmem:s14+$0x120];
	v16 =	vsel vm0, $0xFFFFFFFF, v16;
	[tilespmem:s13+$0xFFFFFFB0] =	vst v15;
	v15 =	vmul.f32 v54, v1  }
0x134: {  	v55 =	vld [tilespmem:s15+$0x20];
	v18 =	vsub.f32 v19, v28;
	vm0 =	vge.f32 v28, v19;
	[tilespmem:s13+$0x30] =	vst v16;
	v16 =	vsub.f32 v23, v10  }
0x135: {  	vm2 =	vle.f32 v28, v22;
	v28 =	vsub.f32 v53, v8;
	v15 =	vmul.f32 $8.000000000e+00, v15  }
0x136: {  	vm5 =	vge.f32 v23, v14;
	v18 =	vmul.f32 v18, v1;
	v16 =	vmul.f32 v16, v1  }
0x137: {  	vm6 =	vle.f32 v23, v10;
	v23 =	vmul.f32 v28, v1;
	v15 =	vtrunc.f32 v15  }
0x138: {  	v18 =	vmul.f32 $8.000000000e+00, v18;
	v16 =	vmul.f32 $8.000000000e+00, v16  }
0x139: {  	v23 =	vmul.f32 $8.000000000e+00, v23;
	v15 =	vcvt.f32.s32 v15  }
0x13a: {  	v18 =	vtrunc.f32 v18;
	v16 =	vtrunc.f32 v16  }
0x13b: {  	v23 =	vtrunc.f32 v23;
	v18 =	vcvt.f32.s32 v18  }
0x13c: {  	v16 =	vcvt.f32.s32 v16;
	v23 =	vcvt.f32.s32 v23  }
0x13d: {  	v15 =	vshll.u32 v15, $0x3;
	v18 =	vshll.u32 v18, $0x3  }
0x13e: {  	v15 =	vadd.s32 v16, v15;
	v16 =	vadd.s32 v23, v18;
	v23 =	vld [tilespmem:$0x1FF40];
	_ =	sdelay $0x1  }
0x13f: {  	vm1 =	vge.f32 v45, v20  }
0x140: {  	vm3 =	vle.f32 v45, v21;
	vm7 =	vge.f32 v53, v9;
	vm8 =	vle.f32 v53, v8  }
0x141: {  	vm1 =	vmor vm1, vm3;
	vm3 =	vmor vm7, vm8;
	vm0 =	vmor vm0, vm2  }
0x142: {  	v56 =	vsub.f32 v17, v49;
	vm0 =	vmor vm3, vm0;
	vm3 =	vnez.u8 v23;
	v23 =	vld [tilespmem:$0x1FFA0]  }
0x143: {  	v61 =	vimm.s32 $0x0;
	v29 =	vsub.f32 v55, v5  }
0x144: {  	v62 =	vimm.s32 $0x0;
	vm5 =	vmor vm5, vm6;
	v27 =	vmul.f32 v56, v1  }
0x145: {  	vm4 =	vge.f32 v49, v17;
	vm9 =	vge.f32 v55, v6;
	v28 =	vmul.f32 v29, v1  }
0x146: {  	vm10 =	vle.f32 v55, v5;
	vm1 =	vmor vm5, vm1;
	v27 =	vmul.f32 $8.000000000e+00, v27  }
0x147: {  	v57 =	vmul.f32 $8.000000000e+00, v28;
	vm1 =	vmor vm3, vm1;
	vm3 =	vnez.u8 v23;
	v23 =	vld [tilespmem:$0x1FFB0]  }
0x148: {  	vm11 =	vle.f32 v49, v7;
	vm2 =	vmor vm9, vm10;
	v27 =	vtrunc.f32 v27  }
0x149: {  	vm4 =	vmor vm4, vm11;
	v24 =	vtrunc.f32 v57;
	v58 =	vcvt.f32.s32 v27  }
0x14a: {  	vm2 =	vmor vm2, vm4;
	v24 =	vcvt.f32.s32 v24;
	vm0 =	vmor vm3, vm0  }
0x14b: {  	v59 =	vshll.u32 v58, $0x3;
	v15 =	vsel vm1, $0xFFFFFFFF, v15;
	v16 =	vsel vm0, $0xFFFFFFFF, v16  }
0x14c: {  	s4 =	sadd.s32 $0x1, s1;
	[tilespmem:s11+$0xFFFFFF20] =	vst v15;
	vm0 =	veq.s32 v12, v4;
	vm3 =	vnez.u8 v23;
	v23 =	vmov s1  }
0x14d: {  	v18 =	vadd.s32 v24, v59;
	v15 =	vsel vm0, $0xFFFFFFFF, v61;
	[tilespmem:s11+$0xFFFFFFA0] =	vst v16;
	v16 =	vmov s4;
	v12 =	vmovc v23  }
0x14e: {  	[tilespmem:$0x1FF50] =	vst v15;
	v15 =	vimm.s32 $0x0;
	vm2 =	vmor vm3, vm2;
	vm0 =	veq.s32 v12, v2  }
0x14f: {  	v18 =	vsel vm2, $0xFFFFFFFF, v18;
	v15 =	vsel vm0, $0xFFFFFFFF, v15;
	vm0 =	veq.s32 v13, v4  }
0x150: {  	[tilespmem:s11+$0x20] =	vst v18;
	v13 =	vmovc v16;
	v18 =	vsel vm0, $0xFFFFFFFF, v62;
	vm0 =	veq.s32 v11, v4;
	v11 =	vimm.s32 $0x0  }
0x151: {  	v16 =	vimm.s32 $0x0;
	v11 =	vsel vm0, $0xFFFFFFFF, v11;
	vm0 =	veq.s32 v13, v2  }
0x152: {  	vm11 =	veq.s32 v23, v3;
	v23 =	vld [tilespmem:s14+$0x130];
	[tilespmem:$0x1FF60] =	vst v15;
	v16 =	vsel vm0, $0xFFFFFFFF, v16  }
0x153: {  	s4 =	sadd.s32 $0x2, s1;
	vm0 =	veq.s32 v13, v3;
	[tilespmem:$0x1FF90] =	vst v16;
	v16 =	vimm.s32 $0x0  }
0x154: {  	v60 =	vld [tilespmem:s14+$0x130];
	[tilespmem:$0x1FF80] =	vst v11;
	v11 =	vmov s4;
	v16 =	vsel vm0, $0xFFFFFFFF, v16  }
0x155: {  	v15 =	vld [tilespmem:s14+$0x130];
	vm0 =	veq.s32 v11, v3;
	[tilespmem:$0x1FFA0] =	vst v16;
	v16 =	vimm.s32 $0x0  }
0x156: {  	v16 =	vsel vm0, $0xFFFFFFFF, v16  }
0x157: {  	v32 =	vsub.f32 v19, v23;
	vm1 =	veq.s32 v11, v2;
	[tilespmem:$0x1FFB0] =	vst v16;
	v16 =	vimm.s32 $0x0  }
0x158: {  	p1 =	slt.u32 s1, $0x3C;
	v16 =	vsel vm1, $0xFFFFFFFF, v16;
	vm1 =	vge.f32 v23, v19;
	v19 =	vimm.s32 $0x0  }
.Ltmp0:
0x159: {  	v63 =	vsub.f32 v20, v60;
	vm8 =	vge.f32 v60, v20;
	[tilespmem:$0x1FF70] =	vst v18;
	v19 =	vsel vm1, $0xFFFFFFFF, v19;
	(pc) =	sbr.rel @p1 .LBB2_3-.Ltmp0, $4  }
0x15a: {  	v30 =	vld [tilespmem:s15+$0x30];
	v33 =	vsub.f32 v17, v15;
	vm1 =	vle.f32 v23, v22;
	[tilespmem:$0x1FFD0] =	vst v19;
	v19 =	vimm.s32 $0x0  }
0x15b: {  	v18 =	vld [tilespmem:s15+$0x30];
	[tilespmem:$0x1FFC0] =	vst v16;
	v19 =	vsel vm1, $0xFFFFFFFF, v19;
	vm1 =	vge.f32 v15, v17;
	v17 =	vimm.s32 $0x0  }
0x15c: {  	s17 =	smov.u32 s1;
	s18 =	sadd.s32 $0x200, s18;
	vm14 =	vle.f32 v60, v21;
	v34 =	vmul.f32 v63, v1;
	v16 =	vld [tilespmem:s15+$0x30];
	[tilespmem:$0x1FFE0] =	vst v19;
	v17 =	vsel vm1, $0xFFFFFFFF, v17  }
0x15d: {  	s2 =	sadd.s32 $0x200, s2;
	s13 =	smov.u32 s11;
	s1 =	sadd.s32 $0x4, s1;
	vm15 =	veq.s32 v12, v0;
	vm13 =	veq.s32 v11, v0;
	vm0 =	veq.s32 v13, v0;
	v22 =	vld [tilespmem:s18+$0x80];
	[tilespmem:$0x1FFF0] =	vst v17  }
0x15e: {  	v17 =	vld [tilespmem:s2+$0x80]  }
0x15f: {  	v39 =	vld [tilespmem:s12+$0x0]  }
0x160: {  	v40 =	vld [tilespmem:s15+$0x0];
	_ =	sdelay $0x1  }
0x161: {  	v36 =	vadd.f32 $1.000000000e+00, v22  }
0x162: {  	v35 =	vadd.f32 $-1.000000000e+00, v17  }
0x163: {  	v51 =	vld [tilespmem:s18+$0xFFFFFF80];
	v19 =	vsub.f32 v36, v39  }
0x164: {  	v20 =	vsub.f32 v40, v35  }
0x165: {  	s1 =	sadd.s32 $0x3, s17;
	v19 =	vmul.f32 v19, v1  }
0x166: {  	v31 =	vmov s1;
	v20 =	vmul.f32 v20, v1  }
0x167: {  	v37 =	vadd.f32 $-1.000000000e+00, v22;
	v38 =	vadd.f32 $1.000000000e+00, v17;
	v44 =	vmul.f32 $8.000000000e+00, v19  }
0x168: {  	v28 =	vadd.f32 $1.000000000e+00, v51;
	vm6 =	vge.f32 v39, v36;
	v45 =	vmul.f32 $8.000000000e+00, v20  }
0x169: {  	vm3 =	vle.f32 v39, v37;
	vm1 =	vge.f32 v40, v38;
	v17 =	vtrunc.f32 v44  }
0x16a: {  	vm2 =	vle.f32 v40, v35;
	v19 =	vtrunc.f32 v45;
	v17 =	vcvt.f32.s32 v17  }
0x16b: {  	vm1 =	vmor vm1, vm2;
	vm2 =	vmor vm6, vm3;
	v19 =	vcvt.f32.s32 v19  }
0x16c: {  	vm7 =	veq.s32 v31, v0;
	vm1 =	vmor vm1, vm2;
	v17 =	vshll.u32 v17, $0x3  }
0x16d: {  	v43 =	vsub.f32 v28, v39;
	vm1 =	vmor vm7, vm1;
	v17 =	vadd.s32 v19, v17  }
0x16e: {  	s17 =	sadd.s32 $0x200, s11;
	v17 =	vsel vm1, $0xFFFFFFFF, v17  }
0x16f: {  	v26 =	vld [tilespmem:s18+$0x0];
	v43 =	vmul.f32 v43, v1;
	[tilespmem:s17+$0x80] =	vst v17  }
0x170: {  	v17 =	vld [tilespmem:s14+$0x110]  }
0x171: {  	v43 =	vmul.f32 $8.000000000e+00, v43;
	v46 =	vld [tilespmem:s15+$0x10];
	_ =	sdelay $0x1  }
0x172: {  	v48 =	vld [tilespmem:s2+$0xFFFFFF00];
	v43 =	vtrunc.f32 v43  }
0x173: {  	v22 =	vadd.f32 $1.000000000e+00, v26;
	v43 =	vcvt.f32.s32 v43  }
0x174: {  	vm5 =	veq.s32 v31, v2;
	v29 =	vadd.f32 $-1.000000000e+00, v51;
	v26 =	vadd.f32 $-1.000000000e+00, v26  }
0x175: {  	v56 =	vshll.u32 v43, $0x3;
	v47 =	vsub.f32 v36, v17;
	v21 =	vsub.f32 v46, v35  }
0x176: {  	vm9 =	vge.f32 v46, v38;
	vm10 =	vle.f32 v46, v35;
	vm12 =	vge.f32 v17, v36  }
0x177: {  	vm4 =	vle.f32 v17, v37;
	v17 =	vadd.f32 $-1.000000000e+00, v48;
	vm1 =	vmor vm9, vm10  }
0x178: {  	v27 =	vld [tilespmem:s2+$0x0];
	vm4 =	vmor vm12, vm4;
	v20 =	vmul.f32 v47, v1;
	v21 =	vmul.f32 v21, v1  }
0x179: {  	v23 =	vld [tilespmem:s18+$0xFFFFFF00];
	vm1 =	vmor vm1, vm4;
	vm6 =	vle.f32 v40, v17;
	v45 =	vsub.f32 v40, v17  }
0x17a: {  	vm1 =	vmor vm5, vm1;
	v20 =	vmul.f32 $8.000000000e+00, v20;
	v49 =	vmul.f32 $8.000000000e+00, v21  }
0x17b: {  	vm5 =	vle.f32 v39, v29;
	v21 =	vadd.f32 $1.000000000e+00, v48;
	v45 =	vmul.f32 v45, v1  }
0x17c: {  	v48 =	vsub.f32 v18, v8;
	v50 =	vtrunc.f32 v20;
	v24 =	vtrunc.f32 v49  }
0x17d: {  	vm7 =	vge.f32 v40, v21;
	v20 =	vadd.f32 $-1.000000000e+00, v27;
	v19 =	vcvt.f32.s32 v50  }
0x17e: {  	v25 =	vld [tilespmem:s2+$0xFFFFFF80];
	v52 =	vcvt.f32.s32 v24;
	v24 =	vadd.f32 $1.000000000e+00, v23;
	v23 =	vadd.f32 $-1.000000000e+00, v23  }
0x17f: {  	v27 =	vadd.f32 $1.000000000e+00, v27;
	v53 =	vmul.f32 $8.000000000e+00, v45;
	v49 =	vmul.f32 v33, v1  }
0x180: {  	v19 =	vshll.u32 v19, $0x3;
	vm9 =	vge.f32 v39, v24;
	vm10 =	vle.f32 v39, v23  }
0x181: {  	v42 =	vsub.f32 v24, v39;
	v19 =	vadd.s32 v52, v19;
	vm2 =	vmor vm9, vm10  }
0x182: {  	vm10 =	vge.f32 v39, v28;
	v41 =	vsel vm1, $0xFFFFFFFF, v19;
	vm1 =	vmor vm7, vm6  }
0x183: {  	v19 =	vadd.f32 $-1.000000000e+00, v25;
	v25 =	vadd.f32 $1.000000000e+00, v25;
	vm5 =	vmor vm10, vm5  }
0x184: {  	vm6 =	vle.f32 v40, v20;
	vm7 =	vle.f32 v39, v26;
	v42 =	vmul.f32 v42, v1  }
0x185: {  	vm3 =	vmor vm1, vm2;
	vm12 =	vge.f32 v40, v25;
	vm9 =	vle.f32 v40, v19  }
0x186: {  	v46 =	vsub.f32 v40, v19;
	v42 =	vmul.f32 $8.000000000e+00, v42;
	vm3 =	vmor vm15, vm3  }
0x187: {  	[tilespmem:s17+$0x90] =	vst v41;
	vm4 =	vmor vm12, vm9;
	vm12 =	vge.f32 v40, v27;
	vm9 =	vge.f32 v39, v22  }
0x188: {  	v41 =	vld [tilespmem:s15+$0x20];
	v39 =	vsub.f32 v22, v39;
	v40 =	vsub.f32 v40, v20;
	vm6 =	vmor vm12, vm6  }
0x189: {  	v44 =	vld [tilespmem:s14+$0x120];
	vm7 =	vmor vm9, vm7;
	vm1 =	vmor vm4, vm5;
	v46 =	vmul.f32 v46, v1  }
0x18a: {  	v42 =	vtrunc.f32 v42;
	vm4 =	vmor vm6, vm7;
	v39 =	vmul.f32 v39, v1  }
0x18b: {  	v40 =	vmul.f32 v40, v1;
	vm0 =	vmor vm0, vm1;
	v42 =	vcvt.f32.s32 v42  }
0x18c: {  	vm6 =	vge.f32 v30, v14;
	vm7 =	vle.f32 v30, v10;
	vm1 =	vmor vm8, vm14  }
0x18d: {  	vm14 =	vle.f32 v18, v8;
	v8 =	vmul.f32 v48, v1;
	v54 =	vmul.f32 $8.000000000e+00, v46  }
0x18e: {  	vm10 =	vge.f32 v41, v38;
	vm12 =	vle.f32 v41, v35;
	v47 =	vsub.f32 v36, v44  }
0x18f: {  	v39 =	vmul.f32 $8.000000000e+00, v39;
	v41 =	vsub.f32 v41, v35;
	vm9 =	vge.f32 v44, v36  }
0x190: {  	v40 =	vmul.f32 $8.000000000e+00, v40;
	v8 =	vmul.f32 $8.000000000e+00, v8;
	vm2 =	vmor vm10, vm12  }
0x191: {  	vm10 =	vle.f32 v44, v37;
	v44 =	vtrunc.f32 v53;
	v45 =	vtrunc.f32 v54  }
0x192: {  	v42 =	vshll.u32 v42, $0x3;
	v47 =	vmul.f32 v47, v1;
	v41 =	vmul.f32 v41, v1  }
0x193: {  	vm12 =	veq.s32 v31, v3;
	v39 =	vtrunc.f32 v39;
	v44 =	vcvt.f32.s32 v44  }
0x194: {  	vm5 =	vmor vm9, vm10;
	v45 =	vcvt.f32.s32 v45;
	v40 =	vtrunc.f32 v40  }
0x195: {  	v8 =	vtrunc.f32 v8;
	vm2 =	vmor vm2, vm5;
	v39 =	vcvt.f32.s32 v39  }
0x196: {  	v40 =	vcvt.f32.s32 v40;
	v55 =	vmul.f32 $8.000000000e+00, v47;
	v42 =	vadd.s32 v44, v42  }
0x197: {  	vm5 =	vmor vm13, vm4;
	v41 =	vmul.f32 $8.000000000e+00, v41;
	v42 =	vsel vm3, $0xFFFFFFFF, v42  }
0x198: {  	vm13 =	vge.f32 v18, v9;
	v18 =	vmul.f32 $8.000000000e+00, v49;
	v46 =	vtrunc.f32 v55;
	[tilespmem:s17+$0xFFFFFF00] =	vst v42  }
0x199: {  	v39 =	vshll.u32 v39, $0x3;
	v41 =	vtrunc.f32 v41;
	v46 =	vcvt.f32.s32 v46;
	v60 =	vld [tilespmem:s14+$0x110]  }
0x19a: {  	v18 =	vtrunc.f32 v18;
	v59 =	vadd.s32 v40, v39;
	v41 =	vcvt.f32.s32 v41;
	v61 =	vld [tilespmem:s15+$0x10]  }
0x19b: {  	v18 =	vcvt.f32.s32 v18;
	v14 =	vsel vm5, $0xFFFFFFFF, v59;
	v46 =	vshll.u32 v46, $0x3  }
0x19c: {  	v8 =	vcvt.f32.s32 v8;
	vm2 =	vmor vm12, vm2;
	[tilespmem:s17+$0x0] =	vst v14;
	v41 =	vadd.s32 v41, v46  }
0x19d: {  	v47 =	vmul.f32 $8.000000000e+00, v34;
	v18 =	vshll.u32 v18, $0x3;
	v42 =	vld [tilespmem:s14+$0x110];
	v41 =	vsel vm2, $0xFFFFFFFF, v41  }
0x19e: {  	v46 =	vmul.f32 v32, v1;
	vm2 =	vmor vm13, vm14;
	[tilespmem:s17+$0xA0] =	vst v41;
	v41 =	vadd.s32 v45, v56  }
0x19f: {  	vm15 =	vge.f32 v60, v24;
	vm13 =	vle.f32 v61, v17;
	v45 =	vsub.f32 v30, v10;
	v57 =	vld [tilespmem:s15+$0x30]  }
0x1a0: {  	v30 =	vmul.f32 $8.000000000e+00, v46;
	v50 =	vsub.f32 v24, v60;
	v52 =	vsub.f32 v61, v17;
	v58 =	vld [tilespmem:s14+$0x130]  }
0x1a1: {  	v41 =	vsel vm0, $0xFFFFFFFF, v41;
	vm0 =	vmor vm6, vm7;
	v10 =	vmul.f32 v45, v1  }
0x1a2: {  	v63 =	vld [tilespmem:s15+$0x10];
	v33 =	vmul.f32 v50, v1;
	v9 =	vsub.f32 v22, v42;
	v30 =	vtrunc.f32 v30  }
0x1a3: {  	vm1 =	vmor vm0, vm1;
	v30 =	vcvt.f32.s32 v30;
	v10 =	vmul.f32 $8.000000000e+00, v10  }
0x1a4: {  	v33 =	vmul.f32 $8.000000000e+00, v33;
	v9 =	vmul.f32 v9, v1;
	vm8 =	vge.f32 v57, v38  }
0x1a5: {  	[tilespmem:s17+$0xFFFFFF80] =	vst v41;
	vm9 =	vle.f32 v57, v35;
	vm10 =	vge.f32 v58, v36;
	vm12 =	vle.f32 v58, v37  }
0x1a6: {  	v41 =	vld [tilespmem:s15+$0x10];
	v51 =	vsub.f32 v36, v58;
	v35 =	vsub.f32 v57, v35;
	v36 =	vmul.f32 v52, v1  }
0x1a7: {  	v62 =	vld [tilespmem:s14+$0x110];
	v33 =	vtrunc.f32 v33;
	v37 =	vsub.f32 v63, v20;
	v58 =	vsub.f32 v16, v5  }
0x1a8: {  	v9 =	vmul.f32 $8.000000000e+00, v9;
	v10 =	vtrunc.f32 v10;
	vm3 =	vmor vm8, vm9  }
0x1a9: {  	vm4 =	vmor vm10, vm12;
	vm9 =	vle.f32 v60, v23;
	vm10 =	vge.f32 v61, v21  }
0x1aa: {  	v33 =	vcvt.f32.s32 v33;
	v10 =	vcvt.f32.s32 v10;
	vm12 =	vmor vm3, vm4  }
0x1ab: {  	vm5 =	vmor vm10, vm13;
	vm3 =	vmor vm15, vm9;
	vm4 =	vge.f32 v41, v25  }
0x1ac: {  	vm14 =	vle.f32 v41, v19;
	vm15 =	vge.f32 v62, v28;
	vm13 =	vle.f32 v62, v29  }
0x1ad: {  	vm9 =	vge.f32 v42, v22;
	vm10 =	vle.f32 v42, v26;
	v34 =	vmul.f32 v51, v1  }
0x1ae: {  	v56 =	vld [tilespmem:$0x1FF90];
	v14 =	vsub.f32 v28, v62;
	v35 =	vmul.f32 v35, v1;
	v36 =	vmul.f32 $8.000000000e+00, v36  }
0x1af: {  	v53 =	vsub.f32 v41, v19;
	v55 =	vmul.f32 v37, v1;
	v9 =	vtrunc.f32 v9  }
0x1b0: {  	v54 =	vld [tilespmem:$0x1FF60];
	v40 =	vmul.f32 v58, v1;
	v41 =	vtrunc.f32 v47;
	vm4 =	vmor vm4, vm14  }
0x1b1: {  	vm6 =	vmor vm15, vm13;
	vm14 =	vge.f32 v63, v27;
	vm15 =	vle.f32 v63, v20  }
0x1b2: {  	vm13 =	vmor vm9, vm10;
	vm5 =	vmor vm5, vm3;
	v33 =	vshll.u32 v33, $0x3  }
0x1b3: {  	vm9 =	vnez.u8 v56;
	v9 =	vcvt.f32.s32 v9;
	v34 =	vmul.f32 $8.000000000e+00, v34  }
0x1b4: {  	vm7 =	vmor vm14, vm15;
	v14 =	vmul.f32 v14, v1;
	v36 =	vtrunc.f32 v36  }
0x1b5: {  	vm15 =	vnez.u8 v54;
	v38 =	vmul.f32 v53, v1;
	v36 =	vcvt.f32.s32 v36  }
0x1b6: {  	v35 =	vmul.f32 $8.000000000e+00, v35;
	vm14 =	vmor vm7, vm13;
	vm5 =	vmor vm15, vm5  }
0x1b7: {  	vm13 =	veq.s32 v31, v4;
	v14 =	vmul.f32 $8.000000000e+00, v14;
	v33 =	vadd.s32 v36, v33  }
0x1b8: {  	v31 =	vcvt.f32.s32 v41;
	v38 =	vmul.f32 $8.000000000e+00, v38;
	v33 =	vsel vm5, $0xFFFFFFFF, v33  }
0x1b9: {  	vm4 =	vmor vm4, vm6;
	v36 =	vmul.f32 $8.000000000e+00, v55;
	v14 =	vtrunc.f32 v14;
	[tilespmem:s17+$0xFFFFFF10] =	vst v33  }
0x1ba: {  	vm4 =	vmor vm9, vm4;
	v57 =	vtrunc.f32 v38;
	v14 =	vcvt.f32.s32 v14;
	v61 =	vld [tilespmem:$0x1FFC0]  }
0x1bb: {  	v9 =	vshll.u32 v9, $0x3;
	v37 =	vcvt.f32.s32 v57;
	v36 =	vtrunc.f32 v36;
	v62 =	vld [tilespmem:s14+$0x120]  }
0x1bc: {  	v34 =	vtrunc.f32 v34;
	v59 =	vcvt.f32.s32 v36;
	v36 =	vld [tilespmem:s15+$0x20];
	v14 =	vshll.u32 v14, $0x3  }
0x1bd: {  	v60 =	vcvt.f32.s32 v34;
	v46 =	vshll.u32 v31, $0x3;
	v14 =	vadd.s32 v37, v14  }
0x1be: {  	vm5 =	vle.f32 v16, v5;
	v10 =	vadd.s32 v10, v46;
	v14 =	vsel vm4, $0xFFFFFFFF, v14  }
0x1bf: {  	vm4 =	vge.f32 v16, v6;
	v6 =	vtrunc.f32 v35;
	vm10 =	vnez.u8 v61  }
0x1c0: {  	[tilespmem:s17+$0xFFFFFF90] =	vst v14;
	v5 =	vcvt.f32.s32 v6;
	v6 =	vadd.s32 v59, v9;
	vm3 =	vmor vm10, vm14  }
0x1c1: {  	v63 =	vld [tilespmem:s14+$0x120];
	v42 =	vsub.f32 v24, v62;
	v16 =	vsub.f32 v36, v17;
	v6 =	vsel vm3, $0xFFFFFFFF, v6  }
0x1c2: {  	v35 =	vshll.u32 v60, $0x3;
	vm14 =	vle.f32 v15, v7;
	v15 =	vmul.f32 $8.000000000e+00, v40;
	[tilespmem:s17+$0x10] =	vst v6  }
0x1c3: {  	vm4 =	vmor vm4, vm5;
	v32 =	vmul.f32 v42, v1;
	v16 =	vmul.f32 v16, v1;
	v7 =	vld [tilespmem:$0x1FFD0]  }
0x1c4: {  	v5 =	vadd.s32 v5, v35;
	vm3 =	vmor vm13, vm12;
	v15 =	vtrunc.f32 v15;
	v37 =	vld [tilespmem:$0x1FFF0]  }
0x1c5: {  	v5 =	vsel vm3, $0xFFFFFFFF, v5;
	v39 =	vld [tilespmem:s14+$0x120];
	v32 =	vmul.f32 $8.000000000e+00, v32;
	v16 =	vmul.f32 $8.000000000e+00, v16  }
0x1c6: {  	v6 =	vld [tilespmem:s15+$0x20];
	v45 =	vcvt.f32.s32 v15;
	vm5 =	vge.f32 v63, v28;
	v9 =	vsub.f32 v28, v63  }
0x1c7: {  	vm8 =	vle.f32 v63, v29;
	v32 =	vtrunc.f32 v32;
	v16 =	vtrunc.f32 v16  }
0x1c8: {  	vm5 =	vmor vm5, vm8;
	v9 =	vmul.f32 v9, v1;
	v32 =	vcvt.f32.s32 v32  }
0x1c9: {  	v16 =	vcvt.f32.s32 v16;
	vm15 =	vnez.u8 v7;
	v7 =	vld [tilespmem:$0x1FFE0];
	vm13 =	vnez.u8 v37  }
0x1ca: {  	v14 =	vsub.f32 v22, v39;
	v9 =	vmul.f32 $8.000000000e+00, v9;
	v32 =	vshll.u32 v32, $0x3  }
0x1cb: {  	vm3 =	vmor vm13, vm14;
	vm14 =	vge.f32 v36, v21;
	vm13 =	vle.f32 v6, v19  }
0x1cc: {  	v16 =	vadd.s32 v16, v32;
	vm0 =	vmor vm4, vm3;
	v14 =	vmul.f32 v14, v1  }
0x1cd: {  	vm3 =	vge.f32 v62, v24;
	vm4 =	vle.f32 v62, v23;
	v9 =	vtrunc.f32 v9  }
0x1ce: {  	v9 =	vcvt.f32.s32 v9;
	v14 =	vmul.f32 $8.000000000e+00, v14;
	vm12 =	vnez.u8 v7  }
0x1cf: {  	v7 =	vld [tilespmem:s15+$0x20];
	vm7 =	vmor vm15, vm12;
	vm12 =	vge.f32 v6, v25;
	v6 =	vsub.f32 v6, v19  }
0x1d0: {  	vm3 =	vmor vm3, vm4;
	v9 =	vshll.u32 v9, $0x3;
	vm15 =	vle.f32 v36, v17  }
0x1d1: {  	v14 =	vtrunc.f32 v14;
	vm6 =	vmor vm14, vm15;
	v6 =	vmul.f32 v6, v1  }
0x1d2: {  	v43 =	vld [tilespmem:$0x1FFA0];
	vm2 =	vmor vm2, vm7;
	vm7 =	vmor vm12, vm13;
	vm3 =	vmor vm6, vm3  }
0x1d3: {  	vm12 =	vge.f32 v39, v22;
	vm6 =	vmor vm11, vm3;
	v6 =	vmul.f32 $8.000000000e+00, v6  }
0x1d4: {  	vm14 =	vge.f32 v7, v27;
	vm15 =	vle.f32 v7, v20;
	v7 =	vsub.f32 v7, v20  }
0x1d5: {  	v44 =	vld [tilespmem:$0x1FFB0];
	v14 =	vcvt.f32.s32 v14;
	v16 =	vsel vm6, $0xFFFFFFFF, v16;
	v6 =	vtrunc.f32 v6  }
0x1d6: {  	vm13 =	vle.f32 v39, v26;
	[tilespmem:s17+$0xFFFFFF20] =	vst v16;
	v7 =	vmul.f32 v7, v1;
	v6 =	vcvt.f32.s32 v6  }
0x1d7: {  	vm5 =	vmor vm7, vm5;
	vm4 =	vmor vm14, vm15;
	vm14 =	vnez.u8 v43;
	v16 =	vld [tilespmem:s14+$0x130]  }
0x1d8: {  	vm5 =	vmor vm14, vm5;
	v48 =	vld [tilespmem:s15+$0x30];
	v7 =	vmul.f32 $8.000000000e+00, v7;
	v6 =	vadd.s32 v6, v9  }
0x1d9: {  	vm8 =	vmor vm12, vm13;
	v14 =	vshll.u32 v14, $0x3;
	v6 =	vsel vm5, $0xFFFFFFFF, v6  }
0x1da: {  	vm15 =	vnez.u8 v44;
	vm4 =	vmor vm4, vm8;
	v7 =	vtrunc.f32 v7;
	[tilespmem:s17+$0xFFFFFFA0] =	vst v6  }
0x1db: {  	vm3 =	vmor vm15, vm4;
	v9 =	vadd.s32 v45, v18;
	v7 =	vcvt.f32.s32 v7;
	v47 =	vld [tilespmem:s14+$0x130]  }
0x1dc: {  	v6 =	vshll.u32 v30, $0x3;
	v53 =	vsub.f32 v24, v16;
	vm9 =	vge.f32 v16, v24;
	v49 =	vld [tilespmem:$0x1FF50]  }
0x1dd: {  	vm10 =	vle.f32 v16, v23;
	v6 =	vadd.s32 v8, v6;
	v50 =	vld [tilespmem:$0x1FF70];
	v8 =	vsub.f32 v48, v17  }
0x1de: {  	vm13 =	vge.f32 v48, v21;
	vm14 =	vle.f32 v48, v17;
	v7 =	vadd.s32 v7, v14  }
0x1df: {  	v56 =	vmul.f32 v53, v1;
	v7 =	vsel vm3, $0xFFFFFFFF, v7;
	v8 =	vmul.f32 v8, v1  }
0x1e0: {  	vm4 =	vmor vm13, vm14;
	vm13 =	veq.s32 v12, v4;
	vm14 =	veq.s32 v13, v4;
	[tilespmem:s17+$0x20] =	vst v7;
	v7 =	vld [tilespmem:s15+$0x30]  }
0x1e1: {  	v14 =	vmul.f32 $8.000000000e+00, v56;
	v51 =	vld [tilespmem:$0x1FF80];
	v8 =	vmul.f32 $8.000000000e+00, v8;
	vm6 =	vnez.u8 v49  }
0x1e2: {  	v54 =	vld [tilespmem:s14+$0x130];
	vm7 =	vnez.u8 v50;
	v55 =	vsub.f32 v28, v47;
	vm11 =	vge.f32 v47, v28  }
0x1e3: {  	vm12 =	vle.f32 v47, v29;
	v14 =	vtrunc.f32 v14;
	vm1 =	vmor vm6, vm1  }
0x1e4: {  	v52 =	vld [tilespmem:s15+$0x30];
	vm2 =	vmor vm7, vm2;
	v14 =	vcvt.f32.s32 v14;
	v8 =	vtrunc.f32 v8  }
0x1e5: {  	v10 =	vsel vm1, $0xFFFFFFFF, v10;
	v6 =	vsel vm2, $0xFFFFFFFF, v6;
	vm2 =	vmor vm11, vm12  }
0x1e6: {  	v16 =	vmul.f32 v55, v1;
	v8 =	vcvt.f32.s32 v8;
	vm15 =	vge.f32 v7, v25  }
0x1e7: {  	v61 =	vshll.u32 v14, $0x3;
	vm8 =	vnez.u8 v51;
	vm11 =	vge.f32 v54, v22  }
0x1e8: {  	vm12 =	vle.f32 v54, v26;
	v57 =	vsub.f32 v22, v54;
	v16 =	vmul.f32 $8.000000000e+00, v16  }
0x1e9: {  	v15 =	vsub.f32 v52, v20;
	v8 =	vadd.s32 v8, v61;
	vm0 =	vmor vm8, vm0  }
0x1ea: {  	vm8 =	vle.f32 v7, v19;
	vm3 =	vmor vm11, vm12;
	v7 =	vsub.f32 v7, v19  }
0x1eb: {  	v9 =	vsel vm0, $0xFFFFFFFF, v9;
	vm0 =	vmor vm9, vm10;
	vm9 =	vge.f32 v52, v27  }
0x1ec: {  	vm5 =	vmor vm15, vm8;
	v58 =	vmul.f32 v57, v1;
	v15 =	vmul.f32 v15, v1  }
0x1ed: {  	vm10 =	vle.f32 v52, v20;
	v59 =	vtrunc.f32 v16;
	v7 =	vmul.f32 v7, v1  }
0x1ee: {  	vm15 =	veq.s32 v11, v4;
	vm1 =	vmor vm9, vm10;
	v17 =	vmul.f32 $8.000000000e+00, v58  }
0x1ef: {  	vm0 =	vmor vm4, vm0;
	v15 =	vmul.f32 $8.000000000e+00, v15;
	v7 =	vmul.f32 $8.000000000e+00, v7  }
0x1f0: {  	vm2 =	vmor vm5, vm2;
	v12 =	vcvt.f32.s32 v59;
	v60 =	vtrunc.f32 v17  }
0x1f1: {  	[tilespmem:s17+$0xB0] =	vst v5;
	vm1 =	vmor vm1, vm3;
	v62 =	vtrunc.f32 v15;
	v7 =	vtrunc.f32 v7  }
0x1f2: {  	[tilespmem:s13+$0xFFFFFF30] =	vst v10;
	vm0 =	vmor vm13, vm0;
	v5 =	vcvt.f32.s32 v60;
	v7 =	vcvt.f32.s32 v7  }
0x1f3: {  	[tilespmem:s13+$0xFFFFFFB0] =	vst v6;
	vm2 =	vmor vm14, vm2;
	v63 =	vshll.u32 v12, $0x3;
	v6 =	vcvt.f32.s32 v62  }
0x1f4: {  	[tilespmem:s13+$0x30] =	vst v9;
	v8 =	vsel vm0, $0xFFFFFFFF, v8;
	v5 =	vshll.u32 v5, $0x3;
	v7 =	vadd.s32 v7, v63  }
0x1f5: {  	vm0 =	vmor vm15, vm1;
	[tilespmem:s17+$0xFFFFFF30] =	vst v8;
	v5 =	vadd.s32 v6, v5;
	v7 =	vsel vm2, $0xFFFFFFFF, v7  }
0x1f6: {  	v5 =	vsel vm0, $0xFFFFFFFF, v5;
	[tilespmem:s17+$0xFFFFFFB0] =	vst v7  }
0x1f7: {  	p1 =	sne.s32 s0, s31;
	[tilespmem:s17+$0x30] =	vst v5  }
0x1f8: {  	p0 =	por p0, p1;
	_ =	strace $0x90000051  }
0x1f9: {  	s0 =	sshll.u32 @p0 s9, $0xA;
	_ =	strace @p0 $0x80000052  }
0x1fa: {  	p1 =	seq.s32 s30, $0x0;
	s0 =	sand.u32 @p0 $0x1FFFFC00, s0;
	s2 =	rddreg [dreg:$0x3]  }
0x1fb: {  	s1 =	sadd.s32 @p0 $0x9, s3;
	s0 =	sadd.s32 @p0 s2, s0;
	s2 =	simm.s32 @p0 $0x0  }
0x1fc: {  	[hbm4b:s0+s2] =	stream.linear.scatter @p0 [tilespmem:s10], [sflag:s1], $0x2000, $0x200038;
	[tilespmem:$0xC200] =	vst v63  }
0x1fd: {  	s0 =	sand.u32 @!p1 $0x1, s19;
	_ =	strace @p0 $0x90000052  }
0x1fe: {  	s0 =	sadd.s32 @!p1 $0x9, s0;
	_ =	strace @!p1 $0x80000053  }
0x1ff: {  	s1 =	simm.s32 $0x1;
	_ =	swait.ge @!p1 [sflag:s0], $0x2000  }
0x200: {  	s1 =	simm.s32 @!p0 $0x0;
	p0 =	sne.s32 s30, $0x0;
	[sflag:s0] =	ssyncset.done @!p1 $0x0  }
0x201: {  	s30 =	sadd.s32 $0x1, s30;
	[sflag:s0] =	ssyncadd.s32 @!p1 $0xFFFFE000;
	s0 =	simm.s32 $0x1  }
0x202: {  	s0 =	simm.s32 @!p0 $0x0;
	p0 =	sne.s32 s30, $0x8  }
.Ltmp1:
0x203: {  	_ = 	snop;
	(pc) =	sbr.rel @p0 .LBB2_2-.Ltmp1, $4  }
0x204: {  	_ = 	snop  }
0x205: {  	s22 =	sadd.s32 s22, s16;
	s20 =	sadd.s32 s1, s20;
	s28 =	sadd.s32 s1, s28  }
0x206: {  	s25 =	sadd.s32 s1, s25;
	s23 =	sadd.s32 s1, s23;
	s21 =	sadd.s32 s1, s21  }
0x207: {  	_ =	strace @!p1 $0x90000053;
	s19 =	sadd.s32 s0, s19;
	s0 =	smov.u32 s31  }
0x208: {  	_ =	strace $0x80000054;
	s0 =	simm.s32 $0xA  }
0x209: {  	_ =	swait.ge [sflag:s0], $0x2000  }
0x20a: {  	s1 =	rddreg [dreg:$0x9]  }
0x20b: {  	s31 =	rddreg [dreg:$0x8];
	s1 =	sadd.s32 $0x1, s1  }
0x20c: {  	p0 =	sne.s32 s1, s31  }
.Ltmp2:
0x20d: {  	_ = 	snop;
	(pc) =	sbr.rel @p0 .LBB2_1-.Ltmp2, $4  }
0x20e: {  	_ = 	snop  }
0x20f: {  	[sflag:s0] =	ssyncset.done $0x0  }
0x210: {  	[sflag:s0] =	ssyncadd.s32 $0xFFFFE000  }
0x211: {  	_ =	strace $0x90000054  }
0x212: {  	_ =	sfence.sel $0x180000  }
0x213: {  	[bflag:$0x0] =	sbarrier.arrive $0xFFFF  }
0x214: {  	_ =	strace $0x90000047  }
0x215: {  	s0 =	stileid.u32;
	[bflag:$0x2] =	sbarrier.arrive $0xFFFF  }
0x216: {  	p0 =	sne.s32 s0, $0x0;
	s0 =	rddreg [dreg:$0x2]  }
0x217: {  	s0 =	sadd.s32 @!p0 $0x100000, s0  }
0x218: {  	[sflag:s0] =	ssyncadd.tile.s32 @!p0 $0x1;
	_ =	shalt  }
.Lfunc_end2:
_tile_overlayer_lowered:
.L_overlay_start_2:
0x219: {  	(tag) =	ssettag $0x2  }
0x21a: {  	s0 =	rddreg [dreg:$0x0];
	s2 =	stileid.u32  }
0x21b: {  	s1 =	rddreg [dreg:$0x1];
	p0 =	sne.s32 s2, $0x0  }
0x21c: {  	s3 =	rddreg [dreg:$0x2];
	[bflag:$0x3] =	sbarrier.arrive $0xFFFF;
	s2 =	simm.s32 @!p0 $0x1C01  }
0x21d: {  	[timem:s3], [sflag:s2] =	dma.local @!p0 [hbm:s0], s1  }
0x21e: {  	s0 =	simm.s32 @!p0 $0x1  }
0x21f: {  	_ =	swait.ge @!p0 [sflag:s0], s1  }
0x220: {  	s1 =	ssub.s32 @!p0 $0x0, s1;
	[sflag:s0] =	ssyncset.done @!p0 $0x0  }
0x221: {  	[sflag:s0] =	ssyncadd.s32 @!p0 s1  }
0x222: {  	[bflag:$0x3] =	sbarrier.arrive $0xFFFF  }
0x223: {  	_ =	shalt  }

</sc_bundles>
